<compile_context>
chip_gen: v7x
topology: tpu7x:2x2x1
jax: 0.10.2.dev20260603
libtpu: 0.0.44.dev20260713+nightly
codegen_flags: <defaults>
</compile_context>

<pallas_src>
import functools

import jax
import jax.numpy as jnp
from jax import lax
from jax.experimental import pallas as pl
from jax.experimental.pallas import tpu as pltpu
from jax.experimental.pallas import tpu_sc as plsc

NC = 2
NS = 16
CHUNK = 125
GSZ = 1


def _rnd(a):
    return a.astype(jnp.bfloat16).astype(jnp.float32)


def _dot(a, b):
    return jnp.dot(a, b, preferred_element_type=jnp.float32,
                   precision=lax.Precision.HIGHEST)


def _segment_sum_sc(hb, src4, dst4, zeros):
    N, D = hb.shape
    ngroup, gsz, chunk = src4.shape[1], src4.shape[2], src4.shape[3]
    stripe = (N // NS) & ~7
    rem = N - stripe * NS

    mesh = plsc.VectorSubcoreMesh(core_axis_name="c", subcore_axis_name="s")

    @functools.partial(
        pl.kernel,
        out_type=jax.ShapeDtypeStruct((NC, N, D), jnp.float32),
        mesh=mesh,
        scratch_types=[
            pltpu.VMEM((gsz, chunk), jnp.int32),
            pltpu.VMEM((gsz, chunk), jnp.int32),
            pltpu.VMEM((gsz, chunk), jnp.int32),
            pltpu.VMEM((gsz, chunk), jnp.int32),
            pltpu.VMEM((gsz, chunk, D), jnp.float32),
            pltpu.VMEM((gsz, chunk, D), jnp.float32),
            pltpu.VMEM_SHARED((N, D), jnp.float32),
            pltpu.SemaphoreType.DMA((gsz,)),
            pltpu.SemaphoreType.DMA((gsz,)),
            pltpu.SemaphoreType.DMA((gsz,)),
            pltpu.SemaphoreType.DMA((gsz,)),
            pltpu.SemaphoreType.DMA((2,)),
            pltpu.SemaphoreType.DMA((2,)),
        ],
    )
    def segsum(h_hbm, src_hbm, dst_hbm, z_hbm, out_hbm,
               src0, src1, dst0, dst1, rows0, rows1, acc_sh,
               gsem0, gsem1, ssem0, ssem1, isem0, isem1):
        cid = lax.axis_index("c")
        sid = lax.axis_index("s")
        wid = sid * NC + cid
        pltpu.sync_copy(z_hbm.at[pl.ds(sid * stripe, stripe)],
                        acc_sh.at[pl.ds(sid * stripe, stripe)])
        @pl.when(sid == 0)
        def _():
            pltpu.sync_copy(z_hbm.at[pl.ds(stripe * NS, rem)],
                            acc_sh.at[pl.ds(stripe * NS, rem)])
        plsc.subcore_barrier()

        def gather(src_v, rows_v, gsem, b):
            pltpu.async_copy(h_hbm.at[src_v.at[b]], rows_v.at[b], gsem.at[b])

        def gwait(rows_v, gsem, b):
            pltpu.make_async_copy(h_hbm.at[src0.at[0]], rows_v.at[b],
                                  gsem.at[b]).wait()

        def scat(rows_v, dst_v, ssem, b):
            pltpu.async_copy(rows_v.at[b], acc_sh.at[dst_v.at[b]],
                             ssem.at[b], add=True)

        def swait(rows_v, dst_v, ssem, b):
            pltpu.make_async_copy(rows_v.at[b], acc_sh.at[dst_v.at[0]],
                                  ssem.at[b]).wait()

        def iload(g, v, hbm, isem, half):
            pltpu.async_copy(hbm.at[wid, g], v, isem.at[half])

        def iwait(v, hbm, isem, half):
            pltpu.make_async_copy(hbm.at[0, 0], v, isem.at[half]).wait()

        pltpu.sync_copy(src_hbm.at[wid, 0], src0)
        pltpu.sync_copy(dst_hbm.at[wid, 0], dst0)
        iload(1, src1, src_hbm, isem1, 0)
        iload(1, dst1, dst_hbm, isem1, 1)
        for b in range(gsz):
            gather(src0, rows0, gsem0, b)

        def body(k, carry):
            a = 2 * k
            for b in range(gsz):
                gwait(rows0, gsem0, b)
            @pl.when(a + 2 < ngroup)
            def _():
                iload(a + 2, src0, src_hbm, isem0, 0)
            for b in range(gsz):
                scat(rows0, dst0, ssem0, b)
            iwait(src1, src_hbm, isem1, 0)
            iwait(dst1, dst_hbm, isem1, 1)
            for b in range(gsz):
                gather(src1, rows1, gsem1, b)
            for b in range(gsz):
                swait(rows0, dst0, ssem0, b)
            @pl.when(a + 2 < ngroup)
            def _():
                iload(a + 2, dst0, dst_hbm, isem0, 1)
            for b in range(gsz):
                gwait(rows1, gsem1, b)
            @pl.when(a + 3 < ngroup)
            def _():
                iload(a + 3, src1, src_hbm, isem1, 0)
            for b in range(gsz):
                scat(rows1, dst1, ssem1, b)
            @pl.when(a + 2 < ngroup)
            def _():
                iwait(src0, src_hbm, isem0, 0)
                iwait(dst0, dst_hbm, isem0, 1)
                for b in range(gsz):
                    gather(src0, rows0, gsem0, b)
            for b in range(gsz):
                swait(rows1, dst1, ssem1, b)
            @pl.when(a + 3 < ngroup)
            def _():
                iload(a + 3, dst1, dst_hbm, isem1, 1)
            return carry

        lax.fori_loop(0, ngroup // 2, body, 0)
        plsc.subcore_barrier()
        pltpu.sync_copy(acc_sh.at[pl.ds(sid * stripe, stripe)],
                        out_hbm.at[cid, pl.ds(sid * stripe, stripe)])
        @pl.when(sid == 0)
        def _():
            pltpu.sync_copy(acc_sh.at[pl.ds(stripe * NS, rem)],
                            out_hbm.at[cid, pl.ds(stripe * NS, rem)])

    return segsum(hb, src4, dst4, zeros)


def _encoder(x, W_enc, b_enc, blk):
    N, D = x.shape

    def body(x_ref, w_ref, b_ref, o_ref, ob_ref):
        h = jnp.maximum(_dot(_rnd(x_ref[...]), w_ref[...]) + b_ref[...], 0.0)
        o_ref[...] = h
        ob_ref[...] = _rnd(h)

    return pl.pallas_call(
        body,
        grid=(N // blk,),
        in_specs=[pl.BlockSpec((blk, D), lambda i: (i, 0)),
                  pl.BlockSpec((D, D), lambda i: (0, 0)),
                  pl.BlockSpec((1, D), lambda i: (0, 0))],
        out_specs=[pl.BlockSpec((blk, D), lambda i: (i, 0)),
                   pl.BlockSpec((blk, D), lambda i: (i, 0))],
        out_shape=[jax.ShapeDtypeStruct((N, D), jnp.float32),
                   jax.ShapeDtypeStruct((N, D), jnp.float32)],
    )(x, _rnd(W_enc), b_enc.reshape(1, D))


def _node_update(P, We, Wn, h, blk):
    N, D = h.shape

    def body(p_ref, we_ref, wn_ref, h_ref, o_ref, ob_ref):
        s = p_ref[0] + p_ref[1]
        agg = _dot(s, we_ref[...])
        hn = jnp.maximum(_dot(_rnd(agg), wn_ref[...]) + h_ref[...], 0.0)
        o_ref[...] = hn
        ob_ref[...] = _rnd(hn)

    return pl.pallas_call(
        body,
        grid=(N // blk,),
        in_specs=[pl.BlockSpec((2, blk, D), lambda i: (0, i, 0)),
                  pl.BlockSpec((D, D), lambda i: (0, 0)),
                  pl.BlockSpec((D, D), lambda i: (0, 0)),
                  pl.BlockSpec((blk, D), lambda i: (i, 0))],
        out_specs=[pl.BlockSpec((blk, D), lambda i: (i, 0)),
                   pl.BlockSpec((blk, D), lambda i: (i, 0))],
        out_shape=[jax.ShapeDtypeStruct((N, D), jnp.float32),
                   jax.ShapeDtypeStruct((N, D), jnp.float32)],
    )(P, _rnd(We), _rnd(Wn), h)


def _node_update_decoder(P, We, Wn, h, W1, b1, W2, b2, W3, b3, blk):
    N, D = h.shape
    D2, D4 = W1.shape[1], W2.shape[1]

    def body(p_ref, we_ref, wn_ref, h_ref, w1_ref, b1_ref, w2_ref, b2_ref,
             w3_ref, b3_ref, o_ref):
        s = p_ref[0] + p_ref[1]
        agg = _dot(s, we_ref[...])
        hn = jnp.maximum(_dot(_rnd(agg), wn_ref[...]) + h_ref[...], 0.0)
        t = jnp.maximum(_dot(_rnd(hn), w1_ref[...]) + b1_ref[...], 0.0)
        t = jnp.maximum(_dot(_rnd(t), w2_ref[...]) + b2_ref[...], 0.0)
        o_ref[...] = _dot(_rnd(t), w3_ref[...]) + b3_ref[...]

    return pl.pallas_call(
        body,
        grid=(N // blk,),
        in_specs=[pl.BlockSpec((2, blk, D), lambda i: (0, i, 0)),
                  pl.BlockSpec((D, D), lambda i: (0, 0)),
                  pl.BlockSpec((D, D), lambda i: (0, 0)),
                  pl.BlockSpec((blk, D), lambda i: (i, 0)),
                  pl.BlockSpec((D, D2), lambda i: (0, 0)),
                  pl.BlockSpec((1, D2), lambda i: (0, 0)),
                  pl.BlockSpec((D2, D4), lambda i: (0, 0)),
                  pl.BlockSpec((1, D4), lambda i: (0, 0)),
                  pl.BlockSpec((D4, 1), lambda i: (0, 0)),
                  pl.BlockSpec((1, 1), lambda i: (0, 0))],
        out_specs=pl.BlockSpec((blk, 1), lambda i: (i, 0)),
        out_shape=jax.ShapeDtypeStruct((N, 1), jnp.float32),
    )(P, _rnd(We), _rnd(Wn), h, _rnd(W1), b1.reshape(1, D2), _rnd(W2),
      b2.reshape(1, D4), _rnd(W3), b3.reshape(1, 1))


def kernel(x, edge_index, W_enc, b_enc, W_edge, W_node, W1, b1, W2, b2, W3, b3):
    N, D = x.shape
    E = edge_index.shape[1]
    n_layers = W_edge.shape[0]
    blk = 1000

    ngroup = E // (CHUNK * GSZ * NC * NS)
    src4 = edge_index[0].reshape(NC * NS, ngroup, GSZ, CHUNK)
    dst4 = edge_index[1].reshape(NC * NS, ngroup, GSZ, CHUNK)
    zeros = jnp.zeros((N, D), jnp.float32)

    h, hb = _encoder(x, W_enc, b_enc, blk)
    for l in range(n_layers - 1):
        P = _segment_sum_sc(hb, src4, dst4, zeros)
        h, hb = _node_update(P, W_edge[l], W_node[l], h, blk)
    P = _segment_sum_sc(hb, src4, dst4, zeros)
    return _node_update_decoder(P, W_edge[n_layers - 1], W_node[n_layers - 1],
                                h, W1, b1, W2, b2, W3, b3, blk)

# --- scband reference (transcript-rebuilt; emitter-appended) ---
"""Pipeline reference for scband-rmgn-38439957299899 (READ-ONLY COPY).

The authoritative reference and input builder live on the scoring server;
editing this copy changes nothing except your own understanding.
"""

import jax, jax.numpy as jnp
import numpy as np

N = 10000
E = 320000
D = 128
N_LAYERS = 3

def setup_inputs(seed: int = 0) -> dict:
    key = jax.random.key(seed)
    ks = jax.random.split(key, 14)
    x = jax.random.normal(ks[0], (N, D), dtype=jnp.float32)
    edge_index = jax.random.randint(ks[1], (2, E), 0, N, dtype=jnp.int32)
    s = 0.05
    W_enc = jax.random.normal(ks[2], (D, D), dtype=jnp.float32) * s
    b_enc = jnp.zeros((D,), dtype=jnp.float32)
    W_edge = jax.random.normal(ks[3], (N_LAYERS, D, D), dtype=jnp.float32) * s
    W_node = jax.random.normal(ks[4], (N_LAYERS, D, D), dtype=jnp.float32) * s
    W1 = jax.random.normal(ks[5], (D, D // 2), dtype=jnp.float32) * s
    b1 = jnp.zeros((D // 2,), dtype=jnp.float32)
    W2 = jax.random.normal(ks[6], (D // 2, D // 4), dtype=jnp.float32) * s
    b2 = jnp.zeros((D // 4,), dtype=jnp.float32)
    W3 = jax.random.normal(ks[7], (D // 4, 1), dtype=jnp.float32) * s
    b3 = jnp.zeros((1,), dtype=jnp.float32)
    return {"x": x, "edge_index": edge_index, "W_enc": W_enc, "b_enc": b_enc,
            "W_edge": W_edge, "W_node": W_node,
            "W1": W1, "b1": b1, "W2": W2, "b2": b2, "W3": W3, "b3": b3}

def reference(x, edge_index, W_enc, b_enc, W_edge, W_node, W1, b1, W2, b2, W3, b3):
    src = edge_index[0]
    dst = edge_index[1]
    # Encoder: Linear(n_node_feat_S -> n_hid) + ReLU
    h = jax.nn.relu(x @ W_enc + b_enc)
    # Processor: n_hid_layer rounds of EdgeModel (project src node feats,
    # scatter-add to dst) followed by NodeModel (linear + residual + ReLU)
    for l in range(N_LAYERS):
        m = h[src] @ W_edge[l]
        agg = jax.ops.segment_sum(m, dst, num_segments=N)
        h = jax.nn.relu(agg @ W_node[l] + h)
    # after_model: Linear(n_hid, n_hid//2) -> ReLU -> Linear(n_hid//2, n_hid//4) -> ReLU -> Linear(n_hid//4, n_out_final)
    h = jax.nn.relu(h @ W1 + b1)
    h = jax.nn.relu(h @ W2 + b2)
    out = h @ W3 + b3
    return out

if __name__ == "__main__":
    import jax
    _d = setup_inputs()
    print(jax.jit(kernel)(*tuple(_d.values())))

</pallas_src>

<mosaic_0001>
#map = affine_map<(d0, d1) -> (0, 0)>
#map1 = affine_map<(d0, d1) -> (0, 0, 0, 0)>
#map2 = affine_map<(d0, d1) -> (0, 0, 0)>
module attributes {stable_mosaic.version = 14 : i64} {
  func.func @segsum(%arg0: i32, %arg1: i32, %arg2: memref<10000x128xf32, #tpu.memory_space<hbm>>, %arg3: memref<32x80x1x125xi32, #tpu.memory_space<hbm>>, %arg4: memref<32x80x1x125xi32, #tpu.memory_space<hbm>>, %arg5: memref<10000x128xf32, #tpu.memory_space<hbm>>, %arg6: memref<2x10000x128xf32, #tpu.memory_space<hbm>>, %arg7: memref<1x125xi32, #tpu.memory_space<vmem>>, %arg8: memref<1x125xi32, #tpu.memory_space<vmem>>, %arg9: memref<1x125xi32, #tpu.memory_space<vmem>>, %arg10: memref<1x125xi32, #tpu.memory_space<vmem>>, %arg11: memref<1x125x128xf32, #tpu.memory_space<vmem>>, %arg12: memref<1x125x128xf32, #tpu.memory_space<vmem>>, %arg13: memref<10000x128xf32, #tpu.memory_space<vmem_shared>>, %arg14: memref<1x!tpu.dma_semaphore, #tpu.memory_space<semaphore_mem>>, %arg15: memref<1x!tpu.dma_semaphore, #tpu.memory_space<semaphore_mem>>, %arg16: memref<1x!tpu.dma_semaphore, #tpu.memory_space<semaphore_mem>>, %arg17: memref<1x!tpu.dma_semaphore, #tpu.memory_space<semaphore_mem>>, %arg18: memref<2x!tpu.dma_semaphore, #tpu.memory_space<semaphore_mem>>, %arg19: memref<2x!tpu.dma_semaphore, #tpu.memory_space<semaphore_mem>>) attributes {dimension_semantics = [#tpu.dimension_semantics<core_parallel>, #tpu.dimension_semantics<subcore_parallel>], iteration_bounds = array<i64: 2, 16>, scalar_prefetch = 0 : i64, scratch_operands = 13 : i64, tpu.core_type = #tpu.core_type<sc_vector_subcore>, window_params = [{transform_indices = #map}, {transform_indices = #map1}, {transform_indices = #map1}, {transform_indices = #map}, {transform_indices = #map2}]} {
    %mul3A = arith.constant 2 : i32
    %mul3A_0 = arith.muli %arg1, %mul3A : i32
    %add3A = arith.addi %mul3A_0, %arg0 : i32
    %mul3A_1 = arith.constant 624 : i32
    %mul3A_2 = arith.muli %arg1, %mul3A_1 : i32
    %mul3A_3 = arith.constant 624 : i32
    %mul3A_4 = arith.muli %arg1, %mul3A_3 : i32
    "tpu.region"() ({
      %run_scoped3A_61 = tpu.sem_alloc : memref<!tpu.dma_semaphore, #tpu.memory_space<semaphore_mem>>
      %dma_start3A_62 = arith.constant 0 : i32
      %dma_start3A_63 = tpu.memref_slice %arg13[%mul3A_4, %dma_start3A_62] : memref<10000x128xf32, #tpu.memory_space<vmem_shared>> -> memref<624x128xf32, #tpu.memory_space<vmem_shared>>
      %dma_start3A_64 = arith.constant 0 : i32
      %dma_start3A_65 = tpu.memref_slice %arg5[%mul3A_2, %dma_start3A_64] : memref<10000x128xf32, #tpu.memory_space<hbm>> -> memref<624x128xf32, #tpu.memory_space<hbm>>
      tpu.enqueue_dma source(%dma_start3A_65 : memref<624x128xf32, #tpu.memory_space<hbm>>) target(%dma_start3A_63 : memref<624x128xf32, #tpu.memory_space<vmem_shared>>) target_semaphore(%run_scoped3A_61 : memref<!tpu.dma_semaphore, #tpu.memory_space<semaphore_mem>>)
      %dma_wait3A = arith.constant 0 : i32
      %dma_wait3A_66 = tpu.memref_slice %arg13[%mul3A_4, %dma_wait3A] : memref<10000x128xf32, #tpu.memory_space<vmem_shared>> -> memref<624x128xf32, #tpu.memory_space<vmem_shared>>
      %dma_wait3A_67 = arith.constant 0 : i32
      %dma_wait3A_68 = tpu.memref_slice %arg5[%mul3A_2, %dma_wait3A_67] : memref<10000x128xf32, #tpu.memory_space<hbm>> -> memref<624x128xf32, #tpu.memory_space<hbm>>
      tpu.wait_dma2 semaphore(%run_scoped3A_61 : memref<!tpu.dma_semaphore, #tpu.memory_space<semaphore_mem>>) src(%dma_wait3A_68 : memref<624x128xf32, #tpu.memory_space<hbm>>) dst(%dma_wait3A_66 : memref<624x128xf32, #tpu.memory_space<vmem_shared>>)
      tpu.yield
    }) : () -> ()
    %eq3A = arith.constant 0 : i32
    %eq3A_5 = arith.cmpi eq, %arg1, %eq3A : i32
    %convert_element_type3A = arith.extui %eq3A_5 : i1 to i32
    %cond3A = arith.constant 0 : i32
    %cond3A_6 = arith.cmpi ne, %convert_element_type3A, %cond3A : i32
    scf.if %cond3A_6 {
      "tpu.region"() ({
        %run_scoped3A_61 = tpu.sem_alloc : memref<!tpu.dma_semaphore, #tpu.memory_space<semaphore_mem>>
        %dma_start3A_62 = arith.constant 9984 : i32
        %dma_start3A_63 = arith.constant 0 : i32
        %dma_start3A_64 = tpu.memref_slice %arg13[%dma_start3A_62, %dma_start3A_63] : memref<10000x128xf32, #tpu.memory_space<vmem_shared>> -> memref<16x128xf32, #tpu.memory_space<vmem_shared>>
        %dma_start3A_65 = arith.constant 9984 : i32
        %dma_start3A_66 = arith.constant 0 : i32
        %dma_start3A_67 = tpu.memref_slice %arg5[%dma_start3A_65, %dma_start3A_66] : memref<10000x128xf32, #tpu.memory_space<hbm>> -> memref<16x128xf32, #tpu.memory_space<hbm>>
        tpu.enqueue_dma source(%dma_start3A_67 : memref<16x128xf32, #tpu.memory_space<hbm>>) target(%dma_start3A_64 : memref<16x128xf32, #tpu.memory_space<vmem_shared>>) target_semaphore(%run_scoped3A_61 : memref<!tpu.dma_semaphore, #tpu.memory_space<semaphore_mem>>)
        %dma_wait3A = arith.constant 9984 : i32
        %dma_wait3A_68 = arith.constant 0 : i32
        %dma_wait3A_69 = tpu.memref_slice %arg13[%dma_wait3A, %dma_wait3A_68] : memref<10000x128xf32, #tpu.memory_space<vmem_shared>> -> memref<16x128xf32, #tpu.memory_space<vmem_shared>>
        %dma_wait3A_70 = arith.constant 9984 : i32
        %dma_wait3A_71 = arith.constant 0 : i32
        %dma_wait3A_72 = tpu.memref_slice %arg5[%dma_wait3A_70, %dma_wait3A_71] : memref<10000x128xf32, #tpu.memory_space<hbm>> -> memref<16x128xf32, #tpu.memory_space<hbm>>
        tpu.wait_dma2 semaphore(%run_scoped3A_61 : memref<!tpu.dma_semaphore, #tpu.memory_space<semaphore_mem>>) src(%dma_wait3A_72 : memref<16x128xf32, #tpu.memory_space<hbm>>) dst(%dma_wait3A_69 : memref<16x128xf32, #tpu.memory_space<vmem_shared>>)
        tpu.yield
      }) : () -> ()
    } else {
    }
    %barrier3A = arith.constant 0 : index
    tpu.barrier barrier_id(%barrier3A)
    %run_scoped3A = arith.constant 0 : i32
    "tpu.region"() ({
      %run_scoped3A_61 = tpu.sem_alloc : memref<!tpu.dma_semaphore, #tpu.memory_space<semaphore_mem>>
      %dma_start3A_62 = arith.constant 0 : i32
      %dma_start3A_63 = arith.constant 0 : i32
      %dma_start3A_64 = tpu.memref_slice %arg3[%add3A, %run_scoped3A, %dma_start3A_62, %dma_start3A_63] : memref<32x80x1x125xi32, #tpu.memory_space<hbm>> -> memref<1x1x1x125xi32, #tpu.memory_space<hbm>>
      %dma_start3A_65 = tpu.memref_squeeze %dma_start3A_64 : memref<1x1x1x125xi32, #tpu.memory_space<hbm>> -> memref<1x125xi32, #tpu.memory_space<hbm>>
      %dma_start3A_66 = arith.constant 0 : i32
      %dma_start3A_67 = arith.constant 0 : i32
      %dma_start3A_68 = tpu.memref_slice %arg3[%add3A, %run_scoped3A, %dma_start3A_66, %dma_start3A_67] : memref<32x80x1x125xi32, #tpu.memory_space<hbm>> -> memref<1x1x1x125xi32, #tpu.memory_space<hbm>>
      %dma_start3A_69 = tpu.memref_squeeze %dma_start3A_68 : memref<1x1x1x125xi32, #tpu.memory_space<hbm>> -> memref<1x125xi32, #tpu.memory_space<hbm>>
      tpu.enqueue_dma source(%dma_start3A_69 : memref<1x125xi32, #tpu.memory_space<hbm>>) target(%arg7 : memref<1x125xi32, #tpu.memory_space<vmem>>) target_semaphore(%run_scoped3A_61 : memref<!tpu.dma_semaphore, #tpu.memory_space<semaphore_mem>>)
      %dma_wait3A = arith.constant 0 : i32
      %dma_wait3A_70 = arith.constant 0 : i32
      %dma_wait3A_71 = tpu.memref_slice %arg3[%add3A, %run_scoped3A, %dma_wait3A, %dma_wait3A_70] : memref<32x80x1x125xi32, #tpu.memory_space<hbm>> -> memref<1x1x1x125xi32, #tpu.memory_space<hbm>>
      %dma_wait3A_72 = tpu.memref_squeeze %dma_wait3A_71 : memref<1x1x1x125xi32, #tpu.memory_space<hbm>> -> memref<1x125xi32, #tpu.memory_space<hbm>>
      %dma_wait3A_73 = arith.constant 0 : i32
      %dma_wait3A_74 = arith.constant 0 : i32
      %dma_wait3A_75 = tpu.memref_slice %arg3[%add3A, %run_scoped3A, %dma_wait3A_73, %dma_wait3A_74] : memref<32x80x1x125xi32, #tpu.memory_space<hbm>> -> memref<1x1x1x125xi32, #tpu.memory_space<hbm>>
      %dma_wait3A_76 = tpu.memref_squeeze %dma_wait3A_75 : memref<1x1x1x125xi32, #tpu.memory_space<hbm>> -> memref<1x125xi32, #tpu.memory_space<hbm>>
      tpu.wait_dma2 semaphore(%run_scoped3A_61 : memref<!tpu.dma_semaphore, #tpu.memory_space<semaphore_mem>>) src(%dma_wait3A_76 : memref<1x125xi32, #tpu.memory_space<hbm>>) dst(%arg7 : memref<1x125xi32, #tpu.memory_space<vmem>>)
      tpu.yield
    }) : () -> ()
    %run_scoped3A_7 = arith.constant 0 : i32
    "tpu.region"() ({
      %run_scoped3A_61 = tpu.sem_alloc : memref<!tpu.dma_semaphore, #tpu.memory_space<semaphore_mem>>
      %dma_start3A_62 = arith.constant 0 : i32
      %dma_start3A_63 = arith.constant 0 : i32
      %dma_start3A_64 = tpu.memref_slice %arg4[%add3A, %run_scoped3A_7, %dma_start3A_62, %dma_start3A_63] : memref<32x80x1x125xi32, #tpu.memory_space<hbm>> -> memref<1x1x1x125xi32, #tpu.memory_space<hbm>>
      %dma_start3A_65 = tpu.memref_squeeze %dma_start3A_64 : memref<1x1x1x125xi32, #tpu.memory_space<hbm>> -> memref<1x125xi32, #tpu.memory_space<hbm>>
      %dma_start3A_66 = arith.constant 0 : i32
      %dma_start3A_67 = arith.constant 0 : i32
      %dma_start3A_68 = tpu.memref_slice %arg4[%add3A, %run_scoped3A_7, %dma_start3A_66, %dma_start3A_67] : memref<32x80x1x125xi32, #tpu.memory_space<hbm>> -> memref<1x1x1x125xi32, #tpu.memory_space<hbm>>
      %dma_start3A_69 = tpu.memref_squeeze %dma_start3A_68 : memref<1x1x1x125xi32, #tpu.memory_space<hbm>> -> memref<1x125xi32, #tpu.memory_space<hbm>>
      tpu.enqueue_dma source(%dma_start3A_69 : memref<1x125xi32, #tpu.memory_space<hbm>>) target(%arg9 : memref<1x125xi32, #tpu.memory_space<vmem>>) target_semaphore(%run_scoped3A_61 : memref<!tpu.dma_semaphore, #tpu.memory_space<semaphore_mem>>)
      %dma_wait3A = arith.constant 0 : i32
      %dma_wait3A_70 = arith.constant 0 : i32
      %dma_wait3A_71 = tpu.memref_slice %arg4[%add3A, %run_scoped3A_7, %dma_wait3A, %dma_wait3A_70] : memref<32x80x1x125xi32, #tpu.memory_space<hbm>> -> memref<1x1x1x125xi32, #tpu.memory_space<hbm>>
      %dma_wait3A_72 = tpu.memref_squeeze %dma_wait3A_71 : memref<1x1x1x125xi32, #tpu.memory_space<hbm>> -> memref<1x125xi32, #tpu.memory_space<hbm>>
      %dma_wait3A_73 = arith.constant 0 : i32
      %dma_wait3A_74 = arith.constant 0 : i32
      %dma_wait3A_75 = tpu.memref_slice %arg4[%add3A, %run_scoped3A_7, %dma_wait3A_73, %dma_wait3A_74] : memref<32x80x1x125xi32, #tpu.memory_space<hbm>> -> memref<1x1x1x125xi32, #tpu.memory_space<hbm>>
      %dma_wait3A_76 = tpu.memref_squeeze %dma_wait3A_75 : memref<1x1x1x125xi32, #tpu.memory_space<hbm>> -> memref<1x125xi32, #tpu.memory_space<hbm>>
      tpu.wait_dma2 semaphore(%run_scoped3A_61 : memref<!tpu.dma_semaphore, #tpu.memory_space<semaphore_mem>>) src(%dma_wait3A_76 : memref<1x125xi32, #tpu.memory_space<hbm>>) dst(%arg9 : memref<1x125xi32, #tpu.memory_space<vmem>>)
      tpu.yield
    }) : () -> ()
    %dma_start3A = arith.constant 1 : i32
    %dma_start3A_8 = arith.constant 0 : i32
    %dma_start3A_9 = arith.constant 0 : i32
    %dma_start3A_10 = arith.constant 0 : i32
    %dma_start3A_11 = tpu.memref_slice %arg3[%add3A, %dma_start3A, %dma_start3A_9, %dma_start3A_10] : memref<32x80x1x125xi32, #tpu.memory_space<hbm>> -> memref<1x1x1x125xi32, #tpu.memory_space<hbm>>
    %dma_start3A_12 = tpu.memref_squeeze %dma_start3A_11 : memref<1x1x1x125xi32, #tpu.memory_space<hbm>> -> memref<1x125xi32, #tpu.memory_space<hbm>>
    %dma_start3A_13 = tpu.memref_slice %arg19[%dma_start3A_8] : memref<2x!tpu.dma_semaphore, #tpu.memory_space<semaphore_mem>> -> memref<1x!tpu.dma_semaphore, #tpu.memory_space<semaphore_mem>>
    %dma_start3A_14 = tpu.memref_squeeze %dma_start3A_13 : memref<1x!tpu.dma_semaphore, #tpu.memory_space<semaphore_mem>> -> memref<!tpu.dma_semaphore, #tpu.memory_space<semaphore_mem>>
    %dma_start3A_15 = arith.constant 0 : i32
    %dma_start3A_16 = arith.constant 0 : i32
    %dma_start3A_17 = tpu.memref_slice %arg3[%add3A, %dma_start3A, %dma_start3A_15, %dma_start3A_16] : memref<32x80x1x125xi32, #tpu.memory_space<hbm>> -> memref<1x1x1x125xi32, #tpu.memory_space<hbm>>
    %dma_start3A_18 = tpu.memref_squeeze %dma_start3A_17 : memref<1x1x1x125xi32, #tpu.memory_space<hbm>> -> memref<1x125xi32, #tpu.memory_space<hbm>>
    tpu.enqueue_dma source(%dma_start3A_18 : memref<1x125xi32, #tpu.memory_space<hbm>>) target(%arg8 : memref<1x125xi32, #tpu.memory_space<vmem>>) target_semaphore(%dma_start3A_14 : memref<!tpu.dma_semaphore, #tpu.memory_space<semaphore_mem>>)
    %dma_start3A_19 = arith.constant 1 : i32
    %dma_start3A_20 = arith.constant 1 : i32
    %dma_start3A_21 = arith.constant 0 : i32
    %dma_start3A_22 = arith.constant 0 : i32
    %dma_start3A_23 = tpu.memref_slice %arg4[%add3A, %dma_start3A_19, %dma_start3A_21, %dma_start3A_22] : memref<32x80x1x125xi32, #tpu.memory_space<hbm>> -> memref<1x1x1x125xi32, #tpu.memory_space<hbm>>
    %dma_start3A_24 = tpu.memref_squeeze %dma_start3A_23 : memref<1x1x1x125xi32, #tpu.memory_space<hbm>> -> memref<1x125xi32, #tpu.memory_space<hbm>>
    %dma_start3A_25 = tpu.memref_slice %arg19[%dma_start3A_20] : memref<2x!tpu.dma_semaphore, #tpu.memory_space<semaphore_mem>> -> memref<1x!tpu.dma_semaphore, #tpu.memory_space<semaphore_mem>>
    %dma_start3A_26 = tpu.memref_squeeze %dma_start3A_25 : memref<1x!tpu.dma_semaphore, #tpu.memory_space<semaphore_mem>> -> memref<!tpu.dma_semaphore, #tpu.memory_space<semaphore_mem>>
    %dma_start3A_27 = arith.constant 0 : i32
    %dma_start3A_28 = arith.constant 0 : i32
    %dma_start3A_29 = tpu.memref_slice %arg4[%add3A, %dma_start3A_19, %dma_start3A_27, %dma_start3A_28] : memref<32x80x1x125xi32, #tpu.memory_space<hbm>> -> memref<1x1x1x125xi32, #tpu.memory_space<hbm>>
    %dma_start3A_30 = tpu.memref_squeeze %dma_start3A_29 : memref<1x1x1x125xi32, #tpu.memory_space<hbm>> -> memref<1x125xi32, #tpu.memory_space<hbm>>
    tpu.enqueue_dma source(%dma_start3A_30 : memref<1x125xi32, #tpu.memory_space<hbm>>) target(%arg10 : memref<1x125xi32, #tpu.memory_space<vmem>>) target_semaphore(%dma_start3A_26 : memref<!tpu.dma_semaphore, #tpu.memory_space<semaphore_mem>>)
    %dma_start3A_31 = arith.constant 0 : i32
    %dma_start3A_32 = arith.constant 0 : i32
    %dma_start3A_33 = arith.constant 0 : i32
    %dma_start3A_34 = arith.constant 0 : i32
    %dma_start3A_35 = arith.constant 0 : i32
    %dma_start3A_36 = tpu.memref_slice %arg11[%dma_start3A_32, %dma_start3A_34, %dma_start3A_35] : memref<1x125x128xf32, #tpu.memory_space<vmem>> -> memref<1x125x128xf32, #tpu.memory_space<vmem>>
    %dma_start3A_37 = tpu.memref_squeeze %dma_start3A_36 : memref<1x125x128xf32, #tpu.memory_space<vmem>> -> memref<125x128xf32, #tpu.memory_space<vmem>>
    %dma_start3A_38 = arith.constant 0 : i32
    %dma_start3A_39 = tpu.memref_slice %arg7[%dma_start3A_31, %dma_start3A_38] : memref<1x125xi32, #tpu.memory_space<vmem>> -> memref<1x125xi32, #tpu.memory_space<vmem>>
    %dma_start3A_40 = tpu.memref_squeeze %dma_start3A_39 : memref<1x125xi32, #tpu.memory_space<vmem>> -> memref<125xi32, #tpu.memory_space<vmem>>
    %dma_start3A_41 = arith.constant 0 : i32
    %dma_start3A_42 = arith.constant 0 : i32
    %dma_start3A_43 = tpu.memref_slice %arg2[%dma_start3A_41, %dma_start3A_42] : memref<10000x128xf32, #tpu.memory_space<hbm>> -> memref<10000x128xf32, #tpu.memory_space<hbm>>
    %dma_start3A_44 = tpu.memref_slice %arg14[%dma_start3A_33] : memref<1x!tpu.dma_semaphore, #tpu.memory_space<semaphore_mem>> -> memref<1x!tpu.dma_semaphore, #tpu.memory_space<semaphore_mem>>
    %dma_start3A_45 = tpu.memref_squeeze %dma_start3A_44 : memref<1x!tpu.dma_semaphore, #tpu.memory_space<semaphore_mem>> -> memref<!tpu.dma_semaphore, #tpu.memory_space<semaphore_mem>>
    tpu.enqueue_indirect_dma source(%dma_start3A_43 : memref<10000x128xf32, #tpu.memory_space<hbm>>) target(%dma_start3A_37 : memref<125x128xf32, #tpu.memory_space<vmem>>) offsets(%dma_start3A_40 : memref<125xi32, #tpu.memory_space<vmem>>) semaphore(%dma_start3A_45 : memref<!tpu.dma_semaphore, #tpu.memory_space<semaphore_mem>>)
    %scan3A = arith.constant 0 : i32
    %scan3A_46 = arith.constant 0 : i32
    %scan3A_47 = arith.constant 40 : i32
    %scan3A_48 = arith.addi %scan3A_46, %scan3A_47 : i32
    %scan3A_49 = arith.constant 1 : i32
    scf.for %scan3A_61 = %scan3A_46 to %scan3A_48 step %scan3A_49  : i32 {
      %mul3A_62 = arith.constant 2 : i32
      %mul3A_63 = arith.muli %mul3A_62, %scan3A_61 : i32
      %dma_wait3A = arith.constant 0 : i32
      %dma_wait3A_64 = arith.constant 0 : i32
      %dma_wait3A_65 = arith.constant 0 : i32
      %dma_wait3A_66 = arith.constant 0 : i32
      %dma_wait3A_67 = arith.constant 0 : i32
      %dma_wait3A_68 = tpu.memref_slice %arg11[%dma_wait3A_64, %dma_wait3A_66, %dma_wait3A_67] : memref<1x125x128xf32, #tpu.memory_space<vmem>> -> memref<1x125x128xf32, #tpu.memory_space<vmem>>
      %dma_wait3A_69 = tpu.memref_squeeze %dma_wait3A_68 : memref<1x125x128xf32, #tpu.memory_space<vmem>> -> memref<125x128xf32, #tpu.memory_space<vmem>>
      %dma_wait3A_70 = arith.constant 0 : i32
      %dma_wait3A_71 = tpu.memref_slice %arg7[%dma_wait3A, %dma_wait3A_70] : memref<1x125xi32, #tpu.memory_space<vmem>> -> memref<1x125xi32, #tpu.memory_space<vmem>>
      %dma_wait3A_72 = tpu.memref_squeeze %dma_wait3A_71 : memref<1x125xi32, #tpu.memory_space<vmem>> -> memref<125xi32, #tpu.memory_space<vmem>>
      %dma_wait3A_73 = arith.constant 0 : i32
      %dma_wait3A_74 = arith.constant 0 : i32
      %dma_wait3A_75 = tpu.memref_slice %arg2[%dma_wait3A_73, %dma_wait3A_74] : memref<10000x128xf32, #tpu.memory_space<hbm>> -> memref<10000x128xf32, #tpu.memory_space<hbm>>
      %dma_wait3A_76 = tpu.memref_slice %arg14[%dma_wait3A_65] : memref<1x!tpu.dma_semaphore, #tpu.memory_space<semaphore_mem>> -> memref<1x!tpu.dma_semaphore, #tpu.memory_space<semaphore_mem>>
      %dma_wait3A_77 = tpu.memref_squeeze %dma_wait3A_76 : memref<1x!tpu.dma_semaphore, #tpu.memory_space<semaphore_mem>> -> memref<!tpu.dma_semaphore, #tpu.memory_space<semaphore_mem>>
      tpu.wait_indirect_dma semaphore(%dma_wait3A_77 : memref<!tpu.dma_semaphore, #tpu.memory_space<semaphore_mem>>) src(%dma_wait3A_75 : memref<10000x128xf32, #tpu.memory_space<hbm>>) dst(%dma_wait3A_69 : memref<125x128xf32, #tpu.memory_space<vmem>>)
      %add3A_78 = arith.constant 2 : i32
      %add3A_79 = arith.addi %mul3A_63, %add3A_78 : i32
      %lt3A = arith.constant 80 : i32
      %lt3A_80 = arith.cmpi slt, %add3A_79, %lt3A : i32
      %convert_element_type3A_81 = arith.extui %lt3A_80 : i1 to i32
      %cond3A_82 = arith.constant 0 : i32
      %cond3A_83 = arith.cmpi ne, %convert_element_type3A_81, %cond3A_82 : i32
      scf.if %cond3A_83 {
        %add3A_228 = arith.constant 2 : i32
        %add3A_229 = arith.addi %mul3A_63, %add3A_228 : i32
        %dma_start3A_230 = arith.constant 0 : i32
        %dma_start3A_231 = arith.constant 0 : i32
        %dma_start3A_232 = arith.constant 0 : i32
        %dma_start3A_233 = tpu.memref_slice %arg3[%add3A, %add3A_229, %dma_start3A_231, %dma_start3A_232] : memref<32x80x1x125xi32, #tpu.memory_space<hbm>> -> memref<1x1x1x125xi32, #tpu.memory_space<hbm>>
        %dma_start3A_234 = tpu.memref_squeeze %dma_start3A_233 : memref<1x1x1x125xi32, #tpu.memory_space<hbm>> -> memref<1x125xi32, #tpu.memory_space<hbm>>
        %dma_start3A_235 = tpu.memref_slice %arg18[%dma_start3A_230] : memref<2x!tpu.dma_semaphore, #tpu.memory_space<semaphore_mem>> -> memref<1x!tpu.dma_semaphore, #tpu.memory_space<semaphore_mem>>
        %dma_start3A_236 = tpu.memref_squeeze %dma_start3A_235 : memref<1x!tpu.dma_semaphore, #tpu.memory_space<semaphore_mem>> -> memref<!tpu.dma_semaphore, #tpu.memory_space<semaphore_mem>>
        %dma_start3A_237 = arith.constant 0 : i32
        %dma_start3A_238 = arith.constant 0 : i32
        %dma_start3A_239 = tpu.memref_slice %arg3[%add3A, %add3A_229, %dma_start3A_237, %dma_start3A_238] : memref<32x80x1x125xi32, #tpu.memory_space<hbm>> -> memref<1x1x1x125xi32, #tpu.memory_space<hbm>>
        %dma_start3A_240 = tpu.memref_squeeze %dma_start3A_239 : memref<1x1x1x125xi32, #tpu.memory_space<hbm>> -> memref<1x125xi32, #tpu.memory_space<hbm>>
        tpu.enqueue_dma source(%dma_start3A_240 : memref<1x125xi32, #tpu.memory_space<hbm>>) target(%arg7 : memref<1x125xi32, #tpu.memory_space<vmem>>) target_semaphore(%dma_start3A_236 : memref<!tpu.dma_semaphore, #tpu.memory_space<semaphore_mem>>)
      } else {
      }
      %dma_start3A_84 = arith.constant 0 : i32
      %dma_start3A_85 = arith.constant 0 : i32
      %dma_start3A_86 = arith.constant 0 : i32
      %dma_start3A_87 = arith.constant 0 : i32
      %dma_start3A_88 = arith.constant 0 : i32
      %dma_start3A_89 = tpu.memref_slice %arg11[%dma_start3A_84, %dma_start3A_87, %dma_start3A_88] : memref<1x125x128xf32, #tpu.memory_space<vmem>> -> memref<1x125x128xf32, #tpu.memory_space<vmem>>
      %dma_start3A_90 = tpu.memref_squeeze %dma_start3A_89 : memref<1x125x128xf32, #tpu.memory_space<vmem>> -> memref<125x128xf32, #tpu.memory_space<vmem>>
      %dma_start3A_91 = arith.constant 0 : i32
      %dma_start3A_92 = tpu.memref_slice %arg9[%dma_start3A_85, %dma_start3A_91] : memref<1x125xi32, #tpu.memory_space<vmem>> -> memref<1x125xi32, #tpu.memory_space<vmem>>
      %dma_start3A_93 = tpu.memref_squeeze %dma_start3A_92 : memref<1x125xi32, #tpu.memory_space<vmem>> -> memref<125xi32, #tpu.memory_space<vmem>>
      %dma_start3A_94 = arith.constant 0 : i32
      %dma_start3A_95 = arith.constant 0 : i32
      %dma_start3A_96 = tpu.memref_slice %arg13[%dma_start3A_94, %dma_start3A_95] : memref<10000x128xf32, #tpu.memory_space<vmem_shared>> -> memref<10000x128xf32, #tpu.memory_space<vmem_shared>>
      %dma_start3A_97 = tpu.memref_slice %arg16[%dma_start3A_86] : memref<1x!tpu.dma_semaphore, #tpu.memory_space<semaphore_mem>> -> memref<1x!tpu.dma_semaphore, #tpu.memory_space<semaphore_mem>>
      %dma_start3A_98 = tpu.memref_squeeze %dma_start3A_97 : memref<1x!tpu.dma_semaphore, #tpu.memory_space<semaphore_mem>> -> memref<!tpu.dma_semaphore, #tpu.memory_space<semaphore_mem>>
      tpu.enqueue_indirect_dma source(%dma_start3A_90 : memref<125x128xf32, #tpu.memory_space<vmem>>) target(%dma_start3A_96 : memref<10000x128xf32, #tpu.memory_space<vmem_shared>>) offsets(%dma_start3A_93 : memref<125xi32, #tpu.memory_space<vmem>>) semaphore(%dma_start3A_98 : memref<!tpu.dma_semaphore, #tpu.memory_space<semaphore_mem>>) {add = true}
      %dma_wait3A_99 = arith.constant 0 : i32
      %dma_wait3A_100 = arith.constant 0 : i32
      %dma_wait3A_101 = arith.constant 0 : i32
      %dma_wait3A_102 = arith.constant 0 : i32
      %dma_wait3A_103 = arith.constant 0 : i32
      %dma_wait3A_104 = tpu.memref_slice %arg3[%dma_wait3A_99, %dma_wait3A_100, %dma_wait3A_102, %dma_wait3A_103] : memref<32x80x1x125xi32, #tpu.memory_space<hbm>> -> memref<1x1x1x125xi32, #tpu.memory_space<hbm>>
      %dma_wait3A_105 = tpu.memref_squeeze %dma_wait3A_104 : memref<1x1x1x125xi32, #tpu.memory_space<hbm>> -> memref<1x125xi32, #tpu.memory_space<hbm>>
      %dma_wait3A_106 = tpu.memref_slice %arg19[%dma_wait3A_101] : memref<2x!tpu.dma_semaphore, #tpu.memory_space<semaphore_mem>> -> memref<1x!tpu.dma_semaphore, #tpu.memory_space<semaphore_mem>>
      %dma_wait3A_107 = tpu.memref_squeeze %dma_wait3A_106 : memref<1x!tpu.dma_semaphore, #tpu.memory_space<semaphore_mem>> -> memref<!tpu.dma_semaphore, #tpu.memory_space<semaphore_mem>>
      %dma_wait3A_108 = arith.constant 0 : i32
      %dma_wait3A_109 = arith.constant 0 : i32
      %dma_wait3A_110 = tpu.memref_slice %arg3[%dma_wait3A_99, %dma_wait3A_100, %dma_wait3A_108, %dma_wait3A_109] : memref<32x80x1x125xi32, #tpu.memory_space<hbm>> -> memref<1x1x1x125xi32, #tpu.memory_space<hbm>>
      %dma_wait3A_111 = tpu.memref_squeeze %dma_wait3A_110 : memref<1x1x1x125xi32, #tpu.memory_space<hbm>> -> memref<1x125xi32, #tpu.memory_space<hbm>>
      tpu.wait_dma2 semaphore(%dma_wait3A_107 : memref<!tpu.dma_semaphore, #tpu.memory_space<semaphore_mem>>) src(%dma_wait3A_111 : memref<1x125xi32, #tpu.memory_space<hbm>>) dst(%arg8 : memref<1x125xi32, #tpu.memory_space<vmem>>)
      %dma_wait3A_112 = arith.constant 0 : i32
      %dma_wait3A_113 = arith.constant 0 : i32
      %dma_wait3A_114 = arith.constant 1 : i32
      %dma_wait3A_115 = arith.constant 0 : i32
      %dma_wait3A_116 = arith.constant 0 : i32
      %dma_wait3A_117 = tpu.memref_slice %arg4[%dma_wait3A_112, %dma_wait3A_113, %dma_wait3A_115, %dma_wait3A_116] : memref<32x80x1x125xi32, #tpu.memory_space<hbm>> -> memref<1x1x1x125xi32, #tpu.memory_space<hbm>>
      %dma_wait3A_118 = tpu.memref_squeeze %dma_wait3A_117 : memref<1x1x1x125xi32, #tpu.memory_space<hbm>> -> memref<1x125xi32, #tpu.memory_space<hbm>>
      %dma_wait3A_119 = tpu.memref_slice %arg19[%dma_wait3A_114] : memref<2x!tpu.dma_semaphore, #tpu.memory_space<semaphore_mem>> -> memref<1x!tpu.dma_semaphore, #tpu.memory_space<semaphore_mem>>
      %dma_wait3A_120 = tpu.memref_squeeze %dma_wait3A_119 : memref<1x!tpu.dma_semaphore, #tpu.memory_space<semaphore_mem>> -> memref<!tpu.dma_semaphore, #tpu.memory_space<semaphore_mem>>
      %dma_wait3A_121 = arith.constant 0 : i32
      %dma_wait3A_122 = arith.constant 0 : i32
      %dma_wait3A_123 = tpu.memref_slice %arg4[%dma_wait3A_112, %dma_wait3A_113, %dma_wait3A_121, %dma_wait3A_122] : memref<32x80x1x125xi32, #tpu.memory_space<hbm>> -> memref<1x1x1x125xi32, #tpu.memory_space<hbm>>
      %dma_wait3A_124 = tpu.memref_squeeze %dma_wait3A_123 : memref<1x1x1x125xi32, #tpu.memory_space<hbm>> -> memref<1x125xi32, #tpu.memory_space<hbm>>
      tpu.wait_dma2 semaphore(%dma_wait3A_120 : memref<!tpu.dma_semaphore, #tpu.memory_space<semaphore_mem>>) src(%dma_wait3A_124 : memref<1x125xi32, #tpu.memory_space<hbm>>) dst(%arg10 : memref<1x125xi32, #tpu.memory_space<vmem>>)
      %dma_start3A_125 = arith.constant 0 : i32
      %dma_start3A_126 = arith.constant 0 : i32
      %dma_start3A_127 = arith.constant 0 : i32
      %dma_start3A_128 = arith.constant 0 : i32
      %dma_start3A_129 = arith.constant 0 : i32
      %dma_start3A_130 = tpu.memref_slice %arg12[%dma_start3A_126, %dma_start3A_128, %dma_start3A_129] : memref<1x125x128xf32, #tpu.memory_space<vmem>> -> memref<1x125x128xf32, #tpu.memory_space<vmem>>
      %dma_start3A_131 = tpu.memref_squeeze %dma_start3A_130 : memref<1x125x128xf32, #tpu.memory_space<vmem>> -> memref<125x128xf32, #tpu.memory_space<vmem>>
      %dma_start3A_132 = arith.constant 0 : i32
      %dma_start3A_133 = tpu.memref_slice %arg8[%dma_start3A_125, %dma_start3A_132] : memref<1x125xi32, #tpu.memory_space<vmem>> -> memref<1x125xi32, #tpu.memory_space<vmem>>
      %dma_start3A_134 = tpu.memref_squeeze %dma_start3A_133 : memref<1x125xi32, #tpu.memory_space<vmem>> -> memref<125xi32, #tpu.memory_space<vmem>>
      %dma_start3A_135 = arith.constant 0 : i32
      %dma_start3A_136 = arith.constant 0 : i32
      %dma_start3A_137 = tpu.memref_slice %arg2[%dma_start3A_135, %dma_start3A_136] : memref<10000x128xf32, #tpu.memory_space<hbm>> -> memref<10000x128xf32, #tpu.memory_space<hbm>>
      %dma_start3A_138 = tpu.memref_slice %arg15[%dma_start3A_127] : memref<1x!tpu.dma_semaphore, #tpu.memory_space<semaphore_mem>> -> memref<1x!tpu.dma_semaphore, #tpu.memory_space<semaphore_mem>>
      %dma_start3A_139 = tpu.memref_squeeze %dma_start3A_138 : memref<1x!tpu.dma_semaphore, #tpu.memory_space<semaphore_mem>> -> memref<!tpu.dma_semaphore, #tpu.memory_space<semaphore_mem>>
      tpu.enqueue_indirect_dma source(%dma_start3A_137 : memref<10000x128xf32, #tpu.memory_space<hbm>>) target(%dma_start3A_131 : memref<125x128xf32, #tpu.memory_space<vmem>>) offsets(%dma_start3A_134 : memref<125xi32, #tpu.memory_space<vmem>>) semaphore(%dma_start3A_139 : memref<!tpu.dma_semaphore, #tpu.memory_space<semaphore_mem>>)
      %dma_wait3A_140 = arith.constant 0 : i32
      %dma_wait3A_141 = arith.constant 0 : i32
      %dma_wait3A_142 = arith.constant 0 : i32
      %dma_wait3A_143 = arith.constant 0 : i32
      %dma_wait3A_144 = arith.constant 0 : i32
      %dma_wait3A_145 = tpu.memref_slice %arg11[%dma_wait3A_140, %dma_wait3A_143, %dma_wait3A_144] : memref<1x125x128xf32, #tpu.memory_space<vmem>> -> memref<1x125x128xf32, #tpu.memory_space<vmem>>
      %dma_wait3A_146 = tpu.memref_squeeze %dma_wait3A_145 : memref<1x125x128xf32, #tpu.memory_space<vmem>> -> memref<125x128xf32, #tpu.memory_space<vmem>>
      %dma_wait3A_147 = arith.constant 0 : i32
      %dma_wait3A_148 = tpu.memref_slice %arg9[%dma_wait3A_141, %dma_wait3A_147] : memref<1x125xi32, #tpu.memory_space<vmem>> -> memref<1x125xi32, #tpu.memory_space<vmem>>
      %dma_wait3A_149 = tpu.memref_squeeze %dma_wait3A_148 : memref<1x125xi32, #tpu.memory_space<vmem>> -> memref<125xi32, #tpu.memory_space<vmem>>
      %dma_wait3A_150 = arith.constant 0 : i32
      %dma_wait3A_151 = arith.constant 0 : i32
      %dma_wait3A_152 = tpu.memref_slice %arg13[%dma_wait3A_150, %dma_wait3A_151] : memref<10000x128xf32, #tpu.memory_space<vmem_shared>> -> memref<10000x128xf32, #tpu.memory_space<vmem_shared>>
      %dma_wait3A_153 = tpu.memref_slice %arg16[%dma_wait3A_142] : memref<1x!tpu.dma_semaphore, #tpu.memory_space<semaphore_mem>> -> memref<1x!tpu.dma_semaphore, #tpu.memory_space<semaphore_mem>>
      %dma_wait3A_154 = tpu.memref_squeeze %dma_wait3A_153 : memref<1x!tpu.dma_semaphore, #tpu.memory_space<semaphore_mem>> -> memref<!tpu.dma_semaphore, #tpu.memory_space<semaphore_mem>>
      tpu.wait_indirect_dma semaphore(%dma_wait3A_154 : memref<!tpu.dma_semaphore, #tpu.memory_space<semaphore_mem>>) src(%dma_wait3A_146 : memref<125x128xf32, #tpu.memory_space<vmem>>) dst(%dma_wait3A_152 : memref<10000x128xf32, #tpu.memory_space<vmem_shared>>)
      %add3A_155 = arith.constant 2 : i32
      %add3A_156 = arith.addi %mul3A_63, %add3A_155 : i32
      %lt3A_157 = arith.constant 80 : i32
      %lt3A_158 = arith.cmpi slt, %add3A_156, %lt3A_157 : i32
      %convert_element_type3A_159 = arith.extui %lt3A_158 : i1 to i32
      %cond3A_160 = arith.constant 0 : i32
      %cond3A_161 = arith.cmpi ne, %convert_element_type3A_159, %cond3A_160 : i32
      scf.if %cond3A_161 {
        %add3A_228 = arith.constant 2 : i32
        %add3A_229 = arith.addi %mul3A_63, %add3A_228 : i32
        %dma_start3A_230 = arith.constant 1 : i32
        %dma_start3A_231 = arith.constant 0 : i32
        %dma_start3A_232 = arith.constant 0 : i32
        %dma_start3A_233 = tpu.memref_slice %arg4[%add3A, %add3A_229, %dma_start3A_231, %dma_start3A_232] : memref<32x80x1x125xi32, #tpu.memory_space<hbm>> -> memref<1x1x1x125xi32, #tpu.memory_space<hbm>>
        %dma_start3A_234 = tpu.memref_squeeze %dma_start3A_233 : memref<1x1x1x125xi32, #tpu.memory_space<hbm>> -> memref<1x125xi32, #tpu.memory_space<hbm>>
        %dma_start3A_235 = tpu.memref_slice %arg18[%dma_start3A_230] : memref<2x!tpu.dma_semaphore, #tpu.memory_space<semaphore_mem>> -> memref<1x!tpu.dma_semaphore, #tpu.memory_space<semaphore_mem>>
        %dma_start3A_236 = tpu.memref_squeeze %dma_start3A_235 : memref<1x!tpu.dma_semaphore, #tpu.memory_space<semaphore_mem>> -> memref<!tpu.dma_semaphore, #tpu.memory_space<semaphore_mem>>
        %dma_start3A_237 = arith.constant 0 : i32
        %dma_start3A_238 = arith.constant 0 : i32
        %dma_start3A_239 = tpu.memref_slice %arg4[%add3A, %add3A_229, %dma_start3A_237, %dma_start3A_238] : memref<32x80x1x125xi32, #tpu.memory_space<hbm>> -> memref<1x1x1x125xi32, #tpu.memory_space<hbm>>
        %dma_start3A_240 = tpu.memref_squeeze %dma_start3A_239 : memref<1x1x1x125xi32, #tpu.memory_space<hbm>> -> memref<1x125xi32, #tpu.memory_space<hbm>>
        tpu.enqueue_dma source(%dma_start3A_240 : memref<1x125xi32, #tpu.memory_space<hbm>>) target(%arg9 : memref<1x125xi32, #tpu.memory_space<vmem>>) target_semaphore(%dma_start3A_236 : memref<!tpu.dma_semaphore, #tpu.memory_space<semaphore_mem>>)
      } else {
      }
      %dma_wait3A_162 = arith.constant 0 : i32
      %dma_wait3A_163 = arith.constant 0 : i32
      %dma_wait3A_164 = arith.constant 0 : i32
      %dma_wait3A_165 = arith.constant 0 : i32
      %dma_wait3A_166 = arith.constant 0 : i32
      %dma_wait3A_167 = tpu.memref_slice %arg12[%dma_wait3A_163, %dma_wait3A_165, %dma_wait3A_166] : memref<1x125x128xf32, #tpu.memory_space<vmem>> -> memref<1x125x128xf32, #tpu.memory_space<vmem>>
      %dma_wait3A_168 = tpu.memref_squeeze %dma_wait3A_167 : memref<1x125x128xf32, #tpu.memory_space<vmem>> -> memref<125x128xf32, #tpu.memory_space<vmem>>
      %dma_wait3A_169 = arith.constant 0 : i32
      %dma_wait3A_170 = tpu.memref_slice %arg7[%dma_wait3A_162, %dma_wait3A_169] : memref<1x125xi32, #tpu.memory_space<vmem>> -> memref<1x125xi32, #tpu.memory_space<vmem>>
      %dma_wait3A_171 = tpu.memref_squeeze %dma_wait3A_170 : memref<1x125xi32, #tpu.memory_space<vmem>> -> memref<125xi32, #tpu.memory_space<vmem>>
      %dma_wait3A_172 = arith.constant 0 : i32
      %dma_wait3A_173 = arith.constant 0 : i32
      %dma_wait3A_174 = tpu.memref_slice %arg2[%dma_wait3A_172, %dma_wait3A_173] : memref<10000x128xf32, #tpu.memory_space<hbm>> -> memref<10000x128xf32, #tpu.memory_space<hbm>>
      %dma_wait3A_175 = tpu.memref_slice %arg15[%dma_wait3A_164] : memref<1x!tpu.dma_semaphore, #tpu.memory_space<semaphore_mem>> -> memref<1x!tpu.dma_semaphore, #tpu.memory_space<semaphore_mem>>
      %dma_wait3A_176 = tpu.memref_squeeze %dma_wait3A_175 : memref<1x!tpu.dma_semaphore, #tpu.memory_space<semaphore_mem>> -> memref<!tpu.dma_semaphore, #tpu.memory_space<semaphore_mem>>
      tpu.wait_indirect_dma semaphore(%dma_wait3A_176 : memref<!tpu.dma_semaphore, #tpu.memory_space<semaphore_mem>>) src(%dma_wait3A_174 : memref<10000x128xf32, #tpu.memory_space<hbm>>) dst(%dma_wait3A_168 : memref<125x128xf32, #tpu.memory_space<vmem>>)
      %add3A_177 = arith.constant 3 : i32
      %add3A_178 = arith.addi %mul3A_63, %add3A_177 : i32
      %lt3A_179 = arith.constant 80 : i32
      %lt3A_180 = arith.cmpi slt, %add3A_178, %lt3A_179 : i32
      %convert_element_type3A_181 = arith.extui %lt3A_180 : i1 to i32
      %cond3A_182 = arith.constant 0 : i32
      %cond3A_183 = arith.cmpi ne, %convert_element_type3A_181, %cond3A_182 : i32
      scf.if %cond3A_183 {
        %add3A_228 = arith.constant 3 : i32
        %add3A_229 = arith.addi %mul3A_63, %add3A_228 : i32
        %dma_start3A_230 = arith.constant 0 : i32
        %dma_start3A_231 = arith.constant 0 : i32
        %dma_start3A_232 = arith.constant 0 : i32
        %dma_start3A_233 = tpu.memref_slice %arg3[%add3A, %add3A_229, %dma_start3A_231, %dma_start3A_232] : memref<32x80x1x125xi32, #tpu.memory_space<hbm>> -> memref<1x1x1x125xi32, #tpu.memory_space<hbm>>
        %dma_start3A_234 = tpu.memref_squeeze %dma_start3A_233 : memref<1x1x1x125xi32, #tpu.memory_space<hbm>> -> memref<1x125xi32, #tpu.memory_space<hbm>>
        %dma_start3A_235 = tpu.memref_slice %arg19[%dma_start3A_230] : memref<2x!tpu.dma_semaphore, #tpu.memory_space<semaphore_mem>> -> memref<1x!tpu.dma_semaphore, #tpu.memory_space<semaphore_mem>>
        %dma_start3A_236 = tpu.memref_squeeze %dma_start3A_235 : memref<1x!tpu.dma_semaphore, #tpu.memory_space<semaphore_mem>> -> memref<!tpu.dma_semaphore, #tpu.memory_space<semaphore_mem>>
        %dma_start3A_237 = arith.constant 0 : i32
        %dma_start3A_238 = arith.constant 0 : i32
        %dma_start3A_239 = tpu.memref_slice %arg3[%add3A, %add3A_229, %dma_start3A_237, %dma_start3A_238] : memref<32x80x1x125xi32, #tpu.memory_space<hbm>> -> memref<1x1x1x125xi32, #tpu.memory_space<hbm>>
        %dma_start3A_240 = tpu.memref_squeeze %dma_start3A_239 : memref<1x1x1x125xi32, #tpu.memory_space<hbm>> -> memref<1x125xi32, #tpu.memory_space<hbm>>
        tpu.enqueue_dma source(%dma_start3A_240 : memref<1x125xi32, #tpu.memory_space<hbm>>) target(%arg8 : memref<1x125xi32, #tpu.memory_space<vmem>>) target_semaphore(%dma_start3A_236 : memref<!tpu.dma_semaphore, #tpu.memory_space<semaphore_mem>>)
      } else {
      }
      %dma_start3A_184 = arith.constant 0 : i32
      %dma_start3A_185 = arith.constant 0 : i32
      %dma_start3A_186 = arith.constant 0 : i32
      %dma_start3A_187 = arith.constant 0 : i32
      %dma_start3A_188 = arith.constant 0 : i32
      %dma_start3A_189 = tpu.memref_slice %arg12[%dma_start3A_184, %dma_start3A_187, %dma_start3A_188] : memref<1x125x128xf32, #tpu.memory_space<vmem>> -> memref<1x125x128xf32, #tpu.memory_space<vmem>>
      %dma_start3A_190 = tpu.memref_squeeze %dma_start3A_189 : memref<1x125x128xf32, #tpu.memory_space<vmem>> -> memref<125x128xf32, #tpu.memory_space<vmem>>
      %dma_start3A_191 = arith.constant 0 : i32
      %dma_start3A_192 = tpu.memref_slice %arg10[%dma_start3A_185, %dma_start3A_191] : memref<1x125xi32, #tpu.memory_space<vmem>> -> memref<1x125xi32, #tpu.memory_space<vmem>>
      %dma_start3A_193 = tpu.memref_squeeze %dma_start3A_192 : memref<1x125xi32, #tpu.memory_space<vmem>> -> memref<125xi32, #tpu.memory_space<vmem>>
      %dma_start3A_194 = arith.constant 0 : i32
      %dma_start3A_195 = arith.constant 0 : i32
      %dma_start3A_196 = tpu.memref_slice %arg13[%dma_start3A_194, %dma_start3A_195] : memref<10000x128xf32, #tpu.memory_space<vmem_shared>> -> memref<10000x128xf32, #tpu.memory_space<vmem_shared>>
      %dma_start3A_197 = tpu.memref_slice %arg17[%dma_start3A_186] : memref<1x!tpu.dma_semaphore, #tpu.memory_space<semaphore_mem>> -> memref<1x!tpu.dma_semaphore, #tpu.memory_space<semaphore_mem>>
      %dma_start3A_198 = tpu.memref_squeeze %dma_start3A_197 : memref<1x!tpu.dma_semaphore, #tpu.memory_space<semaphore_mem>> -> memref<!tpu.dma_semaphore, #tpu.memory_space<semaphore_mem>>
      tpu.enqueue_indirect_dma source(%dma_start3A_190 : memref<125x128xf32, #tpu.memory_space<vmem>>) target(%dma_start3A_196 : memref<10000x128xf32, #tpu.memory_space<vmem_shared>>) offsets(%dma_start3A_193 : memref<125xi32, #tpu.memory_space<vmem>>) semaphore(%dma_start3A_198 : memref<!tpu.dma_semaphore, #tpu.memory_space<semaphore_mem>>) {add = true}
      %add3A_199 = arith.constant 2 : i32
      %add3A_200 = arith.addi %mul3A_63, %add3A_199 : i32
      %lt3A_201 = arith.constant 80 : i32
      %lt3A_202 = arith.cmpi slt, %add3A_200, %lt3A_201 : i32
      %convert_element_type3A_203 = arith.extui %lt3A_202 : i1 to i32
      %cond3A_204 = arith.constant 0 : i32
      %cond3A_205 = arith.cmpi ne, %convert_element_type3A_203, %cond3A_204 : i32
      scf.if %cond3A_205 {
        %dma_wait3A_228 = arith.constant 0 : i32
        %dma_wait3A_229 = arith.constant 0 : i32
        %dma_wait3A_230 = arith.constant 0 : i32
        %dma_wait3A_231 = arith.constant 0 : i32
        %dma_wait3A_232 = arith.constant 0 : i32
        %dma_wait3A_233 = tpu.memref_slice %arg3[%dma_wait3A_228, %dma_wait3A_229, %dma_wait3A_231, %dma_wait3A_232] : memref<32x80x1x125xi32, #tpu.memory_space<hbm>> -> memref<1x1x1x125xi32, #tpu.memory_space<hbm>>
        %dma_wait3A_234 = tpu.memref_squeeze %dma_wait3A_233 : memref<1x1x1x125xi32, #tpu.memory_space<hbm>> -> memref<1x125xi32, #tpu.memory_space<hbm>>
        %dma_wait3A_235 = tpu.memref_slice %arg18[%dma_wait3A_230] : memref<2x!tpu.dma_semaphore, #tpu.memory_space<semaphore_mem>> -> memref<1x!tpu.dma_semaphore, #tpu.memory_space<semaphore_mem>>
        %dma_wait3A_236 = tpu.memref_squeeze %dma_wait3A_235 : memref<1x!tpu.dma_semaphore, #tpu.memory_space<semaphore_mem>> -> memref<!tpu.dma_semaphore, #tpu.memory_space<semaphore_mem>>
        %dma_wait3A_237 = arith.constant 0 : i32
        %dma_wait3A_238 = arith.constant 0 : i32
        %dma_wait3A_239 = tpu.memref_slice %arg3[%dma_wait3A_228, %dma_wait3A_229, %dma_wait3A_237, %dma_wait3A_238] : memref<32x80x1x125xi32, #tpu.memory_space<hbm>> -> memref<1x1x1x125xi32, #tpu.memory_space<hbm>>
        %dma_wait3A_240 = tpu.memref_squeeze %dma_wait3A_239 : memref<1x1x1x125xi32, #tpu.memory_space<hbm>> -> memref<1x125xi32, #tpu.memory_space<hbm>>
        tpu.wait_dma2 semaphore(%dma_wait3A_236 : memref<!tpu.dma_semaphore, #tpu.memory_space<semaphore_mem>>) src(%dma_wait3A_240 : memref<1x125xi32, #tpu.memory_space<hbm>>) dst(%arg7 : memref<1x125xi32, #tpu.memory_space<vmem>>)
        %dma_wait3A_241 = arith.constant 0 : i32
        %dma_wait3A_242 = arith.constant 0 : i32
        %dma_wait3A_243 = arith.constant 1 : i32
        %dma_wait3A_244 = arith.constant 0 : i32
        %dma_wait3A_245 = arith.constant 0 : i32
        %dma_wait3A_246 = tpu.memref_slice %arg4[%dma_wait3A_241, %dma_wait3A_242, %dma_wait3A_244, %dma_wait3A_245] : memref<32x80x1x125xi32, #tpu.memory_space<hbm>> -> memref<1x1x1x125xi32, #tpu.memory_space<hbm>>
        %dma_wait3A_247 = tpu.memref_squeeze %dma_wait3A_246 : memref<1x1x1x125xi32, #tpu.memory_space<hbm>> -> memref<1x125xi32, #tpu.memory_space<hbm>>
        %dma_wait3A_248 = tpu.memref_slice %arg18[%dma_wait3A_243] : memref<2x!tpu.dma_semaphore, #tpu.memory_space<semaphore_mem>> -> memref<1x!tpu.dma_semaphore, #tpu.memory_space<semaphore_mem>>
        %dma_wait3A_249 = tpu.memref_squeeze %dma_wait3A_248 : memref<1x!tpu.dma_semaphore, #tpu.memory_space<semaphore_mem>> -> memref<!tpu.dma_semaphore, #tpu.memory_space<semaphore_mem>>
        %dma_wait3A_250 = arith.constant 0 : i32
        %dma_wait3A_251 = arith.constant 0 : i32
        %dma_wait3A_252 = tpu.memref_slice %arg4[%dma_wait3A_241, %dma_wait3A_242, %dma_wait3A_250, %dma_wait3A_251] : memref<32x80x1x125xi32, #tpu.memory_space<hbm>> -> memref<1x1x1x125xi32, #tpu.memory_space<hbm>>
        %dma_wait3A_253 = tpu.memref_squeeze %dma_wait3A_252 : memref<1x1x1x125xi32, #tpu.memory_space<hbm>> -> memref<1x125xi32, #tpu.memory_space<hbm>>
        tpu.wait_dma2 semaphore(%dma_wait3A_249 : memref<!tpu.dma_semaphore, #tpu.memory_space<semaphore_mem>>) src(%dma_wait3A_253 : memref<1x125xi32, #tpu.memory_space<hbm>>) dst(%arg9 : memref<1x125xi32, #tpu.memory_space<vmem>>)
        %dma_start3A_254 = arith.constant 0 : i32
        %dma_start3A_255 = arith.constant 0 : i32
        %dma_start3A_256 = arith.constant 0 : i32
        %dma_start3A_257 = arith.constant 0 : i32
        %dma_start3A_258 = arith.constant 0 : i32
        %dma_start3A_259 = tpu.memref_slice %arg11[%dma_start3A_255, %dma_start3A_257, %dma_start3A_258] : memref<1x125x128xf32, #tpu.memory_space<vmem>> -> memref<1x125x128xf32, #tpu.memory_space<vmem>>
        %dma_start3A_260 = tpu.memref_squeeze %dma_start3A_259 : memref<1x125x128xf32, #tpu.memory_space<vmem>> -> memref<125x128xf32, #tpu.memory_space<vmem>>
        %dma_start3A_261 = arith.constant 0 : i32
        %dma_start3A_262 = tpu.memref_slice %arg7[%dma_start3A_254, %dma_start3A_261] : memref<1x125xi32, #tpu.memory_space<vmem>> -> memref<1x125xi32, #tpu.memory_space<vmem>>
        %dma_start3A_263 = tpu.memref_squeeze %dma_start3A_262 : memref<1x125xi32, #tpu.memory_space<vmem>> -> memref<125xi32, #tpu.memory_space<vmem>>
        %dma_start3A_264 = arith.constant 0 : i32
        %dma_start3A_265 = arith.constant 0 : i32
        %dma_start3A_266 = tpu.memref_slice %arg2[%dma_start3A_264, %dma_start3A_265] : memref<10000x128xf32, #tpu.memory_space<hbm>> -> memref<10000x128xf32, #tpu.memory_space<hbm>>
        %dma_start3A_267 = tpu.memref_slice %arg14[%dma_start3A_256] : memref<1x!tpu.dma_semaphore, #tpu.memory_space<semaphore_mem>> -> memref<1x!tpu.dma_semaphore, #tpu.memory_space<semaphore_mem>>
        %dma_start3A_268 = tpu.memref_squeeze %dma_start3A_267 : memref<1x!tpu.dma_semaphore, #tpu.memory_space<semaphore_mem>> -> memref<!tpu.dma_semaphore, #tpu.memory_space<semaphore_mem>>
        tpu.enqueue_indirect_dma source(%dma_start3A_266 : memref<10000x128xf32, #tpu.memory_space<hbm>>) target(%dma_start3A_260 : memref<125x128xf32, #tpu.memory_space<vmem>>) offsets(%dma_start3A_263 : memref<125xi32, #tpu.memory_space<vmem>>) semaphore(%dma_start3A_268 : memref<!tpu.dma_semaphore, #tpu.memory_space<semaphore_mem>>)
      } else {
      }
      %dma_wait3A_206 = arith.constant 0 : i32
      %dma_wait3A_207 = arith.constant 0 : i32
      %dma_wait3A_208 = arith.constant 0 : i32
      %dma_wait3A_209 = arith.constant 0 : i32
      %dma_wait3A_210 = arith.constant 0 : i32
      %dma_wait3A_211 = tpu.memref_slice %arg12[%dma_wait3A_206, %dma_wait3A_209, %dma_wait3A_210] : memref<1x125x128xf32, #tpu.memory_space<vmem>> -> memref<1x125x128xf32, #tpu.memory_space<vmem>>
      %dma_wait3A_212 = tpu.memref_squeeze %dma_wait3A_211 : memref<1x125x128xf32, #tpu.memory_space<vmem>> -> memref<125x128xf32, #tpu.memory_space<vmem>>
      %dma_wait3A_213 = arith.constant 0 : i32
      %dma_wait3A_214 = tpu.memref_slice %arg10[%dma_wait3A_207, %dma_wait3A_213] : memref<1x125xi32, #tpu.memory_space<vmem>> -> memref<1x125xi32, #tpu.memory_space<vmem>>
      %dma_wait3A_215 = tpu.memref_squeeze %dma_wait3A_214 : memref<1x125xi32, #tpu.memory_space<vmem>> -> memref<125xi32, #tpu.memory_space<vmem>>
      %dma_wait3A_216 = arith.constant 0 : i32
      %dma_wait3A_217 = arith.constant 0 : i32
      %dma_wait3A_218 = tpu.memref_slice %arg13[%dma_wait3A_216, %dma_wait3A_217] : memref<10000x128xf32, #tpu.memory_space<vmem_shared>> -> memref<10000x128xf32, #tpu.memory_space<vmem_shared>>
      %dma_wait3A_219 = tpu.memref_slice %arg17[%dma_wait3A_208] : memref<1x!tpu.dma_semaphore, #tpu.memory_space<semaphore_mem>> -> memref<1x!tpu.dma_semaphore, #tpu.memory_space<semaphore_mem>>
      %dma_wait3A_220 = tpu.memref_squeeze %dma_wait3A_219 : memref<1x!tpu.dma_semaphore, #tpu.memory_space<semaphore_mem>> -> memref<!tpu.dma_semaphore, #tpu.memory_space<semaphore_mem>>
      tpu.wait_indirect_dma semaphore(%dma_wait3A_220 : memref<!tpu.dma_semaphore, #tpu.memory_space<semaphore_mem>>) src(%dma_wait3A_212 : memref<125x128xf32, #tpu.memory_space<vmem>>) dst(%dma_wait3A_218 : memref<10000x128xf32, #tpu.memory_space<vmem_shared>>)
      %add3A_221 = arith.constant 3 : i32
      %add3A_222 = arith.addi %mul3A_63, %add3A_221 : i32
      %lt3A_223 = arith.constant 80 : i32
      %lt3A_224 = arith.cmpi slt, %add3A_222, %lt3A_223 : i32
      %convert_element_type3A_225 = arith.extui %lt3A_224 : i1 to i32
      %cond3A_226 = arith.constant 0 : i32
      %cond3A_227 = arith.cmpi ne, %convert_element_type3A_225, %cond3A_226 : i32
      scf.if %cond3A_227 {
        %add3A_228 = arith.constant 3 : i32
        %add3A_229 = arith.addi %mul3A_63, %add3A_228 : i32
        %dma_start3A_230 = arith.constant 1 : i32
        %dma_start3A_231 = arith.constant 0 : i32
        %dma_start3A_232 = arith.constant 0 : i32
        %dma_start3A_233 = tpu.memref_slice %arg4[%add3A, %add3A_229, %dma_start3A_231, %dma_start3A_232] : memref<32x80x1x125xi32, #tpu.memory_space<hbm>> -> memref<1x1x1x125xi32, #tpu.memory_space<hbm>>
        %dma_start3A_234 = tpu.memref_squeeze %dma_start3A_233 : memref<1x1x1x125xi32, #tpu.memory_space<hbm>> -> memref<1x125xi32, #tpu.memory_space<hbm>>
        %dma_start3A_235 = tpu.memref_slice %arg19[%dma_start3A_230] : memref<2x!tpu.dma_semaphore, #tpu.memory_space<semaphore_mem>> -> memref<1x!tpu.dma_semaphore, #tpu.memory_space<semaphore_mem>>
        %dma_start3A_236 = tpu.memref_squeeze %dma_start3A_235 : memref<1x!tpu.dma_semaphore, #tpu.memory_space<semaphore_mem>> -> memref<!tpu.dma_semaphore, #tpu.memory_space<semaphore_mem>>
        %dma_start3A_237 = arith.constant 0 : i32
        %dma_start3A_238 = arith.constant 0 : i32
        %dma_start3A_239 = tpu.memref_slice %arg4[%add3A, %add3A_229, %dma_start3A_237, %dma_start3A_238] : memref<32x80x1x125xi32, #tpu.memory_space<hbm>> -> memref<1x1x1x125xi32, #tpu.memory_space<hbm>>
        %dma_start3A_240 = tpu.memref_squeeze %dma_start3A_239 : memref<1x1x1x125xi32, #tpu.memory_space<hbm>> -> memref<1x125xi32, #tpu.memory_space<hbm>>
        tpu.enqueue_dma source(%dma_start3A_240 : memref<1x125xi32, #tpu.memory_space<hbm>>) target(%arg10 : memref<1x125xi32, #tpu.memory_space<vmem>>) target_semaphore(%dma_start3A_236 : memref<!tpu.dma_semaphore, #tpu.memory_space<semaphore_mem>>)
      } else {
      }
    }
    %scan3A_50 = arith.constant 40 : i32
    %barrier3A_51 = arith.constant 0 : index
    tpu.barrier barrier_id(%barrier3A_51)
    %mul3A_52 = arith.constant 624 : i32
    %mul3A_53 = arith.muli %arg1, %mul3A_52 : i32
    %mul3A_54 = arith.constant 624 : i32
    %mul3A_55 = arith.muli %arg1, %mul3A_54 : i32
    "tpu.region"() ({
      %run_scoped3A_61 = tpu.sem_alloc : memref<!tpu.dma_semaphore, #tpu.memory_space<semaphore_mem>>
      %dma_start3A_62 = arith.constant 0 : i32
      %dma_start3A_63 = tpu.memref_slice %arg6[%arg0, %mul3A_55, %dma_start3A_62] : memref<2x10000x128xf32, #tpu.memory_space<hbm>> -> memref<1x624x128xf32, #tpu.memory_space<hbm>>
      %dma_start3A_64 = tpu.memref_squeeze %dma_start3A_63 : memref<1x624x128xf32, #tpu.memory_space<hbm>> -> memref<624x128xf32, #tpu.memory_space<hbm>>
      %dma_start3A_65 = arith.constant 0 : i32
      %dma_start3A_66 = tpu.memref_slice %arg13[%mul3A_53, %dma_start3A_65] : memref<10000x128xf32, #tpu.memory_space<vmem_shared>> -> memref<624x128xf32, #tpu.memory_space<vmem_shared>>
      tpu.enqueue_dma source(%dma_start3A_66 : memref<624x128xf32, #tpu.memory_space<vmem_shared>>) target(%dma_start3A_64 : memref<624x128xf32, #tpu.memory_space<hbm>>) target_semaphore(%run_scoped3A_61 : memref<!tpu.dma_semaphore, #tpu.memory_space<semaphore_mem>>)
      %dma_wait3A = arith.constant 0 : i32
      %dma_wait3A_67 = tpu.memref_slice %arg6[%arg0, %mul3A_55, %dma_wait3A] : memref<2x10000x128xf32, #tpu.memory_space<hbm>> -> memref<1x624x128xf32, #tpu.memory_space<hbm>>
      %dma_wait3A_68 = tpu.memref_squeeze %dma_wait3A_67 : memref<1x624x128xf32, #tpu.memory_space<hbm>> -> memref<624x128xf32, #tpu.memory_space<hbm>>
      %dma_wait3A_69 = arith.constant 0 : i32
      %dma_wait3A_70 = tpu.memref_slice %arg13[%mul3A_53, %dma_wait3A_69] : memref<10000x128xf32, #tpu.memory_space<vmem_shared>> -> memref<624x128xf32, #tpu.memory_space<vmem_shared>>
      tpu.wait_dma2 semaphore(%run_scoped3A_61 : memref<!tpu.dma_semaphore, #tpu.memory_space<semaphore_mem>>) src(%dma_wait3A_70 : memref<624x128xf32, #tpu.memory_space<vmem_shared>>) dst(%dma_wait3A_68 : memref<624x128xf32, #tpu.memory_space<hbm>>)
      tpu.yield
    }) : () -> ()
    %eq3A_56 = arith.constant 0 : i32
    %eq3A_57 = arith.cmpi eq, %arg1, %eq3A_56 : i32
    %convert_element_type3A_58 = arith.extui %eq3A_57 : i1 to i32
    %cond3A_59 = arith.constant 0 : i32
    %cond3A_60 = arith.cmpi ne, %convert_element_type3A_58, %cond3A_59 : i32
    scf.if %cond3A_60 {
      "tpu.region"() ({
        %run_scoped3A_61 = tpu.sem_alloc : memref<!tpu.dma_semaphore, #tpu.memory_space<semaphore_mem>>
        %dma_start3A_62 = arith.constant 9984 : i32
        %dma_start3A_63 = arith.constant 0 : i32
        %dma_start3A_64 = tpu.memref_slice %arg6[%arg0, %dma_start3A_62, %dma_start3A_63] : memref<2x10000x128xf32, #tpu.memory_space<hbm>> -> memref<1x16x128xf32, #tpu.memory_space<hbm>>
        %dma_start3A_65 = tpu.memref_squeeze %dma_start3A_64 : memref<1x16x128xf32, #tpu.memory_space<hbm>> -> memref<16x128xf32, #tpu.memory_space<hbm>>
        %dma_start3A_66 = arith.constant 9984 : i32
        %dma_start3A_67 = arith.constant 0 : i32
        %dma_start3A_68 = tpu.memref_slice %arg13[%dma_start3A_66, %dma_start3A_67] : memref<10000x128xf32, #tpu.memory_space<vmem_shared>> -> memref<16x128xf32, #tpu.memory_space<vmem_shared>>
        tpu.enqueue_dma source(%dma_start3A_68 : memref<16x128xf32, #tpu.memory_space<vmem_shared>>) target(%dma_start3A_65 : memref<16x128xf32, #tpu.memory_space<hbm>>) target_semaphore(%run_scoped3A_61 : memref<!tpu.dma_semaphore, #tpu.memory_space<semaphore_mem>>)
        %dma_wait3A = arith.constant 9984 : i32
        %dma_wait3A_69 = arith.constant 0 : i32
        %dma_wait3A_70 = tpu.memref_slice %arg6[%arg0, %dma_wait3A, %dma_wait3A_69] : memref<2x10000x128xf32, #tpu.memory_space<hbm>> -> memref<1x16x128xf32, #tpu.memory_space<hbm>>
        %dma_wait3A_71 = tpu.memref_squeeze %dma_wait3A_70 : memref<1x16x128xf32, #tpu.memory_space<hbm>> -> memref<16x128xf32, #tpu.memory_space<hbm>>
        %dma_wait3A_72 = arith.constant 9984 : i32
        %dma_wait3A_73 = arith.constant 0 : i32
        %dma_wait3A_74 = tpu.memref_slice %arg13[%dma_wait3A_72, %dma_wait3A_73] : memref<10000x128xf32, #tpu.memory_space<vmem_shared>> -> memref<16x128xf32, #tpu.memory_space<vmem_shared>>
        tpu.wait_dma2 semaphore(%run_scoped3A_61 : memref<!tpu.dma_semaphore, #tpu.memory_space<semaphore_mem>>) src(%dma_wait3A_74 : memref<16x128xf32, #tpu.memory_space<vmem_shared>>) dst(%dma_wait3A_71 : memref<16x128xf32, #tpu.memory_space<hbm>>)
        tpu.yield
      }) : () -> ()
    } else {
    }
    return
  }
}

#map = affine_map<(d0, d1) -> (0, 0)>
#map1 = affine_map<(d0, d1) -> (0, 0, 0, 0)>
#map2 = affine_map<(d0, d1) -> (0, 0, 0)>
module attributes {stable_mosaic.version = 14 : i64} {
  func.func @segsum(%arg0: i32, %arg1: i32, %arg2: memref<10000x128xf32, #tpu.memory_space<hbm>>, %arg3: memref<32x80x1x125xi32, #tpu.memory_space<hbm>>, %arg4: memref<32x80x1x125xi32, #tpu.memory_space<hbm>>, %arg5: memref<10000x128xf32, #tpu.memory_space<hbm>>, %arg6: memref<2x10000x128xf32, #tpu.memory_space<hbm>>, %arg7: memref<1x125xi32, #tpu.memory_space<vmem>>, %arg8: memref<1x125xi32, #tpu.memory_space<vmem>>, %arg9: memref<1x125xi32, #tpu.memory_space<vmem>>, %arg10: memref<1x125xi32, #tpu.memory_space<vmem>>, %arg11: memref<1x125x128xf32, #tpu.memory_space<vmem>>, %arg12: memref<1x125x128xf32, #tpu.memory_space<vmem>>, %arg13: memref<10000x128xf32, #tpu.memory_space<vmem_shared>>, %arg14: memref<1x!tpu.dma_semaphore, #tpu.memory_space<semaphore_mem>>, %arg15: memref<1x!tpu.dma_semaphore, #tpu.memory_space<semaphore_mem>>, %arg16: memref<1x!tpu.dma_semaphore, #tpu.memory_space<semaphore_mem>>, %arg17: memref<1x!tpu.dma_semaphore, #tpu.memory_space<semaphore_mem>>, %arg18: memref<2x!tpu.dma_semaphore, #tpu.memory_space<semaphore_mem>>, %arg19: memref<2x!tpu.dma_semaphore, #tpu.memory_space<semaphore_mem>>) attributes {dimension_semantics = [#tpu.dimension_semantics<core_parallel>, #tpu.dimension_semantics<subcore_parallel>], iteration_bounds = array<i64: 2, 16>, scalar_prefetch = 0 : i64, scratch_operands = 13 : i64, tpu.core_type = #tpu.core_type<sc_vector_subcore>, window_params = [{transform_indices = #map}, {transform_indices = #map1}, {transform_indices = #map1}, {transform_indices = #map}, {transform_indices = #map2}]} {
    %mul3A = arith.constant 2 : i32
    %mul3A_0 = arith.muli %arg1, %mul3A : i32
    %add3A = arith.addi %mul3A_0, %arg0 : i32
    %mul3A_1 = arith.constant 624 : i32
    %mul3A_2 = arith.muli %arg1, %mul3A_1 : i32
    %mul3A_3 = arith.constant 624 : i32
    %mul3A_4 = arith.muli %arg1, %mul3A_3 : i32
    "tpu.region"() ({
      %run_scoped3A_61 = tpu.sem_alloc : memref<!tpu.dma_semaphore, #tpu.memory_space<semaphore_mem>>
      %dma_start3A_62 = arith.constant 0 : i32
      %dma_start3A_63 = tpu.memref_slice %arg13[%mul3A_4, %dma_start3A_62] : memref<10000x128xf32, #tpu.memory_space<vmem_shared>> -> memref<624x128xf32, #tpu.memory_space<vmem_shared>>
      %dma_start3A_64 = arith.constant 0 : i32
      %dma_start3A_65 = tpu.memref_slice %arg5[%mul3A_2, %dma_start3A_64] : memref<10000x128xf32, #tpu.memory_space<hbm>> -> memref<624x128xf32, #tpu.memory_space<hbm>>
      tpu.enqueue_dma source(%dma_start3A_65 : memref<624x128xf32, #tpu.memory_space<hbm>>) target(%dma_start3A_63 : memref<624x128xf32, #tpu.memory_space<vmem_shared>>) target_semaphore(%run_scoped3A_61 : memref<!tpu.dma_semaphore, #tpu.memory_space<semaphore_mem>>)
      %dma_wait3A = arith.constant 0 : i32
      %dma_wait3A_66 = tpu.memref_slice %arg13[%mul3A_4, %dma_wait3A] : memref<10000x128xf32, #tpu.memory_space<vmem_shared>> -> memref<624x128xf32, #tpu.memory_space<vmem_shared>>
      %dma_wait3A_67 = arith.constant 0 : i32
      %dma_wait3A_68 = tpu.memref_slice %arg5[%mul3A_2, %dma_wait3A_67] : memref<10000x128xf32, #tpu.memory_space<hbm>> -> memref<624x128xf32, #tpu.memory_space<hbm>>
      tpu.wait_dma2 semaphore(%run_scoped3A_61 : memref<!tpu.dma_semaphore, #tpu.memory_space<semaphore_mem>>) src(%dma_wait3A_68 : memref<624x128xf32, #tpu.memory_space<hbm>>) dst(%dma_wait3A_66 : memref<624x128xf32, #tpu.memory_space<vmem_shared>>)
      tpu.yield
    }) : () -> ()
    %eq3A = arith.constant 0 : i32
    %eq3A_5 = arith.cmpi eq, %arg1, %eq3A : i32
    %convert_element_type3A = arith.extui %eq3A_5 : i1 to i32
    %cond3A = arith.constant 0 : i32
    %cond3A_6 = arith.cmpi ne, %convert_element_type3A, %cond3A : i32
    scf.if %cond3A_6 {
      "tpu.region"() ({
        %run_scoped3A_61 = tpu.sem_alloc : memref<!tpu.dma_semaphore, #tpu.memory_space<semaphore_mem>>
        %dma_start3A_62 = arith.constant 9984 : i32
        %dma_start3A_63 = arith.constant 0 : i32
        %dma_start3A_64 = tpu.memref_slice %arg13[%dma_start3A_62, %dma_start3A_63] : memref<10000x128xf32, #tpu.memory_space<vmem_shared>> -> memref<16x128xf32, #tpu.memory_space<vmem_shared>>
        %dma_start3A_65 = arith.constant 9984 : i32
        %dma_start3A_66 = arith.constant 0 : i32
        %dma_start3A_67 = tpu.memref_slice %arg5[%dma_start3A_65, %dma_start3A_66] : memref<10000x128xf32, #tpu.memory_space<hbm>> -> memref<16x128xf32, #tpu.memory_space<hbm>>
        tpu.enqueue_dma source(%dma_start3A_67 : memref<16x128xf32, #tpu.memory_space<hbm>>) target(%dma_start3A_64 : memref<16x128xf32, #tpu.memory_space<vmem_shared>>) target_semaphore(%run_scoped3A_61 : memref<!tpu.dma_semaphore, #tpu.memory_space<semaphore_mem>>)
        %dma_wait3A = arith.constant 9984 : i32
        %dma_wait3A_68 = arith.constant 0 : i32
        %dma_wait3A_69 = tpu.memref_slice %arg13[%dma_wait3A, %dma_wait3A_68] : memref<10000x128xf32, #tpu.memory_space<vmem_shared>> -> memref<16x128xf32, #tpu.memory_space<vmem_shared>>
        %dma_wait3A_70 = arith.constant 9984 : i32
        %dma_wait3A_71 = arith.constant 0 : i32
        %dma_wait3A_72 = tpu.memref_slice %arg5[%dma_wait3A_70, %dma_wait3A_71] : memref<10000x128xf32, #tpu.memory_space<hbm>> -> memref<16x128xf32, #tpu.memory_space<hbm>>
        tpu.wait_dma2 semaphore(%run_scoped3A_61 : memref<!tpu.dma_semaphore, #tpu.memory_space<semaphore_mem>>) src(%dma_wait3A_72 : memref<16x128xf32, #tpu.memory_space<hbm>>) dst(%dma_wait3A_69 : memref<16x128xf32, #tpu.memory_space<vmem_shared>>)
        tpu.yield
      }) : () -> ()
    } else {
    }
    %barrier3A = arith.constant 0 : index
    tpu.barrier barrier_id(%barrier3A)
    %run_scoped3A = arith.constant 0 : i32
    "tpu.region"() ({
      %run_scoped3A_61 = tpu.sem_alloc : memref<!tpu.dma_semaphore, #tpu.memory_space<semaphore_mem>>
      %dma_start3A_62 = arith.constant 0 : i32
      %dma_start3A_63 = arith.constant 0 : i32
      %dma_start3A_64 = tpu.memref_slice %arg3[%add3A, %run_scoped3A, %dma_start3A_62, %dma_start3A_63] : memref<32x80x1x125xi32, #tpu.memory_space<hbm>> -> memref<1x1x1x125xi32, #tpu.memory_space<hbm>>
      %dma_start3A_65 = tpu.memref_squeeze %dma_start3A_64 : memref<1x1x1x125xi32, #tpu.memory_space<hbm>> -> memref<1x125xi32, #tpu.memory_space<hbm>>
      %dma_start3A_66 = arith.constant 0 : i32
      %dma_start3A_67 = arith.constant 0 : i32
      %dma_start3A_68 = tpu.memref_slice %arg3[%add3A, %run_scoped3A, %dma_start3A_66, %dma_start3A_67] : memref<32x80x1x125xi32, #tpu.memory_space<hbm>> -> memref<1x1x1x125xi32, #tpu.memory_space<hbm>>
      %dma_start3A_69 = tpu.memref_squeeze %dma_start3A_68 : memref<1x1x1x125xi32, #tpu.memory_space<hbm>> -> memref<1x125xi32, #tpu.memory_space<hbm>>
      tpu.enqueue_dma source(%dma_start3A_69 : memref<1x125xi32, #tpu.memory_space<hbm>>) target(%arg7 : memref<1x125xi32, #tpu.memory_space<vmem>>) target_semaphore(%run_scoped3A_61 : memref<!tpu.dma_semaphore, #tpu.memory_space<semaphore_mem>>)
      %dma_wait3A = arith.constant 0 : i32
      %dma_wait3A_70 = arith.constant 0 : i32
      %dma_wait3A_71 = tpu.memref_slice %arg3[%add3A, %run_scoped3A, %dma_wait3A, %dma_wait3A_70] : memref<32x80x1x125xi32, #tpu.memory_space<hbm>> -> memref<1x1x1x125xi32, #tpu.memory_space<hbm>>
      %dma_wait3A_72 = tpu.memref_squeeze %dma_wait3A_71 : memref<1x1x1x125xi32, #tpu.memory_space<hbm>> -> memref<1x125xi32, #tpu.memory_space<hbm>>
      %dma_wait3A_73 = arith.constant 0 : i32
      %dma_wait3A_74 = arith.constant 0 : i32
      %dma_wait3A_75 = tpu.memref_slice %arg3[%add3A, %run_scoped3A, %dma_wait3A_73, %dma_wait3A_74] : memref<32x80x1x125xi32, #tpu.memory_space<hbm>> -> memref<1x1x1x125xi32, #tpu.memory_space<hbm>>
      %dma_wait3A_76 = tpu.memref_squeeze %dma_wait3A_75 : memref<1x1x1x125xi32, #tpu.memory_space<hbm>> -> memref<1x125xi32, #tpu.memory_space<hbm>>
      tpu.wait_dma2 semaphore(%run_scoped3A_61 : memref<!tpu.dma_semaphore, #tpu.memory_space<semaphore_mem>>) src(%dma_wait3A_76 : memref<1x125xi32, #tpu.memory_space<hbm>>) dst(%arg7 : memref<1x125xi32, #tpu.memory_space<vmem>>)
      tpu.yield
    }) : () -> ()
    %run_scoped3A_7 = arith.constant 0 : i32
    "tpu.region"() ({
      %run_scoped3A_61 = tpu.sem_alloc : memref<!tpu.dma_semaphore, #tpu.memory_space<semaphore_mem>>
      %dma_start3A_62 = arith.constant 0 : i32
      %dma_start3A_63 = arith.constant 0 : i32
      %dma_start3A_64 = tpu.memref_slice %arg4[%add3A, %run_scoped3A_7, %dma_start3A_62, %dma_start3A_63] : memref<32x80x1x125xi32, #tpu.memory_space<hbm>> -> memref<1x1x1x125xi32, #tpu.memory_space<hbm>>
      %dma_start3A_65 = tpu.memref_squeeze %dma_start3A_64 : memref<1x1x1x125xi32, #tpu.memory_space<hbm>> -> memref<1x125xi32, #tpu.memory_space<hbm>>
      %dma_start3A_66 = arith.constant 0 : i32
      %dma_start3A_67 = arith.constant 0 : i32
      %dma_start3A_68 = tpu.memref_slice %arg4[%add3A, %run_scoped3A_7, %dma_start3A_66, %dma_start3A_67] : memref<32x80x1x125xi32, #tpu.memory_space<hbm>> -> memref<1x1x1x125xi32, #tpu.memory_space<hbm>>
      %dma_start3A_69 = tpu.memref_squeeze %dma_start3A_68 : memref<1x1x1x125xi32, #tpu.memory_space<hbm>> -> memref<1x125xi32, #tpu.memory_space<hbm>>
      tpu.enqueue_dma source(%dma_start3A_69 : memref<1x125xi32, #tpu.memory_space<hbm>>) target(%arg9 : memref<1x125xi32, #tpu.memory_space<vmem>>) target_semaphore(%run_scoped3A_61 : memref<!tpu.dma_semaphore, #tpu.memory_space<semaphore_mem>>)
      %dma_wait3A = arith.constant 0 : i32
      %dma_wait3A_70 = arith.constant 0 : i32
      %dma_wait3A_71 = tpu.memref_slice %arg4[%add3A, %run_scoped3A_7, %dma_wait3A, %dma_wait3A_70] : memref<32x80x1x125xi32, #tpu.memory_space<hbm>> -> memref<1x1x1x125xi32, #tpu.memory_space<hbm>>
      %dma_wait3A_72 = tpu.memref_squeeze %dma_wait3A_71 : memref<1x1x1x125xi32, #tpu.memory_space<hbm>> -> memref<1x125xi32, #tpu.memory_space<hbm>>
      %dma_wait3A_73 = arith.constant 0 : i32
      %dma_wait3A_74 = arith.constant 0 : i32
      %dma_wait3A_75 = tpu.memref_slice %arg4[%add3A, %run_scoped3A_7, %dma_wait3A_73, %dma_wait3A_74] : memref<32x80x1x125xi32, #tpu.memory_space<hbm>> -> memref<1x1x1x125xi32, #tpu.memory_space<hbm>>
      %dma_wait3A_76 = tpu.memref_squeeze %dma_wait3A_75 : memref<1x1x1x125xi32, #tpu.memory_space<hbm>> -> memref<1x125xi32, #tpu.memory_space<hbm>>
      tpu.wait_dma2 semaphore(%run_scoped3A_61 : memref<!tpu.dma_semaphore, #tpu.memory_space<semaphore_mem>>) src(%dma_wait3A_76 : memref<1x125xi32, #tpu.memory_space<hbm>>) dst(%arg9 : memref<1x125xi32, #tpu.memory_space<vmem>>)
      tpu.yield
    }) : () -> ()
    %dma_start3A = arith.constant 1 : i32
    %dma_start3A_8 = arith.constant 0 : i32
    %dma_start3A_9 = arith.constant 0 : i32
    %dma_start3A_10 = arith.constant 0 : i32
    %dma_start3A_11 = tpu.memref_slice %arg3[%add3A, %dma_start3A, %dma_start3A_9, %dma_start3A_10] : memref<32x80x1x125xi32, #tpu.memory_space<hbm>> -> memref<1x1x1x125xi32, #tpu.memory_space<hbm>>
    %dma_start3A_12 = tpu.memref_squeeze %dma_start3A_11 : memref<1x1x1x125xi32, #tpu.memory_space<hbm>> -> memref<1x125xi32, #tpu.memory_space<hbm>>
    %dma_start3A_13 = tpu.memref_slice %arg19[%dma_start3A_8] : memref<2x!tpu.dma_semaphore, #tpu.memory_space<semaphore_mem>> -> memref<1x!tpu.dma_semaphore, #tpu.memory_space<semaphore_mem>>
    %dma_start3A_14 = tpu.memref_squeeze %dma_start3A_13 : memref<1x!tpu.dma_semaphore, #tpu.memory_space<semaphore_mem>> -> memref<!tpu.dma_semaphore, #tpu.memory_space<semaphore_mem>>
    %dma_start3A_15 = arith.constant 0 : i32
    %dma_start3A_16 = arith.constant 0 : i32
    %dma_start3A_17 = tpu.memref_slice %arg3[%add3A, %dma_start3A, %dma_start3A_15, %dma_start3A_16] : memref<32x80x1x125xi32, #tpu.memory_space<hbm>> -> memref<1x1x1x125xi32, #tpu.memory_space<hbm>>
    %dma_start3A_18 = tpu.memref_squeeze %dma_start3A_17 : memref<1x1x1x125xi32, #tpu.memory_space<hbm>> -> memref<1x125xi32, #tpu.memory_space<hbm>>
    tpu.enqueue_dma source(%dma_start3A_18 : memref<1x125xi32, #tpu.memory_space<hbm>>) target(%arg8 : memref<1x125xi32, #tpu.memory_space<vmem>>) target_semaphore(%dma_start3A_14 : memref<!tpu.dma_semaphore, #tpu.memory_space<semaphore_mem>>)
    %dma_start3A_19 = arith.constant 1 : i32
    %dma_start3A_20 = arith.constant 1 : i32
    %dma_start3A_21 = arith.constant 0 : i32
    %dma_start3A_22 = arith.constant 0 : i32
    %dma_start3A_23 = tpu.memref_slice %arg4[%add3A, %dma_start3A_19, %dma_start3A_21, %dma_start3A_22] : memref<32x80x1x125xi32, #tpu.memory_space<hbm>> -> memref<1x1x1x125xi32, #tpu.memory_space<hbm>>
    %dma_start3A_24 = tpu.memref_squeeze %dma_start3A_23 : memref<1x1x1x125xi32, #tpu.memory_space<hbm>> -> memref<1x125xi32, #tpu.memory_space<hbm>>
    %dma_start3A_25 = tpu.memref_slice %arg19[%dma_start3A_20] : memref<2x!tpu.dma_semaphore, #tpu.memory_space<semaphore_mem>> -> memref<1x!tpu.dma_semaphore, #tpu.memory_space<semaphore_mem>>
    %dma_start3A_26 = tpu.memref_squeeze %dma_start3A_25 : memref<1x!tpu.dma_semaphore, #tpu.memory_space<semaphore_mem>> -> memref<!tpu.dma_semaphore, #tpu.memory_space<semaphore_mem>>
    %dma_start3A_27 = arith.constant 0 : i32
    %dma_start3A_28 = arith.constant 0 : i32
    %dma_start3A_29 = tpu.memref_slice %arg4[%add3A, %dma_start3A_19, %dma_start3A_27, %dma_start3A_28] : memref<32x80x1x125xi32, #tpu.memory_space<hbm>> -> memref<1x1x1x125xi32, #tpu.memory_space<hbm>>
    %dma_start3A_30 = tpu.memref_squeeze %dma_start3A_29 : memref<1x1x1x125xi32, #tpu.memory_space<hbm>> -> memref<1x125xi32, #tpu.memory_space<hbm>>
    tpu.enqueue_dma source(%dma_start3A_30 : memref<1x125xi32, #tpu.memory_space<hbm>>) target(%arg10 : memref<1x125xi32, #tpu.memory_space<vmem>>) target_semaphore(%dma_start3A_26 : memref<!tpu.dma_semaphore, #tpu.memory_space<semaphore_mem>>)
    %dma_start3A_31 = arith.constant 0 : i32
    %dma_start3A_32 = arith.constant 0 : i32
    %dma_start3A_33 = arith.constant 0 : i32
    %dma_start3A_34 = arith.constant 0 : i32
    %dma_start3A_35 = arith.constant 0 : i32
    %dma_start3A_36 = tpu.memref_slice %arg11[%dma_start3A_32, %dma_start3A_34, %dma_start3A_35] : memref<1x125x128xf32, #tpu.memory_space<vmem>> -> memref<1x125x128xf32, #tpu.memory_space<vmem>>
    %dma_start3A_37 = tpu.memref_squeeze %dma_start3A_36 : memref<1x125x128xf32, #tpu.memory_space<vmem>> -> memref<125x128xf32, #tpu.memory_space<vmem>>
    %dma_start3A_38 = arith.constant 0 : i32
    %dma_start3A_39 = tpu.memref_slice %arg7[%dma_start3A_31, %dma_start3A_38] : memref<1x125xi32, #tpu.memory_space<vmem>> -> memref<1x125xi32, #tpu.memory_space<vmem>>
    %dma_start3A_40 = tpu.memref_squeeze %dma_start3A_39 : memref<1x125xi32, #tpu.memory_space<vmem>> -> memref<125xi32, #tpu.memory_space<vmem>>
    %dma_start3A_41 = arith.constant 0 : i32
    %dma_start3A_42 = arith.constant 0 : i32
    %dma_start3A_43 = tpu.memref_slice %arg2[%dma_start3A_41, %dma_start3A_42] : memref<10000x128xf32, #tpu.memory_space<hbm>> -> memref<10000x128xf32, #tpu.memory_space<hbm>>
    %dma_start3A_44 = tpu.memref_slice %arg14[%dma_start3A_33] : memref<1x!tpu.dma_semaphore, #tpu.memory_space<semaphore_mem>> -> memref<1x!tpu.dma_semaphore, #tpu.memory_space<semaphore_mem>>
    %dma_start3A_45 = tpu.memref_squeeze %dma_start3A_44 : memref<1x!tpu.dma_semaphore, #tpu.memory_space<semaphore_mem>> -> memref<!tpu.dma_semaphore, #tpu.memory_space<semaphore_mem>>
    tpu.enqueue_indirect_dma source(%dma_start3A_43 : memref<10000x128xf32, #tpu.memory_space<hbm>>) target(%dma_start3A_37 : memref<125x128xf32, #tpu.memory_space<vmem>>) offsets(%dma_start3A_40 : memref<125xi32, #tpu.memory_space<vmem>>) semaphore(%dma_start3A_45 : memref<!tpu.dma_semaphore, #tpu.memory_space<semaphore_mem>>)
    %scan3A = arith.constant 0 : i32
    %scan3A_46 = arith.constant 0 : i32
    %scan3A_47 = arith.constant 40 : i32
    %scan3A_48 = arith.addi %scan3A_46, %scan3A_47 : i32
    %scan3A_49 = arith.constant 1 : i32
    scf.for %scan3A_61 = %scan3A_46 to %scan3A_48 step %scan3A_49  : i32 {
      %mul3A_62 = arith.constant 2 : i32
      %mul3A_63 = arith.muli %mul3A_62, %scan3A_61 : i32
      %dma_wait3A = arith.constant 0 : i32
      %dma_wait3A_64 = arith.constant 0 : i32
      %dma_wait3A_65 = arith.constant 0 : i32
      %dma_wait3A_66 = arith.constant 0 : i32
      %dma_wait3A_67 = arith.constant 0 : i32
      %dma_wait3A_68 = tpu.memref_slice %arg11[%dma_wait3A_64, %dma_wait3A_66, %dma_wait3A_67] : memref<1x125x128xf32, #tpu.memory_space<vmem>> -> memref<1x125x128xf32, #tpu.memory_space<vmem>>
      %dma_wait3A_69 = tpu.memref_squeeze %dma_wait3A_68 : memref<1x125x128xf32, #tpu.memory_space<vmem>> -> memref<125x128xf32, #tpu.memory_space<vmem>>
      %dma_wait3A_70 = arith.constant 0 : i32
      %dma_wait3A_71 = tpu.memref_slice %arg7[%dma_wait3A, %dma_wait3A_70] : memref<1x125xi32, #tpu.memory_space<vmem>> -> memref<1x125xi32, #tpu.memory_space<vmem>>
      %dma_wait3A_72 = tpu.memref_squeeze %dma_wait3A_71 : memref<1x125xi32, #tpu.memory_space<vmem>> -> memref<125xi32, #tpu.memory_space<vmem>>
      %dma_wait3A_73 = arith.constant 0 : i32
      %dma_wait3A_74 = arith.constant 0 : i32
      %dma_wait3A_75 = tpu.memref_slice %arg2[%dma_wait3A_73, %dma_wait3A_74] : memref<10000x128xf32, #tpu.memory_space<hbm>> -> memref<10000x128xf32, #tpu.memory_space<hbm>>
      %dma_wait3A_76 = tpu.memref_slice %arg14[%dma_wait3A_65] : memref<1x!tpu.dma_semaphore, #tpu.memory_space<semaphore_mem>> -> memref<1x!tpu.dma_semaphore, #tpu.memory_space<semaphore_mem>>
      %dma_wait3A_77 = tpu.memref_squeeze %dma_wait3A_76 : memref<1x!tpu.dma_semaphore, #tpu.memory_space<semaphore_mem>> -> memref<!tpu.dma_semaphore, #tpu.memory_space<semaphore_mem>>
      tpu.wait_indirect_dma semaphore(%dma_wait3A_77 : memref<!tpu.dma_semaphore, #tpu.memory_space<semaphore_mem>>) src(%dma_wait3A_75 : memref<10000x128xf32, #tpu.memory_space<hbm>>) dst(%dma_wait3A_69 : memref<125x128xf32, #tpu.memory_space<vmem>>)
      %add3A_78 = arith.constant 2 : i32
      %add3A_79 = arith.addi %mul3A_63, %add3A_78 : i32
      %lt3A = arith.constant 80 : i32
      %lt3A_80 = arith.cmpi slt, %add3A_79, %lt3A : i32
      %convert_element_type3A_81 = arith.extui %lt3A_80 : i1 to i32
      %cond3A_82 = arith.constant 0 : i32
      %cond3A_83 = arith.cmpi ne, %convert_element_type3A_81, %cond3A_82 : i32
      scf.if %cond3A_83 {
        %add3A_228 = arith.constant 2 : i32
        %add3A_229 = arith.addi %mul3A_63, %add3A_228 : i32
        %dma_start3A_230 = arith.constant 0 : i32
        %dma_start3A_231 = arith.constant 0 : i32
        %dma_start3A_232 = arith.constant 0 : i32
        %dma_start3A_233 = tpu.memref_slice %arg3[%add3A, %add3A_229, %dma_start3A_231, %dma_start3A_232] : memref<32x80x1x125xi32, #tpu.memory_space<hbm>> -> memref<1x1x1x125xi32, #tpu.memory_space<hbm>>
        %dma_start3A_234 = tpu.memref_squeeze %dma_start3A_233 : memref<1x1x1x125xi32, #tpu.memory_space<hbm>> -> memref<1x125xi32, #tpu.memory_space<hbm>>
        %dma_start3A_235 = tpu.memref_slice %arg18[%dma_start3A_230] : memref<2x!tpu.dma_semaphore, #tpu.memory_space<semaphore_mem>> -> memref<1x!tpu.dma_semaphore, #tpu.memory_space<semaphore_mem>>
        %dma_start3A_236 = tpu.memref_squeeze %dma_start3A_235 : memref<1x!tpu.dma_semaphore, #tpu.memory_space<semaphore_mem>> -> memref<!tpu.dma_semaphore, #tpu.memory_space<semaphore_mem>>
        %dma_start3A_237 = arith.constant 0 : i32
        %dma_start3A_238 = arith.constant 0 : i32
        %dma_start3A_239 = tpu.memref_slice %arg3[%add3A, %add3A_229, %dma_start3A_237, %dma_start3A_238] : memref<32x80x1x125xi32, #tpu.memory_space<hbm>> -> memref<1x1x1x125xi32, #tpu.memory_space<hbm>>
        %dma_start3A_240 = tpu.memref_squeeze %dma_start3A_239 : memref<1x1x1x125xi32, #tpu.memory_space<hbm>> -> memref<1x125xi32, #tpu.memory_space<hbm>>
        tpu.enqueue_dma source(%dma_start3A_240 : memref<1x125xi32, #tpu.memory_space<hbm>>) target(%arg7 : memref<1x125xi32, #tpu.memory_space<vmem>>) target_semaphore(%dma_start3A_236 : memref<!tpu.dma_semaphore, #tpu.memory_space<semaphore_mem>>)
      } else {
      }
      %dma_start3A_84 = arith.constant 0 : i32
      %dma_start3A_85 = arith.constant 0 : i32
      %dma_start3A_86 = arith.constant 0 : i32
      %dma_start3A_87 = arith.constant 0 : i32
      %dma_start3A_88 = arith.constant 0 : i32
      %dma_start3A_89 = tpu.memref_slice %arg11[%dma_start3A_84, %dma_start3A_87, %dma_start3A_88] : memref<1x125x128xf32, #tpu.memory_space<vmem>> -> memref<1x125x128xf32, #tpu.memory_space<vmem>>
      %dma_start3A_90 = tpu.memref_squeeze %dma_start3A_89 : memref<1x125x128xf32, #tpu.memory_space<vmem>> -> memref<125x128xf32, #tpu.memory_space<vmem>>
      %dma_start3A_91 = arith.constant 0 : i32
      %dma_start3A_92 = tpu.memref_slice %arg9[%dma_start3A_85, %dma_start3A_91] : memref<1x125xi32, #tpu.memory_space<vmem>> -> memref<1x125xi32, #tpu.memory_space<vmem>>
      %dma_start3A_93 = tpu.memref_squeeze %dma_start3A_92 : memref<1x125xi32, #tpu.memory_space<vmem>> -> memref<125xi32, #tpu.memory_space<vmem>>
      %dma_start3A_94 = arith.constant 0 : i32
      %dma_start3A_95 = arith.constant 0 : i32
      %dma_start3A_96 = tpu.memref_slice %arg13[%dma_start3A_94, %dma_start3A_95] : memref<10000x128xf32, #tpu.memory_space<vmem_shared>> -> memref<10000x128xf32, #tpu.memory_space<vmem_shared>>
      %dma_start3A_97 = tpu.memref_slice %arg16[%dma_start3A_86] : memref<1x!tpu.dma_semaphore, #tpu.memory_space<semaphore_mem>> -> memref<1x!tpu.dma_semaphore, #tpu.memory_space<semaphore_mem>>
      %dma_start3A_98 = tpu.memref_squeeze %dma_start3A_97 : memref<1x!tpu.dma_semaphore, #tpu.memory_space<semaphore_mem>> -> memref<!tpu.dma_semaphore, #tpu.memory_space<semaphore_mem>>
      tpu.enqueue_indirect_dma source(%dma_start3A_90 : memref<125x128xf32, #tpu.memory_space<vmem>>) target(%dma_start3A_96 : memref<10000x128xf32, #tpu.memory_space<vmem_shared>>) offsets(%dma_start3A_93 : memref<125xi32, #tpu.memory_space<vmem>>) semaphore(%dma_start3A_98 : memref<!tpu.dma_semaphore, #tpu.memory_space<semaphore_mem>>) {add = true}
      %dma_wait3A_99 = arith.constant 0 : i32
      %dma_wait3A_100 = arith.constant 0 : i32
      %dma_wait3A_101 = arith.constant 0 : i32
      %dma_wait3A_102 = arith.constant 0 : i32
      %dma_wait3A_103 = arith.constant 0 : i32
      %dma_wait3A_104 = tpu.memref_slice %arg3[%dma_wait3A_99, %dma_wait3A_100, %dma_wait3A_102, %dma_wait3A_103] : memref<32x80x1x125xi32, #tpu.memory_space<hbm>> -> memref<1x1x1x125xi32, #tpu.memory_space<hbm>>
      %dma_wait3A_105 = tpu.memref_squeeze %dma_wait3A_104 : memref<1x1x1x125xi32, #tpu.memory_space<hbm>> -> memref<1x125xi32, #tpu.memory_space<hbm>>
      %dma_wait3A_106 = tpu.memref_slice %arg19[%dma_wait3A_101] : memref<2x!tpu.dma_semaphore, #tpu.memory_space<semaphore_mem>> -> memref<1x!tpu.dma_semaphore, #tpu.memory_space<semaphore_mem>>
      %dma_wait3A_107 = tpu.memref_squeeze %dma_wait3A_106 : memref<1x!tpu.dma_semaphore, #tpu.memory_space<semaphore_mem>> -> memref<!tpu.dma_semaphore, #tpu.memory_space<semaphore_mem>>
      %dma_wait3A_108 = arith.constant 0 : i32
      %dma_wait3A_109 = arith.constant 0 : i32
      %dma_wait3A_110 = tpu.memref_slice %arg3[%dma_wait3A_99, %dma_wait3A_100, %dma_wait3A_108, %dma_wait3A_109] : memref<32x80x1x125xi32, #tpu.memory_space<hbm>> -> memref<1x1x1x125xi32, #tpu.memory_space<hbm>>
      %dma_wait3A_111 = tpu.memref_squeeze %dma_wait3A_110 : memref<1x1x1x125xi32, #tpu.memory_space<hbm>> -> memref<1x125xi32, #tpu.memory_space<hbm>>
      tpu.wait_dma2 semaphore(%dma_wait3A_107 : memref<!tpu.dma_semaphore, #tpu.memory_space<semaphore_mem>>) src(%dma_wait3A_111 : memref<1x125xi32, #tpu.memory_space<hbm>>) dst(%arg8 : memref<1x125xi32, #tpu.memory_space<vmem>>)
      %dma_wait3A_112 = arith.constant 0 : i32
      %dma_wait3A_113 = arith.constant 0 : i32
      %dma_wait3A_114 = arith.constant 1 : i32
      %dma_wait3A_115 = arith.constant 0 : i32
      %dma_wait3A_116 = arith.constant 0 : i32
      %dma_wait3A_117 = tpu.memref_slice %arg4[%dma_wait3A_112, %dma_wait3A_113, %dma_wait3A_115, %dma_wait3A_116] : memref<32x80x1x125xi32, #tpu.memory_space<hbm>> -> memref<1x1x1x125xi32, #tpu.memory_space<hbm>>
      %dma_wait3A_118 = tpu.memref_squeeze %dma_wait3A_117 : memref<1x1x1x125xi32, #tpu.memory_space<hbm>> -> memref<1x125xi32, #tpu.memory_space<hbm>>
      %dma_wait3A_119 = tpu.memref_slice %arg19[%dma_wait3A_114] : memref<2x!tpu.dma_semaphore, #tpu.memory_space<semaphore_mem>> -> memref<1x!tpu.dma_semaphore, #tpu.memory_space<semaphore_mem>>
      %dma_wait3A_120 = tpu.memref_squeeze %dma_wait3A_119 : memref<1x!tpu.dma_semaphore, #tpu.memory_space<semaphore_mem>> -> memref<!tpu.dma_semaphore, #tpu.memory_space<semaphore_mem>>
      %dma_wait3A_121 = arith.constant 0 : i32
      %dma_wait3A_122 = arith.constant 0 : i32
      %dma_wait3A_123 = tpu.memref_slice %arg4[%dma_wait3A_112, %dma_wait3A_113, %dma_wait3A_121, %dma_wait3A_122] : memref<32x80x1x125xi32, #tpu.memory_space<hbm>> -> memref<1x1x1x125xi32, #tpu.memory_space<hbm>>
      %dma_wait3A_124 = tpu.memref_squeeze %dma_wait3A_123 : memref<1x1x1x125xi32, #tpu.memory_space<hbm>> -> memref<1x125xi32, #tpu.memory_space<hbm>>
      tpu.wait_dma2 semaphore(%dma_wait3A_120 : memref<!tpu.dma_semaphore, #tpu.memory_space<semaphore_mem>>) src(%dma_wait3A_124 : memref<1x125xi32, #tpu.memory_space<hbm>>) dst(%arg10 : memref<1x125xi32, #tpu.memory_space<vmem>>)
      %dma_start3A_125 = arith.constant 0 : i32
      %dma_start3A_126 = arith.constant 0 : i32
      %dma_start3A_127 = arith.constant 0 : i32
      %dma_start3A_128 = arith.constant 0 : i32
      %dma_start3A_129 = arith.constant 0 : i32
      %dma_start3A_130 = tpu.memref_slice %arg12[%dma_start3A_126, %dma_start3A_128, %dma_start3A_129] : memref<1x125x128xf32, #tpu.memory_space<vmem>> -> memref<1x125x128xf32, #tpu.memory_space<vmem>>
      %dma_start3A_131 = tpu.memref_squeeze %dma_start3A_130 : memref<1x125x128xf32, #tpu.memory_space<vmem>> -> memref<125x128xf32, #tpu.memory_space<vmem>>
      %dma_start3A_132 = arith.constant 0 : i32
      %dma_start3A_133 = tpu.memref_slice %arg8[%dma_start3A_125, %dma_start3A_132] : memref<1x125xi32, #tpu.memory_space<vmem>> -> memref<1x125xi32, #tpu.memory_space<vmem>>
      %dma_start3A_134 = tpu.memref_squeeze %dma_start3A_133 : memref<1x125xi32, #tpu.memory_space<vmem>> -> memref<125xi32, #tpu.memory_space<vmem>>
      %dma_start3A_135 = arith.constant 0 : i32
      %dma_start3A_136 = arith.constant 0 : i32
      %dma_start3A_137 = tpu.memref_slice %arg2[%dma_start3A_135, %dma_start3A_136] : memref<10000x128xf32, #tpu.memory_space<hbm>> -> memref<10000x128xf32, #tpu.memory_space<hbm>>
      %dma_start3A_138 = tpu.memref_slice %arg15[%dma_start3A_127] : memref<1x!tpu.dma_semaphore, #tpu.memory_space<semaphore_mem>> -> memref<1x!tpu.dma_semaphore, #tpu.memory_space<semaphore_mem>>
      %dma_start3A_139 = tpu.memref_squeeze %dma_start3A_138 : memref<1x!tpu.dma_semaphore, #tpu.memory_space<semaphore_mem>> -> memref<!tpu.dma_semaphore, #tpu.memory_space<semaphore_mem>>
      tpu.enqueue_indirect_dma source(%dma_start3A_137 : memref<10000x128xf32, #tpu.memory_space<hbm>>) target(%dma_start3A_131 : memref<125x128xf32, #tpu.memory_space<vmem>>) offsets(%dma_start3A_134 : memref<125xi32, #tpu.memory_space<vmem>>) semaphore(%dma_start3A_139 : memref<!tpu.dma_semaphore, #tpu.memory_space<semaphore_mem>>)
      %dma_wait3A_140 = arith.constant 0 : i32
      %dma_wait3A_141 = arith.constant 0 : i32
      %dma_wait3A_142 = arith.constant 0 : i32
      %dma_wait3A_143 = arith.constant 0 : i32
      %dma_wait3A_144 = arith.constant 0 : i32
      %dma_wait3A_145 = tpu.memref_slice %arg11[%dma_wait3A_140, %dma_wait3A_143, %dma_wait3A_144] : memref<1x125x128xf32, #tpu.memory_space<vmem>> -> memref<1x125x128xf32, #tpu.memory_space<vmem>>
      %dma_wait3A_146 = tpu.memref_squeeze %dma_wait3A_145 : memref<1x125x128xf32, #tpu.memory_space<vmem>> -> memref<125x128xf32, #tpu.memory_space<vmem>>
      %dma_wait3A_147 = arith.constant 0 : i32
      %dma_wait3A_148 = tpu.memref_slice %arg9[%dma_wait3A_141, %dma_wait3A_147] : memref<1x125xi32, #tpu.memory_space<vmem>> -> memref<1x125xi32, #tpu.memory_space<vmem>>
      %dma_wait3A_149 = tpu.memref_squeeze %dma_wait3A_148 : memref<1x125xi32, #tpu.memory_space<vmem>> -> memref<125xi32, #tpu.memory_space<vmem>>
      %dma_wait3A_150 = arith.constant 0 : i32
      %dma_wait3A_151 = arith.constant 0 : i32
      %dma_wait3A_152 = tpu.memref_slice %arg13[%dma_wait3A_150, %dma_wait3A_151] : memref<10000x128xf32, #tpu.memory_space<vmem_shared>> -> memref<10000x128xf32, #tpu.memory_space<vmem_shared>>
      %dma_wait3A_153 = tpu.memref_slice %arg16[%dma_wait3A_142] : memref<1x!tpu.dma_semaphore, #tpu.memory_space<semaphore_mem>> -> memref<1x!tpu.dma_semaphore, #tpu.memory_space<semaphore_mem>>
      %dma_wait3A_154 = tpu.memref_squeeze %dma_wait3A_153 : memref<1x!tpu.dma_semaphore, #tpu.memory_space<semaphore_mem>> -> memref<!tpu.dma_semaphore, #tpu.memory_space<semaphore_mem>>
      tpu.wait_indirect_dma semaphore(%dma_wait3A_154 : memref<!tpu.dma_semaphore, #tpu.memory_space<semaphore_mem>>) src(%dma_wait3A_146 : memref<125x128xf32, #tpu.memory_space<vmem>>) dst(%dma_wait3A_152 : memref<10000x128xf32, #tpu.memory_space<vmem_shared>>)
      %add3A_155 = arith.constant 2 : i32
      %add3A_156 = arith.addi %mul3A_63, %add3A_155 : i32
      %lt3A_157 = arith.constant 80 : i32
      %lt3A_158 = arith.cmpi slt, %add3A_156, %lt3A_157 : i32
      %convert_element_type3A_159 = arith.extui %lt3A_158 : i1 to i32
      %cond3A_160 = arith.constant 0 : i32
      %cond3A_161 = arith.cmpi ne, %convert_element_type3A_159, %cond3A_160 : i32
      scf.if %cond3A_161 {
        %add3A_228 = arith.constant 2 : i32
        %add3A_229 = arith.addi %mul3A_63, %add3A_228 : i32
        %dma_start3A_230 = arith.constant 1 : i32
        %dma_start3A_231 = arith.constant 0 : i32
        %dma_start3A_232 = arith.constant 0 : i32
        %dma_start3A_233 = tpu.memref_slice %arg4[%add3A, %add3A_229, %dma_start3A_231, %dma_start3A_232] : memref<32x80x1x125xi32, #tpu.memory_space<hbm>> -> memref<1x1x1x125xi32, #tpu.memory_space<hbm>>
        %dma_start3A_234 = tpu.memref_squeeze %dma_start3A_233 : memref<1x1x1x125xi32, #tpu.memory_space<hbm>> -> memref<1x125xi32, #tpu.memory_space<hbm>>
        %dma_start3A_235 = tpu.memref_slice %arg18[%dma_start3A_230] : memref<2x!tpu.dma_semaphore, #tpu.memory_space<semaphore_mem>> -> memref<1x!tpu.dma_semaphore, #tpu.memory_space<semaphore_mem>>
        %dma_start3A_236 = tpu.memref_squeeze %dma_start3A_235 : memref<1x!tpu.dma_semaphore, #tpu.memory_space<semaphore_mem>> -> memref<!tpu.dma_semaphore, #tpu.memory_space<semaphore_mem>>
        %dma_start3A_237 = arith.constant 0 : i32
        %dma_start3A_238 = arith.constant 0 : i32
        %dma_start3A_239 = tpu.memref_slice %arg4[%add3A, %add3A_229, %dma_start3A_237, %dma_start3A_238] : memref<32x80x1x125xi32, #tpu.memory_space<hbm>> -> memref<1x1x1x125xi32, #tpu.memory_space<hbm>>
        %dma_start3A_240 = tpu.memref_squeeze %dma_start3A_239 : memref<1x1x1x125xi32, #tpu.memory_space<hbm>> -> memref<1x125xi32, #tpu.memory_space<hbm>>
        tpu.enqueue_dma source(%dma_start3A_240 : memref<1x125xi32, #tpu.memory_space<hbm>>) target(%arg9 : memref<1x125xi32, #tpu.memory_space<vmem>>) target_semaphore(%dma_start3A_236 : memref<!tpu.dma_semaphore, #tpu.memory_space<semaphore_mem>>)
      } else {
      }
      %dma_wait3A_162 = arith.constant 0 : i32
      %dma_wait3A_163 = arith.constant 0 : i32
      %dma_wait3A_164 = arith.constant 0 : i32
      %dma_wait3A_165 = arith.constant 0 : i32
      %dma_wait3A_166 = arith.constant 0 : i32
      %dma_wait3A_167 = tpu.memref_slice %arg12[%dma_wait3A_163, %dma_wait3A_165, %dma_wait3A_166] : memref<1x125x128xf32, #tpu.memory_space<vmem>> -> memref<1x125x128xf32, #tpu.memory_space<vmem>>
      %dma_wait3A_168 = tpu.memref_squeeze %dma_wait3A_167 : memref<1x125x128xf32, #tpu.memory_space<vmem>> -> memref<125x128xf32, #tpu.memory_space<vmem>>
      %dma_wait3A_169 = arith.constant 0 : i32
      %dma_wait3A_170 = tpu.memref_slice %arg7[%dma_wait3A_162, %dma_wait3A_169] : memref<1x125xi32, #tpu.memory_space<vmem>> -> memref<1x125xi32, #tpu.memory_space<vmem>>
      %dma_wait3A_171 = tpu.memref_squeeze %dma_wait3A_170 : memref<1x125xi32, #tpu.memory_space<vmem>> -> memref<125xi32, #tpu.memory_space<vmem>>
      %dma_wait3A_172 = arith.constant 0 : i32
      %dma_wait3A_173 = arith.constant 0 : i32
      %dma_wait3A_174 = tpu.memref_slice %arg2[%dma_wait3A_172, %dma_wait3A_173] : memref<10000x128xf32, #tpu.memory_space<hbm>> -> memref<10000x128xf32, #tpu.memory_space<hbm>>
      %dma_wait3A_175 = tpu.memref_slice %arg15[%dma_wait3A_164] : memref<1x!tpu.dma_semaphore, #tpu.memory_space<semaphore_mem>> -> memref<1x!tpu.dma_semaphore, #tpu.memory_space<semaphore_mem>>
      %dma_wait3A_176 = tpu.memref_squeeze %dma_wait3A_175 : memref<1x!tpu.dma_semaphore, #tpu.memory_space<semaphore_mem>> -> memref<!tpu.dma_semaphore, #tpu.memory_space<semaphore_mem>>
      tpu.wait_indirect_dma semaphore(%dma_wait3A_176 : memref<!tpu.dma_semaphore, #tpu.memory_space<semaphore_mem>>) src(%dma_wait3A_174 : memref<10000x128xf32, #tpu.memory_space<hbm>>) dst(%dma_wait3A_168 : memref<125x128xf32, #tpu.memory_space<vmem>>)
      %add3A_177 = arith.constant 3 : i32
      %add3A_178 = arith.addi %mul3A_63, %add3A_177 : i32
      %lt3A_179 = arith.constant 80 : i32
      %lt3A_180 = arith.cmpi slt, %add3A_178, %lt3A_179 : i32
      %convert_element_type3A_181 = arith.extui %lt3A_180 : i1 to i32
      %cond3A_182 = arith.constant 0 : i32
      %cond3A_183 = arith.cmpi ne, %convert_element_type3A_181, %cond3A_182 : i32
      scf.if %cond3A_183 {
        %add3A_228 = arith.constant 3 : i32
        %add3A_229 = arith.addi %mul3A_63, %add3A_228 : i32
        %dma_start3A_230 = arith.constant 0 : i32
        %dma_start3A_231 = arith.constant 0 : i32
        %dma_start3A_232 = arith.constant 0 : i32
        %dma_start3A_233 = tpu.memref_slice %arg3[%add3A, %add3A_229, %dma_start3A_231, %dma_start3A_232] : memref<32x80x1x125xi32, #tpu.memory_space<hbm>> -> memref<1x1x1x125xi32, #tpu.memory_space<hbm>>
        %dma_start3A_234 = tpu.memref_squeeze %dma_start3A_233 : memref<1x1x1x125xi32, #tpu.memory_space<hbm>> -> memref<1x125xi32, #tpu.memory_space<hbm>>
        %dma_start3A_235 = tpu.memref_slice %arg19[%dma_start3A_230] : memref<2x!tpu.dma_semaphore, #tpu.memory_space<semaphore_mem>> -> memref<1x!tpu.dma_semaphore, #tpu.memory_space<semaphore_mem>>
        %dma_start3A_236 = tpu.memref_squeeze %dma_start3A_235 : memref<1x!tpu.dma_semaphore, #tpu.memory_space<semaphore_mem>> -> memref<!tpu.dma_semaphore, #tpu.memory_space<semaphore_mem>>
        %dma_start3A_237 = arith.constant 0 : i32
        %dma_start3A_238 = arith.constant 0 : i32
        %dma_start3A_239 = tpu.memref_slice %arg3[%add3A, %add3A_229, %dma_start3A_237, %dma_start3A_238] : memref<32x80x1x125xi32, #tpu.memory_space<hbm>> -> memref<1x1x1x125xi32, #tpu.memory_space<hbm>>
        %dma_start3A_240 = tpu.memref_squeeze %dma_start3A_239 : memref<1x1x1x125xi32, #tpu.memory_space<hbm>> -> memref<1x125xi32, #tpu.memory_space<hbm>>
        tpu.enqueue_dma source(%dma_start3A_240 : memref<1x125xi32, #tpu.memory_space<hbm>>) target(%arg8 : memref<1x125xi32, #tpu.memory_space<vmem>>) target_semaphore(%dma_start3A_236 : memref<!tpu.dma_semaphore, #tpu.memory_space<semaphore_mem>>)
      } else {
      }
      %dma_start3A_184 = arith.constant 0 : i32
      %dma_start3A_185 = arith.constant 0 : i32
      %dma_start3A_186 = arith.constant 0 : i32
      %dma_start3A_187 = arith.constant 0 : i32
      %dma_start3A_188 = arith.constant 0 : i32
      %dma_start3A_189 = tpu.memref_slice %arg12[%dma_start3A_184, %dma_start3A_187, %dma_start3A_188] : memref<1x125x128xf32, #tpu.memory_space<vmem>> -> memref<1x125x128xf32, #tpu.memory_space<vmem>>
      %dma_start3A_190 = tpu.memref_squeeze %dma_start3A_189 : memref<1x125x128xf32, #tpu.memory_space<vmem>> -> memref<125x128xf32, #tpu.memory_space<vmem>>
      %dma_start3A_191 = arith.constant 0 : i32
      %dma_start3A_192 = tpu.memref_slice %arg10[%dma_start3A_185, %dma_start3A_191] : memref<1x125xi32, #tpu.memory_space<vmem>> -> memref<1x125xi32, #tpu.memory_space<vmem>>
      %dma_start3A_193 = tpu.memref_squeeze %dma_start3A_192 : memref<1x125xi32, #tpu.memory_space<vmem>> -> memref<125xi32, #tpu.memory_space<vmem>>
      %dma_start3A_194 = arith.constant 0 : i32
      %dma_start3A_195 = arith.constant 0 : i32
      %dma_start3A_196 = tpu.memref_slice %arg13[%dma_start3A_194, %dma_start3A_195] : memref<10000x128xf32, #tpu.memory_space<vmem_shared>> -> memref<10000x128xf32, #tpu.memory_space<vmem_shared>>
      %dma_start3A_197 = tpu.memref_slice %arg17[%dma_start3A_186] : memref<1x!tpu.dma_semaphore, #tpu.memory_space<semaphore_mem>> -> memref<1x!tpu.dma_semaphore, #tpu.memory_space<semaphore_mem>>
      %dma_start3A_198 = tpu.memref_squeeze %dma_start3A_197 : memref<1x!tpu.dma_semaphore, #tpu.memory_space<semaphore_mem>> -> memref<!tpu.dma_semaphore, #tpu.memory_space<semaphore_mem>>
      tpu.enqueue_indirect_dma source(%dma_start3A_190 : memref<125x128xf32, #tpu.memory_space<vmem>>) target(%dma_start3A_196 : memref<10000x128xf32, #tpu.memory_space<vmem_shared>>) offsets(%dma_start3A_193 : memref<125xi32, #tpu.memory_space<vmem>>) semaphore(%dma_start3A_198 : memref<!tpu.dma_semaphore, #tpu.memory_space<semaphore_mem>>) {add = true}
      %add3A_199 = arith.constant 2 : i32
      %add3A_200 = arith.addi %mul3A_63, %add3A_199 : i32
      %lt3A_201 = arith.constant 80 : i32
      %lt3A_202 = arith.cmpi slt, %add3A_200, %lt3A_201 : i32
      %convert_element_type3A_203 = arith.extui %lt3A_202 : i1 to i32
      %cond3A_204 = arith.constant 0 : i32
      %cond3A_205 = arith.cmpi ne, %convert_element_type3A_203, %cond3A_204 : i32
      scf.if %cond3A_205 {
        %dma_wait3A_228 = arith.constant 0 : i32
        %dma_wait3A_229 = arith.constant 0 : i32
        %dma_wait3A_230 = arith.constant 0 : i32
        %dma_wait3A_231 = arith.constant 0 : i32
        %dma_wait3A_232 = arith.constant 0 : i32
        %dma_wait3A_233 = tpu.memref_slice %arg3[%dma_wait3A_228, %dma_wait3A_229, %dma_wait3A_231, %dma_wait3A_232] : memref<32x80x1x125xi32, #tpu.memory_space<hbm>> -> memref<1x1x1x125xi32, #tpu.memory_space<hbm>>
        %dma_wait3A_234 = tpu.memref_squeeze %dma_wait3A_233 : memref<1x1x1x125xi32, #tpu.memory_space<hbm>> -> memref<1x125xi32, #tpu.memory_space<hbm>>
        %dma_wait3A_235 = tpu.memref_slice %arg18[%dma_wait3A_230] : memref<2x!tpu.dma_semaphore, #tpu.memory_space<semaphore_mem>> -> memref<1x!tpu.dma_semaphore, #tpu.memory_space<semaphore_mem>>
        %dma_wait3A_236 = tpu.memref_squeeze %dma_wait3A_235 : memref<1x!tpu.dma_semaphore, #tpu.memory_space<semaphore_mem>> -> memref<!tpu.dma_semaphore, #tpu.memory_space<semaphore_mem>>
        %dma_wait3A_237 = arith.constant 0 : i32
        %dma_wait3A_238 = arith.constant 0 : i32
        %dma_wait3A_239 = tpu.memref_slice %arg3[%dma_wait3A_228, %dma_wait3A_229, %dma_wait3A_237, %dma_wait3A_238] : memref<32x80x1x125xi32, #tpu.memory_space<hbm>> -> memref<1x1x1x125xi32, #tpu.memory_space<hbm>>
        %dma_wait3A_240 = tpu.memref_squeeze %dma_wait3A_239 : memref<1x1x1x125xi32, #tpu.memory_space<hbm>> -> memref<1x125xi32, #tpu.memory_space<hbm>>
        tpu.wait_dma2 semaphore(%dma_wait3A_236 : memref<!tpu.dma_semaphore, #tpu.memory_space<semaphore_mem>>) src(%dma_wait3A_240 : memref<1x125xi32, #tpu.memory_space<hbm>>) dst(%arg7 : memref<1x125xi32, #tpu.memory_space<vmem>>)
        %dma_wait3A_241 = arith.constant 0 : i32
        %dma_wait3A_242 = arith.constant 0 : i32
        %dma_wait3A_243 = arith.constant 1 : i32
        %dma_wait3A_244 = arith.constant 0 : i32
        %dma_wait3A_245 = arith.constant 0 : i32
        %dma_wait3A_246 = tpu.memref_slice %arg4[%dma_wait3A_241, %dma_wait3A_242, %dma_wait3A_244, %dma_wait3A_245] : memref<32x80x1x125xi32, #tpu.memory_space<hbm>> -> memref<1x1x1x125xi32, #tpu.memory_space<hbm>>
        %dma_wait3A_247 = tpu.memref_squeeze %dma_wait3A_246 : memref<1x1x1x125xi32, #tpu.memory_space<hbm>> -> memref<1x125xi32, #tpu.memory_space<hbm>>
        %dma_wait3A_248 = tpu.memref_slice %arg18[%dma_wait3A_243] : memref<2x!tpu.dma_semaphore, #tpu.memory_space<semaphore_mem>> -> memref<1x!tpu.dma_semaphore, #tpu.memory_space<semaphore_mem>>
        %dma_wait3A_249 = tpu.memref_squeeze %dma_wait3A_248 : memref<1x!tpu.dma_semaphore, #tpu.memory_space<semaphore_mem>> -> memref<!tpu.dma_semaphore, #tpu.memory_space<semaphore_mem>>
        %dma_wait3A_250 = arith.constant 0 : i32
        %dma_wait3A_251 = arith.constant 0 : i32
        %dma_wait3A_252 = tpu.memref_slice %arg4[%dma_wait3A_241, %dma_wait3A_242, %dma_wait3A_250, %dma_wait3A_251] : memref<32x80x1x125xi32, #tpu.memory_space<hbm>> -> memref<1x1x1x125xi32, #tpu.memory_space<hbm>>
        %dma_wait3A_253 = tpu.memref_squeeze %dma_wait3A_252 : memref<1x1x1x125xi32, #tpu.memory_space<hbm>> -> memref<1x125xi32, #tpu.memory_space<hbm>>
        tpu.wait_dma2 semaphore(%dma_wait3A_249 : memref<!tpu.dma_semaphore, #tpu.memory_space<semaphore_mem>>) src(%dma_wait3A_253 : memref<1x125xi32, #tpu.memory_space<hbm>>) dst(%arg9 : memref<1x125xi32, #tpu.memory_space<vmem>>)
        %dma_start3A_254 = arith.constant 0 : i32
        %dma_start3A_255 = arith.constant 0 : i32
        %dma_start3A_256 = arith.constant 0 : i32
        %dma_start3A_257 = arith.constant 0 : i32
        %dma_start3A_258 = arith.constant 0 : i32
        %dma_start3A_259 = tpu.memref_slice %arg11[%dma_start3A_255, %dma_start3A_257, %dma_start3A_258] : memref<1x125x128xf32, #tpu.memory_space<vmem>> -> memref<1x125x128xf32, #tpu.memory_space<vmem>>
        %dma_start3A_260 = tpu.memref_squeeze %dma_start3A_259 : memref<1x125x128xf32, #tpu.memory_space<vmem>> -> memref<125x128xf32, #tpu.memory_space<vmem>>
        %dma_start3A_261 = arith.constant 0 : i32
        %dma_start3A_262 = tpu.memref_slice %arg7[%dma_start3A_254, %dma_start3A_261] : memref<1x125xi32, #tpu.memory_space<vmem>> -> memref<1x125xi32, #tpu.memory_space<vmem>>
        %dma_start3A_263 = tpu.memref_squeeze %dma_start3A_262 : memref<1x125xi32, #tpu.memory_space<vmem>> -> memref<125xi32, #tpu.memory_space<vmem>>
        %dma_start3A_264 = arith.constant 0 : i32
        %dma_start3A_265 = arith.constant 0 : i32
        %dma_start3A_266 = tpu.memref_slice %arg2[%dma_start3A_264, %dma_start3A_265] : memref<10000x128xf32, #tpu.memory_space<hbm>> -> memref<10000x128xf32, #tpu.memory_space<hbm>>
        %dma_start3A_267 = tpu.memref_slice %arg14[%dma_start3A_256] : memref<1x!tpu.dma_semaphore, #tpu.memory_space<semaphore_mem>> -> memref<1x!tpu.dma_semaphore, #tpu.memory_space<semaphore_mem>>
        %dma_start3A_268 = tpu.memref_squeeze %dma_start3A_267 : memref<1x!tpu.dma_semaphore, #tpu.memory_space<semaphore_mem>> -> memref<!tpu.dma_semaphore, #tpu.memory_space<semaphore_mem>>
        tpu.enqueue_indirect_dma source(%dma_start3A_266 : memref<10000x128xf32, #tpu.memory_space<hbm>>) target(%dma_start3A_260 : memref<125x128xf32, #tpu.memory_space<vmem>>) offsets(%dma_start3A_263 : memref<125xi32, #tpu.memory_space<vmem>>) semaphore(%dma_start3A_268 : memref<!tpu.dma_semaphore, #tpu.memory_space<semaphore_mem>>)
      } else {
      }
      %dma_wait3A_206 = arith.constant 0 : i32
      %dma_wait3A_207 = arith.constant 0 : i32
      %dma_wait3A_208 = arith.constant 0 : i32
      %dma_wait3A_209 = arith.constant 0 : i32
      %dma_wait3A_210 = arith.constant 0 : i32
      %dma_wait3A_211 = tpu.memref_slice %arg12[%dma_wait3A_206, %dma_wait3A_209, %dma_wait3A_210] : memref<1x125x128xf32, #tpu.memory_space<vmem>> -> memref<1x125x128xf32, #tpu.memory_space<vmem>>
      %dma_wait3A_212 = tpu.memref_squeeze %dma_wait3A_211 : memref<1x125x128xf32, #tpu.memory_space<vmem>> -> memref<125x128xf32, #tpu.memory_space<vmem>>
      %dma_wait3A_213 = arith.constant 0 : i32
      %dma_wait3A_214 = tpu.memref_slice %arg10[%dma_wait3A_207, %dma_wait3A_213] : memref<1x125xi32, #tpu.memory_space<vmem>> -> memref<1x125xi32, #tpu.memory_space<vmem>>
      %dma_wait3A_215 = tpu.memref_squeeze %dma_wait3A_214 : memref<1x125xi32, #tpu.memory_space<vmem>> -> memref<125xi32, #tpu.memory_space<vmem>>
      %dma_wait3A_216 = arith.constant 0 : i32
      %dma_wait3A_217 = arith.constant 0 : i32
      %dma_wait3A_218 = tpu.memref_slice %arg13[%dma_wait3A_216, %dma_wait3A_217] : memref<10000x128xf32, #tpu.memory_space<vmem_shared>> -> memref<10000x128xf32, #tpu.memory_space<vmem_shared>>
      %dma_wait3A_219 = tpu.memref_slice %arg17[%dma_wait3A_208] : memref<1x!tpu.dma_semaphore, #tpu.memory_space<semaphore_mem>> -> memref<1x!tpu.dma_semaphore, #tpu.memory_space<semaphore_mem>>
      %dma_wait3A_220 = tpu.memref_squeeze %dma_wait3A_219 : memref<1x!tpu.dma_semaphore, #tpu.memory_space<semaphore_mem>> -> memref<!tpu.dma_semaphore, #tpu.memory_space<semaphore_mem>>
      tpu.wait_indirect_dma semaphore(%dma_wait3A_220 : memref<!tpu.dma_semaphore, #tpu.memory_space<semaphore_mem>>) src(%dma_wait3A_212 : memref<125x128xf32, #tpu.memory_space<vmem>>) dst(%dma_wait3A_218 : memref<10000x128xf32, #tpu.memory_space<vmem_shared>>)
      %add3A_221 = arith.constant 3 : i32
      %add3A_222 = arith.addi %mul3A_63, %add3A_221 : i32
      %lt3A_223 = arith.constant 80 : i32
      %lt3A_224 = arith.cmpi slt, %add3A_222, %lt3A_223 : i32
      %convert_element_type3A_225 = arith.extui %lt3A_224 : i1 to i32
      %cond3A_226 = arith.constant 0 : i32
      %cond3A_227 = arith.cmpi ne, %convert_element_type3A_225, %cond3A_226 : i32
      scf.if %cond3A_227 {
        %add3A_228 = arith.constant 3 : i32
        %add3A_229 = arith.addi %mul3A_63, %add3A_228 : i32
        %dma_start3A_230 = arith.constant 1 : i32
        %dma_start3A_231 = arith.constant 0 : i32
        %dma_start3A_232 = arith.constant 0 : i32
        %dma_start3A_233 = tpu.memref_slice %arg4[%add3A, %add3A_229, %dma_start3A_231, %dma_start3A_232] : memref<32x80x1x125xi32, #tpu.memory_space<hbm>> -> memref<1x1x1x125xi32, #tpu.memory_space<hbm>>
        %dma_start3A_234 = tpu.memref_squeeze %dma_start3A_233 : memref<1x1x1x125xi32, #tpu.memory_space<hbm>> -> memref<1x125xi32, #tpu.memory_space<hbm>>
        %dma_start3A_235 = tpu.memref_slice %arg19[%dma_start3A_230] : memref<2x!tpu.dma_semaphore, #tpu.memory_space<semaphore_mem>> -> memref<1x!tpu.dma_semaphore, #tpu.memory_space<semaphore_mem>>
        %dma_start3A_236 = tpu.memref_squeeze %dma_start3A_235 : memref<1x!tpu.dma_semaphore, #tpu.memory_space<semaphore_mem>> -> memref<!tpu.dma_semaphore, #tpu.memory_space<semaphore_mem>>
        %dma_start3A_237 = arith.constant 0 : i32
        %dma_start3A_238 = arith.constant 0 : i32
        %dma_start3A_239 = tpu.memref_slice %arg4[%add3A, %add3A_229, %dma_start3A_237, %dma_start3A_238] : memref<32x80x1x125xi32, #tpu.memory_space<hbm>> -> memref<1x1x1x125xi32, #tpu.memory_space<hbm>>
        %dma_start3A_240 = tpu.memref_squeeze %dma_start3A_239 : memref<1x1x1x125xi32, #tpu.memory_space<hbm>> -> memref<1x125xi32, #tpu.memory_space<hbm>>
        tpu.enqueue_dma source(%dma_start3A_240 : memref<1x125xi32, #tpu.memory_space<hbm>>) target(%arg10 : memref<1x125xi32, #tpu.memory_space<vmem>>) target_semaphore(%dma_start3A_236 : memref<!tpu.dma_semaphore, #tpu.memory_space<semaphore_mem>>)
      } else {
      }
    }
    %scan3A_50 = arith.constant 40 : i32
    %barrier3A_51 = arith.constant 0 : index
    tpu.barrier barrier_id(%barrier3A_51)
    %mul3A_52 = arith.constant 624 : i32
    %mul3A_53 = arith.muli %arg1, %mul3A_52 : i32
    %mul3A_54 = arith.constant 624 : i32
    %mul3A_55 = arith.muli %arg1, %mul3A_54 : i32
    "tpu.region"() ({
      %run_scoped3A_61 = tpu.sem_alloc : memref<!tpu.dma_semaphore, #tpu.memory_space<semaphore_mem>>
      %dma_start3A_62 = arith.constant 0 : i32
      %dma_start3A_63 = tpu.memref_slice %arg6[%arg0, %mul3A_55, %dma_start3A_62] : memref<2x10000x128xf32, #tpu.memory_space<hbm>> -> memref<1x624x128xf32, #tpu.memory_space<hbm>>
      %dma_start3A_64 = tpu.memref_squeeze %dma_start3A_63 : memref<1x624x128xf32, #tpu.memory_space<hbm>> -> memref<624x128xf32, #tpu.memory_space<hbm>>
      %dma_start3A_65 = arith.constant 0 : i32
      %dma_start3A_66 = tpu.memref_slice %arg13[%mul3A_53, %dma_start3A_65] : memref<10000x128xf32, #tpu.memory_space<vmem_shared>> -> memref<624x128xf32, #tpu.memory_space<vmem_shared>>
      tpu.enqueue_dma source(%dma_start3A_66 : memref<624x128xf32, #tpu.memory_space<vmem_shared>>) target(%dma_start3A_64 : memref<624x128xf32, #tpu.memory_space<hbm>>) target_semaphore(%run_scoped3A_61 : memref<!tpu.dma_semaphore, #tpu.memory_space<semaphore_mem>>)
      %dma_wait3A = arith.constant 0 : i32
      %dma_wait3A_67 = tpu.memref_slice %arg6[%arg0, %mul3A_55, %dma_wait3A] : memref<2x10000x128xf32, #tpu.memory_space<hbm>> -> memref<1x624x128xf32, #tpu.memory_space<hbm>>
      %dma_wait3A_68 = tpu.memref_squeeze %dma_wait3A_67 : memref<1x624x128xf32, #tpu.memory_space<hbm>> -> memref<624x128xf32, #tpu.memory_space<hbm>>
      %dma_wait3A_69 = arith.constant 0 : i32
      %dma_wait3A_70 = tpu.memref_slice %arg13[%mul3A_53, %dma_wait3A_69] : memref<10000x128xf32, #tpu.memory_space<vmem_shared>> -> memref<624x128xf32, #tpu.memory_space<vmem_shared>>
      tpu.wait_dma2 semaphore(%run_scoped3A_61 : memref<!tpu.dma_semaphore, #tpu.memory_space<semaphore_mem>>) src(%dma_wait3A_70 : memref<624x128xf32, #tpu.memory_space<vmem_shared>>) dst(%dma_wait3A_68 : memref<624x128xf32, #tpu.memory_space<hbm>>)
      tpu.yield
    }) : () -> ()
    %eq3A_56 = arith.constant 0 : i32
    %eq3A_57 = arith.cmpi eq, %arg1, %eq3A_56 : i32
    %convert_element_type3A_58 = arith.extui %eq3A_57 : i1 to i32
    %cond3A_59 = arith.constant 0 : i32
    %cond3A_60 = arith.cmpi ne, %convert_element_type3A_58, %cond3A_59 : i32
    scf.if %cond3A_60 {
      "tpu.region"() ({
        %run_scoped3A_61 = tpu.sem_alloc : memref<!tpu.dma_semaphore, #tpu.memory_space<semaphore_mem>>
        %dma_start3A_62 = arith.constant 9984 : i32
        %dma_start3A_63 = arith.constant 0 : i32
        %dma_start3A_64 = tpu.memref_slice %arg6[%arg0, %dma_start3A_62, %dma_start3A_63] : memref<2x10000x128xf32, #tpu.memory_space<hbm>> -> memref<1x16x128xf32, #tpu.memory_space<hbm>>
        %dma_start3A_65 = tpu.memref_squeeze %dma_start3A_64 : memref<1x16x128xf32, #tpu.memory_space<hbm>> -> memref<16x128xf32, #tpu.memory_space<hbm>>
        %dma_start3A_66 = arith.constant 9984 : i32
        %dma_start3A_67 = arith.constant 0 : i32
        %dma_start3A_68 = tpu.memref_slice %arg13[%dma_start3A_66, %dma_start3A_67] : memref<10000x128xf32, #tpu.memory_space<vmem_shared>> -> memref<16x128xf32, #tpu.memory_space<vmem_shared>>
        tpu.enqueue_dma source(%dma_start3A_68 : memref<16x128xf32, #tpu.memory_space<vmem_shared>>) target(%dma_start3A_65 : memref<16x128xf32, #tpu.memory_space<hbm>>) target_semaphore(%run_scoped3A_61 : memref<!tpu.dma_semaphore, #tpu.memory_space<semaphore_mem>>)
        %dma_wait3A = arith.constant 9984 : i32
        %dma_wait3A_69 = arith.constant 0 : i32
        %dma_wait3A_70 = tpu.memref_slice %arg6[%arg0, %dma_wait3A, %dma_wait3A_69] : memref<2x10000x128xf32, #tpu.memory_space<hbm>> -> memref<1x16x128xf32, #tpu.memory_space<hbm>>
        %dma_wait3A_71 = tpu.memref_squeeze %dma_wait3A_70 : memref<1x16x128xf32, #tpu.memory_space<hbm>> -> memref<16x128xf32, #tpu.memory_space<hbm>>
        %dma_wait3A_72 = arith.constant 9984 : i32
        %dma_wait3A_73 = arith.constant 0 : i32
        %dma_wait3A_74 = tpu.memref_slice %arg13[%dma_wait3A_72, %dma_wait3A_73] : memref<10000x128xf32, #tpu.memory_space<vmem_shared>> -> memref<16x128xf32, #tpu.memory_space<vmem_shared>>
        tpu.wait_dma2 semaphore(%run_scoped3A_61 : memref<!tpu.dma_semaphore, #tpu.memory_space<semaphore_mem>>) src(%dma_wait3A_74 : memref<16x128xf32, #tpu.memory_space<vmem_shared>>) dst(%dma_wait3A_71 : memref<16x128xf32, #tpu.memory_space<hbm>>)
        tpu.yield
      }) : () -> ()
    } else {
    }
    return
  }
}

#map = affine_map<(d0, d1) -> (0, 0)>
#map1 = affine_map<(d0, d1) -> (0, 0, 0, 0)>
#map2 = affine_map<(d0, d1) -> (0, 0, 0)>
module attributes {stable_mosaic.version = 14 : i64} {
  func.func @segsum(%arg0: i32, %arg1: i32, %arg2: memref<10000x128xf32, #tpu.memory_space<hbm>>, %arg3: memref<32x80x1x125xi32, #tpu.memory_space<hbm>>, %arg4: memref<32x80x1x125xi32, #tpu.memory_space<hbm>>, %arg5: memref<10000x128xf32, #tpu.memory_space<hbm>>, %arg6: memref<2x10000x128xf32, #tpu.memory_space<hbm>>, %arg7: memref<1x125xi32, #tpu.memory_space<vmem>>, %arg8: memref<1x125xi32, #tpu.memory_space<vmem>>, %arg9: memref<1x125xi32, #tpu.memory_space<vmem>>, %arg10: memref<1x125xi32, #tpu.memory_space<vmem>>, %arg11: memref<1x125x128xf32, #tpu.memory_space<vmem>>, %arg12: memref<1x125x128xf32, #tpu.memory_space<vmem>>, %arg13: memref<10000x128xf32, #tpu.memory_space<vmem_shared>>, %arg14: memref<1x!tpu.dma_semaphore, #tpu.memory_space<semaphore_mem>>, %arg15: memref<1x!tpu.dma_semaphore, #tpu.memory_space<semaphore_mem>>, %arg16: memref<1x!tpu.dma_semaphore, #tpu.memory_space<semaphore_mem>>, %arg17: memref<1x!tpu.dma_semaphore, #tpu.memory_space<semaphore_mem>>, %arg18: memref<2x!tpu.dma_semaphore, #tpu.memory_space<semaphore_mem>>, %arg19: memref<2x!tpu.dma_semaphore, #tpu.memory_space<semaphore_mem>>) attributes {dimension_semantics = [#tpu.dimension_semantics<core_parallel>, #tpu.dimension_semantics<subcore_parallel>], iteration_bounds = array<i64: 2, 16>, scalar_prefetch = 0 : i64, scratch_operands = 13 : i64, tpu.core_type = #tpu.core_type<sc_vector_subcore>, window_params = [{transform_indices = #map}, {transform_indices = #map1}, {transform_indices = #map1}, {transform_indices = #map}, {transform_indices = #map2}]} {
    %mul3A = arith.constant 2 : i32
    %mul3A_0 = arith.muli %arg1, %mul3A : i32
    %add3A = arith.addi %mul3A_0, %arg0 : i32
    %mul3A_1 = arith.constant 624 : i32
    %mul3A_2 = arith.muli %arg1, %mul3A_1 : i32
    %mul3A_3 = arith.constant 624 : i32
    %mul3A_4 = arith.muli %arg1, %mul3A_3 : i32
    "tpu.region"() ({
      %run_scoped3A_61 = tpu.sem_alloc : memref<!tpu.dma_semaphore, #tpu.memory_space<semaphore_mem>>
      %dma_start3A_62 = arith.constant 0 : i32
      %dma_start3A_63 = tpu.memref_slice %arg13[%mul3A_4, %dma_start3A_62] : memref<10000x128xf32, #tpu.memory_space<vmem_shared>> -> memref<624x128xf32, #tpu.memory_space<vmem_shared>>
      %dma_start3A_64 = arith.constant 0 : i32
      %dma_start3A_65 = tpu.memref_slice %arg5[%mul3A_2, %dma_start3A_64] : memref<10000x128xf32, #tpu.memory_space<hbm>> -> memref<624x128xf32, #tpu.memory_space<hbm>>
      tpu.enqueue_dma source(%dma_start3A_65 : memref<624x128xf32, #tpu.memory_space<hbm>>) target(%dma_start3A_63 : memref<624x128xf32, #tpu.memory_space<vmem_shared>>) target_semaphore(%run_scoped3A_61 : memref<!tpu.dma_semaphore, #tpu.memory_space<semaphore_mem>>)
      %dma_wait3A = arith.constant 0 : i32
      %dma_wait3A_66 = tpu.memref_slice %arg13[%mul3A_4, %dma_wait3A] : memref<10000x128xf32, #tpu.memory_space<vmem_shared>> -> memref<624x128xf32, #tpu.memory_space<vmem_shared>>
      %dma_wait3A_67 = arith.constant 0 : i32
      %dma_wait3A_68 = tpu.memref_slice %arg5[%mul3A_2, %dma_wait3A_67] : memref<10000x128xf32, #tpu.memory_space<hbm>> -> memref<624x128xf32, #tpu.memory_space<hbm>>
      tpu.wait_dma2 semaphore(%run_scoped3A_61 : memref<!tpu.dma_semaphore, #tpu.memory_space<semaphore_mem>>) src(%dma_wait3A_68 : memref<624x128xf32, #tpu.memory_space<hbm>>) dst(%dma_wait3A_66 : memref<624x128xf32, #tpu.memory_space<vmem_shared>>)
      tpu.yield
    }) : () -> ()
    %eq3A = arith.constant 0 : i32
    %eq3A_5 = arith.cmpi eq, %arg1, %eq3A : i32
    %convert_element_type3A = arith.extui %eq3A_5 : i1 to i32
    %cond3A = arith.constant 0 : i32
    %cond3A_6 = arith.cmpi ne, %convert_element_type3A, %cond3A : i32
    scf.if %cond3A_6 {
      "tpu.region"() ({
        %run_scoped3A_61 = tpu.sem_alloc : memref<!tpu.dma_semaphore, #tpu.memory_space<semaphore_mem>>
        %dma_start3A_62 = arith.constant 9984 : i32
        %dma_start3A_63 = arith.constant 0 : i32
        %dma_start3A_64 = tpu.memref_slice %arg13[%dma_start3A_62, %dma_start3A_63] : memref<10000x128xf32, #tpu.memory_space<vmem_shared>> -> memref<16x128xf32, #tpu.memory_space<vmem_shared>>
        %dma_start3A_65 = arith.constant 9984 : i32
        %dma_start3A_66 = arith.constant 0 : i32
        %dma_start3A_67 = tpu.memref_slice %arg5[%dma_start3A_65, %dma_start3A_66] : memref<10000x128xf32, #tpu.memory_space<hbm>> -> memref<16x128xf32, #tpu.memory_space<hbm>>
        tpu.enqueue_dma source(%dma_start3A_67 : memref<16x128xf32, #tpu.memory_space<hbm>>) target(%dma_start3A_64 : memref<16x128xf32, #tpu.memory_space<vmem_shared>>) target_semaphore(%run_scoped3A_61 : memref<!tpu.dma_semaphore, #tpu.memory_space<semaphore_mem>>)
        %dma_wait3A = arith.constant 9984 : i32
        %dma_wait3A_68 = arith.constant 0 : i32
        %dma_wait3A_69 = tpu.memref_slice %arg13[%dma_wait3A, %dma_wait3A_68] : memref<10000x128xf32, #tpu.memory_space<vmem_shared>> -> memref<16x128xf32, #tpu.memory_space<vmem_shared>>
        %dma_wait3A_70 = arith.constant 9984 : i32
        %dma_wait3A_71 = arith.constant 0 : i32
        %dma_wait3A_72 = tpu.memref_slice %arg5[%dma_wait3A_70, %dma_wait3A_71] : memref<10000x128xf32, #tpu.memory_space<hbm>> -> memref<16x128xf32, #tpu.memory_space<hbm>>
        tpu.wait_dma2 semaphore(%run_scoped3A_61 : memref<!tpu.dma_semaphore, #tpu.memory_space<semaphore_mem>>) src(%dma_wait3A_72 : memref<16x128xf32, #tpu.memory_space<hbm>>) dst(%dma_wait3A_69 : memref<16x128xf32, #tpu.memory_space<vmem_shared>>)
        tpu.yield
      }) : () -> ()
    } else {
    }
    %barrier3A = arith.constant 0 : index
    tpu.barrier barrier_id(%barrier3A)
    %run_scoped3A = arith.constant 0 : i32
    "tpu.region"() ({
      %run_scoped3A_61 = tpu.sem_alloc : memref<!tpu.dma_semaphore, #tpu.memory_space<semaphore_mem>>
      %dma_start3A_62 = arith.constant 0 : i32
      %dma_start3A_63 = arith.constant 0 : i32
      %dma_start3A_64 = tpu.memref_slice %arg3[%add3A, %run_scoped3A, %dma_start3A_62, %dma_start3A_63] : memref<32x80x1x125xi32, #tpu.memory_space<hbm>> -> memref<1x1x1x125xi32, #tpu.memory_space<hbm>>
      %dma_start3A_65 = tpu.memref_squeeze %dma_start3A_64 : memref<1x1x1x125xi32, #tpu.memory_space<hbm>> -> memref<1x125xi32, #tpu.memory_space<hbm>>
      %dma_start3A_66 = arith.constant 0 : i32
      %dma_start3A_67 = arith.constant 0 : i32
      %dma_start3A_68 = tpu.memref_slice %arg3[%add3A, %run_scoped3A, %dma_start3A_66, %dma_start3A_67] : memref<32x80x1x125xi32, #tpu.memory_space<hbm>> -> memref<1x1x1x125xi32, #tpu.memory_space<hbm>>
      %dma_start3A_69 = tpu.memref_squeeze %dma_start3A_68 : memref<1x1x1x125xi32, #tpu.memory_space<hbm>> -> memref<1x125xi32, #tpu.memory_space<hbm>>
      tpu.enqueue_dma source(%dma_start3A_69 : memref<1x125xi32, #tpu.memory_space<hbm>>) target(%arg7 : memref<1x125xi32, #tpu.memory_space<vmem>>) target_semaphore(%run_scoped3A_61 : memref<!tpu.dma_semaphore, #tpu.memory_space<semaphore_mem>>)
      %dma_wait3A = arith.constant 0 : i32
      %dma_wait3A_70 = arith.constant 0 : i32
      %dma_wait3A_71 = tpu.memref_slice %arg3[%add3A, %run_scoped3A, %dma_wait3A, %dma_wait3A_70] : memref<32x80x1x125xi32, #tpu.memory_space<hbm>> -> memref<1x1x1x125xi32, #tpu.memory_space<hbm>>
      %dma_wait3A_72 = tpu.memref_squeeze %dma_wait3A_71 : memref<1x1x1x125xi32, #tpu.memory_space<hbm>> -> memref<1x125xi32, #tpu.memory_space<hbm>>
      %dma_wait3A_73 = arith.constant 0 : i32
      %dma_wait3A_74 = arith.constant 0 : i32
      %dma_wait3A_75 = tpu.memref_slice %arg3[%add3A, %run_scoped3A, %dma_wait3A_73, %dma_wait3A_74] : memref<32x80x1x125xi32, #tpu.memory_space<hbm>> -> memref<1x1x1x125xi32, #tpu.memory_space<hbm>>
      %dma_wait3A_76 = tpu.memref_squeeze %dma_wait3A_75 : memref<1x1x1x125xi32, #tpu.memory_space<hbm>> -> memref<1x125xi32, #tpu.memory_space<hbm>>
      tpu.wait_dma2 semaphore(%run_scoped3A_61 : memref<!tpu.dma_semaphore, #tpu.memory_space<semaphore_mem>>) src(%dma_wait3A_76 : memref<1x125xi32, #tpu.memory_space<hbm>>) dst(%arg7 : memref<1x125xi32, #tpu.memory_space<vmem>>)
      tpu.yield
    }) : () -> ()
    %run_scoped3A_7 = arith.constant 0 : i32
    "tpu.region"() ({
      %run_scoped3A_61 = tpu.sem_alloc : memref<!tpu.dma_semaphore, #tpu.memory_space<semaphore_mem>>
      %dma_start3A_62 = arith.constant 0 : i32
      %dma_start3A_63 = arith.constant 0 : i32
      %dma_start3A_64 = tpu.memref_slice %arg4[%add3A, %run_scoped3A_7, %dma_start3A_62, %dma_start3A_63] : memref<32x80x1x125xi32, #tpu.memory_space<hbm>> -> memref<1x1x1x125xi32, #tpu.memory_space<hbm>>
      %dma_start3A_65 = tpu.memref_squeeze %dma_start3A_64 : memref<1x1x1x125xi32, #tpu.memory_space<hbm>> -> memref<1x125xi32, #tpu.memory_space<hbm>>
      %dma_start3A_66 = arith.constant 0 : i32
      %dma_start3A_67 = arith.constant 0 : i32
      %dma_start3A_68 = tpu.memref_slice %arg4[%add3A, %run_scoped3A_7, %dma_start3A_66, %dma_start3A_67] : memref<32x80x1x125xi32, #tpu.memory_space<hbm>> -> memref<1x1x1x125xi32, #tpu.memory_space<hbm>>
      %dma_start3A_69 = tpu.memref_squeeze %dma_start3A_68 : memref<1x1x1x125xi32, #tpu.memory_space<hbm>> -> memref<1x125xi32, #tpu.memory_space<hbm>>
      tpu.enqueue_dma source(%dma_start3A_69 : memref<1x125xi32, #tpu.memory_space<hbm>>) target(%arg9 : memref<1x125xi32, #tpu.memory_space<vmem>>) target_semaphore(%run_scoped3A_61 : memref<!tpu.dma_semaphore, #tpu.memory_space<semaphore_mem>>)
      %dma_wait3A = arith.constant 0 : i32
      %dma_wait3A_70 = arith.constant 0 : i32
      %dma_wait3A_71 = tpu.memref_slice %arg4[%add3A, %run_scoped3A_7, %dma_wait3A, %dma_wait3A_70] : memref<32x80x1x125xi32, #tpu.memory_space<hbm>> -> memref<1x1x1x125xi32, #tpu.memory_space<hbm>>
      %dma_wait3A_72 = tpu.memref_squeeze %dma_wait3A_71 : memref<1x1x1x125xi32, #tpu.memory_space<hbm>> -> memref<1x125xi32, #tpu.memory_space<hbm>>
      %dma_wait3A_73 = arith.constant 0 : i32
      %dma_wait3A_74 = arith.constant 0 : i32
      %dma_wait3A_75 = tpu.memref_slice %arg4[%add3A, %run_scoped3A_7, %dma_wait3A_73, %dma_wait3A_74] : memref<32x80x1x125xi32, #tpu.memory_space<hbm>> -> memref<1x1x1x125xi32, #tpu.memory_space<hbm>>
      %dma_wait3A_76 = tpu.memref_squeeze %dma_wait3A_75 : memref<1x1x1x125xi32, #tpu.memory_space<hbm>> -> memref<1x125xi32, #tpu.memory_space<hbm>>
      tpu.wait_dma2 semaphore(%run_scoped3A_61 : memref<!tpu.dma_semaphore, #tpu.memory_space<semaphore_mem>>) src(%dma_wait3A_76 : memref<1x125xi32, #tpu.memory_space<hbm>>) dst(%arg9 : memref<1x125xi32, #tpu.memory_space<vmem>>)
      tpu.yield
    }) : () -> ()
    %dma_start3A = arith.constant 1 : i32
    %dma_start3A_8 = arith.constant 0 : i32
    %dma_start3A_9 = arith.constant 0 : i32
    %dma_start3A_10 = arith.constant 0 : i32
    %dma_start3A_11 = tpu.memref_slice %arg3[%add3A, %dma_start3A, %dma_start3A_9, %dma_start3A_10] : memref<32x80x1x125xi32, #tpu.memory_space<hbm>> -> memref<1x1x1x125xi32, #tpu.memory_space<hbm>>
    %dma_start3A_12 = tpu.memref_squeeze %dma_start3A_11 : memref<1x1x1x125xi32, #tpu.memory_space<hbm>> -> memref<1x125xi32, #tpu.memory_space<hbm>>
    %dma_start3A_13 = tpu.memref_slice %arg19[%dma_start3A_8] : memref<2x!tpu.dma_semaphore, #tpu.memory_space<semaphore_mem>> -> memref<1x!tpu.dma_semaphore, #tpu.memory_space<semaphore_mem>>
    %dma_start3A_14 = tpu.memref_squeeze %dma_start3A_13 : memref<1x!tpu.dma_semaphore, #tpu.memory_space<semaphore_mem>> -> memref<!tpu.dma_semaphore, #tpu.memory_space<semaphore_mem>>
    %dma_start3A_15 = arith.constant 0 : i32
    %dma_start3A_16 = arith.constant 0 : i32
    %dma_start3A_17 = tpu.memref_slice %arg3[%add3A, %dma_start3A, %dma_start3A_15, %dma_start3A_16] : memref<32x80x1x125xi32, #tpu.memory_space<hbm>> -> memref<1x1x1x125xi32, #tpu.memory_space<hbm>>
    %dma_start3A_18 = tpu.memref_squeeze %dma_start3A_17 : memref<1x1x1x125xi32, #tpu.memory_space<hbm>> -> memref<1x125xi32, #tpu.memory_space<hbm>>
    tpu.enqueue_dma source(%dma_start3A_18 : memref<1x125xi32, #tpu.memory_space<hbm>>) target(%arg8 : memref<1x125xi32, #tpu.memory_space<vmem>>) target_semaphore(%dma_start3A_14 : memref<!tpu.dma_semaphore, #tpu.memory_space<semaphore_mem>>)
    %dma_start3A_19 = arith.constant 1 : i32
    %dma_start3A_20 = arith.constant 1 : i32
    %dma_start3A_21 = arith.constant 0 : i32
    %dma_start3A_22 = arith.constant 0 : i32
    %dma_start3A_23 = tpu.memref_slice %arg4[%add3A, %dma_start3A_19, %dma_start3A_21, %dma_start3A_22] : memref<32x80x1x125xi32, #tpu.memory_space<hbm>> -> memref<1x1x1x125xi32, #tpu.memory_space<hbm>>
    %dma_start3A_24 = tpu.memref_squeeze %dma_start3A_23 : memref<1x1x1x125xi32, #tpu.memory_space<hbm>> -> memref<1x125xi32, #tpu.memory_space<hbm>>
    %dma_start3A_25 = tpu.memref_slice %arg19[%dma_start3A_20] : memref<2x!tpu.dma_semaphore, #tpu.memory_space<semaphore_mem>> -> memref<1x!tpu.dma_semaphore, #tpu.memory_space<semaphore_mem>>
    %dma_start3A_26 = tpu.memref_squeeze %dma_start3A_25 : memref<1x!tpu.dma_semaphore, #tpu.memory_space<semaphore_mem>> -> memref<!tpu.dma_semaphore, #tpu.memory_space<semaphore_mem>>
    %dma_start3A_27 = arith.constant 0 : i32
    %dma_start3A_28 = arith.constant 0 : i32
    %dma_start3A_29 = tpu.memref_slice %arg4[%add3A, %dma_start3A_19, %dma_start3A_27, %dma_start3A_28] : memref<32x80x1x125xi32, #tpu.memory_space<hbm>> -> memref<1x1x1x125xi32, #tpu.memory_space<hbm>>
    %dma_start3A_30 = tpu.memref_squeeze %dma_start3A_29 : memref<1x1x1x125xi32, #tpu.memory_space<hbm>> -> memref<1x125xi32, #tpu.memory_space<hbm>>
    tpu.enqueue_dma source(%dma_start3A_30 : memref<1x125xi32, #tpu.memory_space<hbm>>) target(%arg10 : memref<1x125xi32, #tpu.memory_space<vmem>>) target_semaphore(%dma_start3A_26 : memref<!tpu.dma_semaphore, #tpu.memory_space<semaphore_mem>>)
    %dma_start3A_31 = arith.constant 0 : i32
    %dma_start3A_32 = arith.constant 0 : i32
    %dma_start3A_33 = arith.constant 0 : i32
    %dma_start3A_34 = arith.constant 0 : i32
    %dma_start3A_35 = arith.constant 0 : i32
    %dma_start3A_36 = tpu.memref_slice %arg11[%dma_start3A_32, %dma_start3A_34, %dma_start3A_35] : memref<1x125x128xf32, #tpu.memory_space<vmem>> -> memref<1x125x128xf32, #tpu.memory_space<vmem>>
    %dma_start3A_37 = tpu.memref_squeeze %dma_start3A_36 : memref<1x125x128xf32, #tpu.memory_space<vmem>> -> memref<125x128xf32, #tpu.memory_space<vmem>>
    %dma_start3A_38 = arith.constant 0 : i32
    %dma_start3A_39 = tpu.memref_slice %arg7[%dma_start3A_31, %dma_start3A_38] : memref<1x125xi32, #tpu.memory_space<vmem>> -> memref<1x125xi32, #tpu.memory_space<vmem>>
    %dma_start3A_40 = tpu.memref_squeeze %dma_start3A_39 : memref<1x125xi32, #tpu.memory_space<vmem>> -> memref<125xi32, #tpu.memory_space<vmem>>
    %dma_start3A_41 = arith.constant 0 : i32
    %dma_start3A_42 = arith.constant 0 : i32
    %dma_start3A_43 = tpu.memref_slice %arg2[%dma_start3A_41, %dma_start3A_42] : memref<10000x128xf32, #tpu.memory_space<hbm>> -> memref<10000x128xf32, #tpu.memory_space<hbm>>
    %dma_start3A_44 = tpu.memref_slice %arg14[%dma_start3A_33] : memref<1x!tpu.dma_semaphore, #tpu.memory_space<semaphore_mem>> -> memref<1x!tpu.dma_semaphore, #tpu.memory_space<semaphore_mem>>
    %dma_start3A_45 = tpu.memref_squeeze %dma_start3A_44 : memref<1x!tpu.dma_semaphore, #tpu.memory_space<semaphore_mem>> -> memref<!tpu.dma_semaphore, #tpu.memory_space<semaphore_mem>>
    tpu.enqueue_indirect_dma source(%dma_start3A_43 : memref<10000x128xf32, #tpu.memory_space<hbm>>) target(%dma_start3A_37 : memref<125x128xf32, #tpu.memory_space<vmem>>) offsets(%dma_start3A_40 : memref<125xi32, #tpu.memory_space<vmem>>) semaphore(%dma_start3A_45 : memref<!tpu.dma_semaphore, #tpu.memory_space<semaphore_mem>>)
    %scan3A = arith.constant 0 : i32
    %scan3A_46 = arith.constant 0 : i32
    %scan3A_47 = arith.constant 40 : i32
    %scan3A_48 = arith.addi %scan3A_46, %scan3A_47 : i32
    %scan3A_49 = arith.constant 1 : i32
    scf.for %scan3A_61 = %scan3A_46 to %scan3A_48 step %scan3A_49  : i32 {
      %mul3A_62 = arith.constant 2 : i32
      %mul3A_63 = arith.muli %mul3A_62, %scan3A_61 : i32
      %dma_wait3A = arith.constant 0 : i32
      %dma_wait3A_64 = arith.constant 0 : i32
      %dma_wait3A_65 = arith.constant 0 : i32
      %dma_wait3A_66 = arith.constant 0 : i32
      %dma_wait3A_67 = arith.constant 0 : i32
      %dma_wait3A_68 = tpu.memref_slice %arg11[%dma_wait3A_64, %dma_wait3A_66, %dma_wait3A_67] : memref<1x125x128xf32, #tpu.memory_space<vmem>> -> memref<1x125x128xf32, #tpu.memory_space<vmem>>
      %dma_wait3A_69 = tpu.memref_squeeze %dma_wait3A_68 : memref<1x125x128xf32, #tpu.memory_space<vmem>> -> memref<125x128xf32, #tpu.memory_space<vmem>>
      %dma_wait3A_70 = arith.constant 0 : i32
      %dma_wait3A_71 = tpu.memref_slice %arg7[%dma_wait3A, %dma_wait3A_70] : memref<1x125xi32, #tpu.memory_space<vmem>> -> memref<1x125xi32, #tpu.memory_space<vmem>>
      %dma_wait3A_72 = tpu.memref_squeeze %dma_wait3A_71 : memref<1x125xi32, #tpu.memory_space<vmem>> -> memref<125xi32, #tpu.memory_space<vmem>>
      %dma_wait3A_73 = arith.constant 0 : i32
      %dma_wait3A_74 = arith.constant 0 : i32
      %dma_wait3A_75 = tpu.memref_slice %arg2[%dma_wait3A_73, %dma_wait3A_74] : memref<10000x128xf32, #tpu.memory_space<hbm>> -> memref<10000x128xf32, #tpu.memory_space<hbm>>
      %dma_wait3A_76 = tpu.memref_slice %arg14[%dma_wait3A_65] : memref<1x!tpu.dma_semaphore, #tpu.memory_space<semaphore_mem>> -> memref<1x!tpu.dma_semaphore, #tpu.memory_space<semaphore_mem>>
      %dma_wait3A_77 = tpu.memref_squeeze %dma_wait3A_76 : memref<1x!tpu.dma_semaphore, #tpu.memory_space<semaphore_mem>> -> memref<!tpu.dma_semaphore, #tpu.memory_space<semaphore_mem>>
      tpu.wait_indirect_dma semaphore(%dma_wait3A_77 : memref<!tpu.dma_semaphore, #tpu.memory_space<semaphore_mem>>) src(%dma_wait3A_75 : memref<10000x128xf32, #tpu.memory_space<hbm>>) dst(%dma_wait3A_69 : memref<125x128xf32, #tpu.memory_space<vmem>>)
      %add3A_78 = arith.constant 2 : i32
      %add3A_79 = arith.addi %mul3A_63, %add3A_78 : i32
      %lt3A = arith.constant 80 : i32
      %lt3A_80 = arith.cmpi slt, %add3A_79, %lt3A : i32
      %convert_element_type3A_81 = arith.extui %lt3A_80 : i1 to i32
      %cond3A_82 = arith.constant 0 : i32
      %cond3A_83 = arith.cmpi ne, %convert_element_type3A_81, %cond3A_82 : i32
      scf.if %cond3A_83 {
        %add3A_228 = arith.constant 2 : i32
        %add3A_229 = arith.addi %mul3A_63, %add3A_228 : i32
        %dma_start3A_230 = arith.constant 0 : i32
        %dma_start3A_231 = arith.constant 0 : i32
        %dma_start3A_232 = arith.constant 0 : i32
        %dma_start3A_233 = tpu.memref_slice %arg3[%add3A, %add3A_229, %dma_start3A_231, %dma_start3A_232] : memref<32x80x1x125xi32, #tpu.memory_space<hbm>> -> memref<1x1x1x125xi32, #tpu.memory_space<hbm>>
        %dma_start3A_234 = tpu.memref_squeeze %dma_start3A_233 : memref<1x1x1x125xi32, #tpu.memory_space<hbm>> -> memref<1x125xi32, #tpu.memory_space<hbm>>
        %dma_start3A_235 = tpu.memref_slice %arg18[%dma_start3A_230] : memref<2x!tpu.dma_semaphore, #tpu.memory_space<semaphore_mem>> -> memref<1x!tpu.dma_semaphore, #tpu.memory_space<semaphore_mem>>
        %dma_start3A_236 = tpu.memref_squeeze %dma_start3A_235 : memref<1x!tpu.dma_semaphore, #tpu.memory_space<semaphore_mem>> -> memref<!tpu.dma_semaphore, #tpu.memory_space<semaphore_mem>>
        %dma_start3A_237 = arith.constant 0 : i32
        %dma_start3A_238 = arith.constant 0 : i32
        %dma_start3A_239 = tpu.memref_slice %arg3[%add3A, %add3A_229, %dma_start3A_237, %dma_start3A_238] : memref<32x80x1x125xi32, #tpu.memory_space<hbm>> -> memref<1x1x1x125xi32, #tpu.memory_space<hbm>>
        %dma_start3A_240 = tpu.memref_squeeze %dma_start3A_239 : memref<1x1x1x125xi32, #tpu.memory_space<hbm>> -> memref<1x125xi32, #tpu.memory_space<hbm>>
        tpu.enqueue_dma source(%dma_start3A_240 : memref<1x125xi32, #tpu.memory_space<hbm>>) target(%arg7 : memref<1x125xi32, #tpu.memory_space<vmem>>) target_semaphore(%dma_start3A_236 : memref<!tpu.dma_semaphore, #tpu.memory_space<semaphore_mem>>)
      } else {
      }
      %dma_start3A_84 = arith.constant 0 : i32
      %dma_start3A_85 = arith.constant 0 : i32
      %dma_start3A_86 = arith.constant 0 : i32
      %dma_start3A_87 = arith.constant 0 : i32
      %dma_start3A_88 = arith.constant 0 : i32
      %dma_start3A_89 = tpu.memref_slice %arg11[%dma_start3A_84, %dma_start3A_87, %dma_start3A_88] : memref<1x125x128xf32, #tpu.memory_space<vmem>> -> memref<1x125x128xf32, #tpu.memory_space<vmem>>
      %dma_start3A_90 = tpu.memref_squeeze %dma_start3A_89 : memref<1x125x128xf32, #tpu.memory_space<vmem>> -> memref<125x128xf32, #tpu.memory_space<vmem>>
      %dma_start3A_91 = arith.constant 0 : i32
      %dma_start3A_92 = tpu.memref_slice %arg9[%dma_start3A_85, %dma_start3A_91] : memref<1x125xi32, #tpu.memory_space<vmem>> -> memref<1x125xi32, #tpu.memory_space<vmem>>
      %dma_start3A_93 = tpu.memref_squeeze %dma_start3A_92 : memref<1x125xi32, #tpu.memory_space<vmem>> -> memref<125xi32, #tpu.memory_space<vmem>>
      %dma_start3A_94 = arith.constant 0 : i32
      %dma_start3A_95 = arith.constant 0 : i32
      %dma_start3A_96 = tpu.memref_slice %arg13[%dma_start3A_94, %dma_start3A_95] : memref<10000x128xf32, #tpu.memory_space<vmem_shared>> -> memref<10000x128xf32, #tpu.memory_space<vmem_shared>>
      %dma_start3A_97 = tpu.memref_slice %arg16[%dma_start3A_86] : memref<1x!tpu.dma_semaphore, #tpu.memory_space<semaphore_mem>> -> memref<1x!tpu.dma_semaphore, #tpu.memory_space<semaphore_mem>>
      %dma_start3A_98 = tpu.memref_squeeze %dma_start3A_97 : memref<1x!tpu.dma_semaphore, #tpu.memory_space<semaphore_mem>> -> memref<!tpu.dma_semaphore, #tpu.memory_space<semaphore_mem>>
      tpu.enqueue_indirect_dma source(%dma_start3A_90 : memref<125x128xf32, #tpu.memory_space<vmem>>) target(%dma_start3A_96 : memref<10000x128xf32, #tpu.memory_space<vmem_shared>>) offsets(%dma_start3A_93 : memref<125xi32, #tpu.memory_space<vmem>>) semaphore(%dma_start3A_98 : memref<!tpu.dma_semaphore, #tpu.memory_space<semaphore_mem>>) {add = true}
      %dma_wait3A_99 = arith.constant 0 : i32
      %dma_wait3A_100 = arith.constant 0 : i32
      %dma_wait3A_101 = arith.constant 0 : i32
      %dma_wait3A_102 = arith.constant 0 : i32
      %dma_wait3A_103 = arith.constant 0 : i32
      %dma_wait3A_104 = tpu.memref_slice %arg3[%dma_wait3A_99, %dma_wait3A_100, %dma_wait3A_102, %dma_wait3A_103] : memref<32x80x1x125xi32, #tpu.memory_space<hbm>> -> memref<1x1x1x125xi32, #tpu.memory_space<hbm>>
      %dma_wait3A_105 = tpu.memref_squeeze %dma_wait3A_104 : memref<1x1x1x125xi32, #tpu.memory_space<hbm>> -> memref<1x125xi32, #tpu.memory_space<hbm>>
      %dma_wait3A_106 = tpu.memref_slice %arg19[%dma_wait3A_101] : memref<2x!tpu.dma_semaphore, #tpu.memory_space<semaphore_mem>> -> memref<1x!tpu.dma_semaphore, #tpu.memory_space<semaphore_mem>>
      %dma_wait3A_107 = tpu.memref_squeeze %dma_wait3A_106 : memref<1x!tpu.dma_semaphore, #tpu.memory_space<semaphore_mem>> -> memref<!tpu.dma_semaphore, #tpu.memory_space<semaphore_mem>>
      %dma_wait3A_108 = arith.constant 0 : i32
      %dma_wait3A_109 = arith.constant 0 : i32
      %dma_wait3A_110 = tpu.memref_slice %arg3[%dma_wait3A_99, %dma_wait3A_100, %dma_wait3A_108, %dma_wait3A_109] : memref<32x80x1x125xi32, #tpu.memory_space<hbm>> -> memref<1x1x1x125xi32, #tpu.memory_space<hbm>>
      %dma_wait3A_111 = tpu.memref_squeeze %dma_wait3A_110 : memref<1x1x1x125xi32, #tpu.memory_space<hbm>> -> memref<1x125xi32, #tpu.memory_space<hbm>>
      tpu.wait_dma2 semaphore(%dma_wait3A_107 : memref<!tpu.dma_semaphore, #tpu.memory_space<semaphore_mem>>) src(%dma_wait3A_111 : memref<1x125xi32, #tpu.memory_space<hbm>>) dst(%arg8 : memref<1x125xi32, #tpu.memory_space<vmem>>)
      %dma_wait3A_112 = arith.constant 0 : i32
      %dma_wait3A_113 = arith.constant 0 : i32
      %dma_wait3A_114 = arith.constant 1 : i32
      %dma_wait3A_115 = arith.constant 0 : i32
      %dma_wait3A_116 = arith.constant 0 : i32
      %dma_wait3A_117 = tpu.memref_slice %arg4[%dma_wait3A_112, %dma_wait3A_113, %dma_wait3A_115, %dma_wait3A_116] : memref<32x80x1x125xi32, #tpu.memory_space<hbm>> -> memref<1x1x1x125xi32, #tpu.memory_space<hbm>>
      %dma_wait3A_118 = tpu.memref_squeeze %dma_wait3A_117 : memref<1x1x1x125xi32, #tpu.memory_space<hbm>> -> memref<1x125xi32, #tpu.memory_space<hbm>>
      %dma_wait3A_119 = tpu.memref_slice %arg19[%dma_wait3A_114] : memref<2x!tpu.dma_semaphore, #tpu.memory_space<semaphore_mem>> -> memref<1x!tpu.dma_semaphore, #tpu.memory_space<semaphore_mem>>
      %dma_wait3A_120 = tpu.memref_squeeze %dma_wait3A_119 : memref<1x!tpu.dma_semaphore, #tpu.memory_space<semaphore_mem>> -> memref<!tpu.dma_semaphore, #tpu.memory_space<semaphore_mem>>
      %dma_wait3A_121 = arith.constant 0 : i32
      %dma_wait3A_122 = arith.constant 0 : i32
      %dma_wait3A_123 = tpu.memref_slice %arg4[%dma_wait3A_112, %dma_wait3A_113, %dma_wait3A_121, %dma_wait3A_122] : memref<32x80x1x125xi32, #tpu.memory_space<hbm>> -> memref<1x1x1x125xi32, #tpu.memory_space<hbm>>
      %dma_wait3A_124 = tpu.memref_squeeze %dma_wait3A_123 : memref<1x1x1x125xi32, #tpu.memory_space<hbm>> -> memref<1x125xi32, #tpu.memory_space<hbm>>
      tpu.wait_dma2 semaphore(%dma_wait3A_120 : memref<!tpu.dma_semaphore, #tpu.memory_space<semaphore_mem>>) src(%dma_wait3A_124 : memref<1x125xi32, #tpu.memory_space<hbm>>) dst(%arg10 : memref<1x125xi32, #tpu.memory_space<vmem>>)
      %dma_start3A_125 = arith.constant 0 : i32
      %dma_start3A_126 = arith.constant 0 : i32
      %dma_start3A_127 = arith.constant 0 : i32
      %dma_start3A_128 = arith.constant 0 : i32
      %dma_start3A_129 = arith.constant 0 : i32
      %dma_start3A_130 = tpu.memref_slice %arg12[%dma_start3A_126, %dma_start3A_128, %dma_start3A_129] : memref<1x125x128xf32, #tpu.memory_space<vmem>> -> memref<1x125x128xf32, #tpu.memory_space<vmem>>
      %dma_start3A_131 = tpu.memref_squeeze %dma_start3A_130 : memref<1x125x128xf32, #tpu.memory_space<vmem>> -> memref<125x128xf32, #tpu.memory_space<vmem>>
      %dma_start3A_132 = arith.constant 0 : i32
      %dma_start3A_133 = tpu.memref_slice %arg8[%dma_start3A_125, %dma_start3A_132] : memref<1x125xi32, #tpu.memory_space<vmem>> -> memref<1x125xi32, #tpu.memory_space<vmem>>
      %dma_start3A_134 = tpu.memref_squeeze %dma_start3A_133 : memref<1x125xi32, #tpu.memory_space<vmem>> -> memref<125xi32, #tpu.memory_space<vmem>>
      %dma_start3A_135 = arith.constant 0 : i32
      %dma_start3A_136 = arith.constant 0 : i32
      %dma_start3A_137 = tpu.memref_slice %arg2[%dma_start3A_135, %dma_start3A_136] : memref<10000x128xf32, #tpu.memory_space<hbm>> -> memref<10000x128xf32, #tpu.memory_space<hbm>>
      %dma_start3A_138 = tpu.memref_slice %arg15[%dma_start3A_127] : memref<1x!tpu.dma_semaphore, #tpu.memory_space<semaphore_mem>> -> memref<1x!tpu.dma_semaphore, #tpu.memory_space<semaphore_mem>>
      %dma_start3A_139 = tpu.memref_squeeze %dma_start3A_138 : memref<1x!tpu.dma_semaphore, #tpu.memory_space<semaphore_mem>> -> memref<!tpu.dma_semaphore, #tpu.memory_space<semaphore_mem>>
      tpu.enqueue_indirect_dma source(%dma_start3A_137 : memref<10000x128xf32, #tpu.memory_space<hbm>>) target(%dma_start3A_131 : memref<125x128xf32, #tpu.memory_space<vmem>>) offsets(%dma_start3A_134 : memref<125xi32, #tpu.memory_space<vmem>>) semaphore(%dma_start3A_139 : memref<!tpu.dma_semaphore, #tpu.memory_space<semaphore_mem>>)
      %dma_wait3A_140 = arith.constant 0 : i32
      %dma_wait3A_141 = arith.constant 0 : i32
      %dma_wait3A_142 = arith.constant 0 : i32
      %dma_wait3A_143 = arith.constant 0 : i32
      %dma_wait3A_144 = arith.constant 0 : i32
      %dma_wait3A_145 = tpu.memref_slice %arg11[%dma_wait3A_140, %dma_wait3A_143, %dma_wait3A_144] : memref<1x125x128xf32, #tpu.memory_space<vmem>> -> memref<1x125x128xf32, #tpu.memory_space<vmem>>
      %dma_wait3A_146 = tpu.memref_squeeze %dma_wait3A_145 : memref<1x125x128xf32, #tpu.memory_space<vmem>> -> memref<125x128xf32, #tpu.memory_space<vmem>>
      %dma_wait3A_147 = arith.constant 0 : i32
      %dma_wait3A_148 = tpu.memref_slice %arg9[%dma_wait3A_141, %dma_wait3A_147] : memref<1x125xi32, #tpu.memory_space<vmem>> -> memref<1x125xi32, #tpu.memory_space<vmem>>
      %dma_wait3A_149 = tpu.memref_squeeze %dma_wait3A_148 : memref<1x125xi32, #tpu.memory_space<vmem>> -> memref<125xi32, #tpu.memory_space<vmem>>
      %dma_wait3A_150 = arith.constant 0 : i32
      %dma_wait3A_151 = arith.constant 0 : i32
      %dma_wait3A_152 = tpu.memref_slice %arg13[%dma_wait3A_150, %dma_wait3A_151] : memref<10000x128xf32, #tpu.memory_space<vmem_shared>> -> memref<10000x128xf32, #tpu.memory_space<vmem_shared>>
      %dma_wait3A_153 = tpu.memref_slice %arg16[%dma_wait3A_142] : memref<1x!tpu.dma_semaphore, #tpu.memory_space<semaphore_mem>> -> memref<1x!tpu.dma_semaphore, #tpu.memory_space<semaphore_mem>>
      %dma_wait3A_154 = tpu.memref_squeeze %dma_wait3A_153 : memref<1x!tpu.dma_semaphore, #tpu.memory_space<semaphore_mem>> -> memref<!tpu.dma_semaphore, #tpu.memory_space<semaphore_mem>>
      tpu.wait_indirect_dma semaphore(%dma_wait3A_154 : memref<!tpu.dma_semaphore, #tpu.memory_space<semaphore_mem>>) src(%dma_wait3A_146 : memref<125x128xf32, #tpu.memory_space<vmem>>) dst(%dma_wait3A_152 : memref<10000x128xf32, #tpu.memory_space<vmem_shared>>)
      %add3A_155 = arith.constant 2 : i32
      %add3A_156 = arith.addi %mul3A_63, %add3A_155 : i32
      %lt3A_157 = arith.constant 80 : i32
      %lt3A_158 = arith.cmpi slt, %add3A_156, %lt3A_157 : i32
      %convert_element_type3A_159 = arith.extui %lt3A_158 : i1 to i32
      %cond3A_160 = arith.constant 0 : i32
      %cond3A_161 = arith.cmpi ne, %convert_element_type3A_159, %cond3A_160 : i32
      scf.if %cond3A_161 {
        %add3A_228 = arith.constant 2 : i32
        %add3A_229 = arith.addi %mul3A_63, %add3A_228 : i32
        %dma_start3A_230 = arith.constant 1 : i32
        %dma_start3A_231 = arith.constant 0 : i32
        %dma_start3A_232 = arith.constant 0 : i32
        %dma_start3A_233 = tpu.memref_slice %arg4[%add3A, %add3A_229, %dma_start3A_231, %dma_start3A_232] : memref<32x80x1x125xi32, #tpu.memory_space<hbm>> -> memref<1x1x1x125xi32, #tpu.memory_space<hbm>>
        %dma_start3A_234 = tpu.memref_squeeze %dma_start3A_233 : memref<1x1x1x125xi32, #tpu.memory_space<hbm>> -> memref<1x125xi32, #tpu.memory_space<hbm>>
        %dma_start3A_235 = tpu.memref_slice %arg18[%dma_start3A_230] : memref<2x!tpu.dma_semaphore, #tpu.memory_space<semaphore_mem>> -> memref<1x!tpu.dma_semaphore, #tpu.memory_space<semaphore_mem>>
        %dma_start3A_236 = tpu.memref_squeeze %dma_start3A_235 : memref<1x!tpu.dma_semaphore, #tpu.memory_space<semaphore_mem>> -> memref<!tpu.dma_semaphore, #tpu.memory_space<semaphore_mem>>
        %dma_start3A_237 = arith.constant 0 : i32
        %dma_start3A_238 = arith.constant 0 : i32
        %dma_start3A_239 = tpu.memref_slice %arg4[%add3A, %add3A_229, %dma_start3A_237, %dma_start3A_238] : memref<32x80x1x125xi32, #tpu.memory_space<hbm>> -> memref<1x1x1x125xi32, #tpu.memory_space<hbm>>
        %dma_start3A_240 = tpu.memref_squeeze %dma_start3A_239 : memref<1x1x1x125xi32, #tpu.memory_space<hbm>> -> memref<1x125xi32, #tpu.memory_space<hbm>>
        tpu.enqueue_dma source(%dma_start3A_240 : memref<1x125xi32, #tpu.memory_space<hbm>>) target(%arg9 : memref<1x125xi32, #tpu.memory_space<vmem>>) target_semaphore(%dma_start3A_236 : memref<!tpu.dma_semaphore, #tpu.memory_space<semaphore_mem>>)
      } else {
      }
      %dma_wait3A_162 = arith.constant 0 : i32
      %dma_wait3A_163 = arith.constant 0 : i32
      %dma_wait3A_164 = arith.constant 0 : i32
      %dma_wait3A_165 = arith.constant 0 : i32
      %dma_wait3A_166 = arith.constant 0 : i32
      %dma_wait3A_167 = tpu.memref_slice %arg12[%dma_wait3A_163, %dma_wait3A_165, %dma_wait3A_166] : memref<1x125x128xf32, #tpu.memory_space<vmem>> -> memref<1x125x128xf32, #tpu.memory_space<vmem>>
      %dma_wait3A_168 = tpu.memref_squeeze %dma_wait3A_167 : memref<1x125x128xf32, #tpu.memory_space<vmem>> -> memref<125x128xf32, #tpu.memory_space<vmem>>
      %dma_wait3A_169 = arith.constant 0 : i32
      %dma_wait3A_170 = tpu.memref_slice %arg7[%dma_wait3A_162, %dma_wait3A_169] : memref<1x125xi32, #tpu.memory_space<vmem>> -> memref<1x125xi32, #tpu.memory_space<vmem>>
      %dma_wait3A_171 = tpu.memref_squeeze %dma_wait3A_170 : memref<1x125xi32, #tpu.memory_space<vmem>> -> memref<125xi32, #tpu.memory_space<vmem>>
      %dma_wait3A_172 = arith.constant 0 : i32
      %dma_wait3A_173 = arith.constant 0 : i32
      %dma_wait3A_174 = tpu.memref_slice %arg2[%dma_wait3A_172, %dma_wait3A_173] : memref<10000x128xf32, #tpu.memory_space<hbm>> -> memref<10000x128xf32, #tpu.memory_space<hbm>>
      %dma_wait3A_175 = tpu.memref_slice %arg15[%dma_wait3A_164] : memref<1x!tpu.dma_semaphore, #tpu.memory_space<semaphore_mem>> -> memref<1x!tpu.dma_semaphore, #tpu.memory_space<semaphore_mem>>
      %dma_wait3A_176 = tpu.memref_squeeze %dma_wait3A_175 : memref<1x!tpu.dma_semaphore, #tpu.memory_space<semaphore_mem>> -> memref<!tpu.dma_semaphore, #tpu.memory_space<semaphore_mem>>
      tpu.wait_indirect_dma semaphore(%dma_wait3A_176 : memref<!tpu.dma_semaphore, #tpu.memory_space<semaphore_mem>>) src(%dma_wait3A_174 : memref<10000x128xf32, #tpu.memory_space<hbm>>) dst(%dma_wait3A_168 : memref<125x128xf32, #tpu.memory_space<vmem>>)
      %add3A_177 = arith.constant 3 : i32
      %add3A_178 = arith.addi %mul3A_63, %add3A_177 : i32
      %lt3A_179 = arith.constant 80 : i32
      %lt3A_180 = arith.cmpi slt, %add3A_178, %lt3A_179 : i32
      %convert_element_type3A_181 = arith.extui %lt3A_180 : i1 to i32
      %cond3A_182 = arith.constant 0 : i32
      %cond3A_183 = arith.cmpi ne, %convert_element_type3A_181, %cond3A_182 : i32
      scf.if %cond3A_183 {
        %add3A_228 = arith.constant 3 : i32
        %add3A_229 = arith.addi %mul3A_63, %add3A_228 : i32
        %dma_start3A_230 = arith.constant 0 : i32
        %dma_start3A_231 = arith.constant 0 : i32
        %dma_start3A_232 = arith.constant 0 : i32
        %dma_start3A_233 = tpu.memref_slice %arg3[%add3A, %add3A_229, %dma_start3A_231, %dma_start3A_232] : memref<32x80x1x125xi32, #tpu.memory_space<hbm>> -> memref<1x1x1x125xi32, #tpu.memory_space<hbm>>
        %dma_start3A_234 = tpu.memref_squeeze %dma_start3A_233 : memref<1x1x1x125xi32, #tpu.memory_space<hbm>> -> memref<1x125xi32, #tpu.memory_space<hbm>>
        %dma_start3A_235 = tpu.memref_slice %arg19[%dma_start3A_230] : memref<2x!tpu.dma_semaphore, #tpu.memory_space<semaphore_mem>> -> memref<1x!tpu.dma_semaphore, #tpu.memory_space<semaphore_mem>>
        %dma_start3A_236 = tpu.memref_squeeze %dma_start3A_235 : memref<1x!tpu.dma_semaphore, #tpu.memory_space<semaphore_mem>> -> memref<!tpu.dma_semaphore, #tpu.memory_space<semaphore_mem>>
        %dma_start3A_237 = arith.constant 0 : i32
        %dma_start3A_238 = arith.constant 0 : i32
        %dma_start3A_239 = tpu.memref_slice %arg3[%add3A, %add3A_229, %dma_start3A_237, %dma_start3A_238] : memref<32x80x1x125xi32, #tpu.memory_space<hbm>> -> memref<1x1x1x125xi32, #tpu.memory_space<hbm>>
        %dma_start3A_240 = tpu.memref_squeeze %dma_start3A_239 : memref<1x1x1x125xi32, #tpu.memory_space<hbm>> -> memref<1x125xi32, #tpu.memory_space<hbm>>
        tpu.enqueue_dma source(%dma_start3A_240 : memref<1x125xi32, #tpu.memory_space<hbm>>) target(%arg8 : memref<1x125xi32, #tpu.memory_space<vmem>>) target_semaphore(%dma_start3A_236 : memref<!tpu.dma_semaphore, #tpu.memory_space<semaphore_mem>>)
      } else {
      }
      %dma_start3A_184 = arith.constant 0 : i32
      %dma_start3A_185 = arith.constant 0 : i32
      %dma_start3A_186 = arith.constant 0 : i32
      %dma_start3A_187 = arith.constant 0 : i32
      %dma_start3A_188 = arith.constant 0 : i32
      %dma_start3A_189 = tpu.memref_slice %arg12[%dma_start3A_184, %dma_start3A_187, %dma_start3A_188] : memref<1x125x128xf32, #tpu.memory_space<vmem>> -> memref<1x125x128xf32, #tpu.memory_space<vmem>>
      %dma_start3A_190 = tpu.memref_squeeze %dma_start3A_189 : memref<1x125x128xf32, #tpu.memory_space<vmem>> -> memref<125x128xf32, #tpu.memory_space<vmem>>
      %dma_start3A_191 = arith.constant 0 : i32
      %dma_start3A_192 = tpu.memref_slice %arg10[%dma_start3A_185, %dma_start3A_191] : memref<1x125xi32, #tpu.memory_space<vmem>> -> memref<1x125xi32, #tpu.memory_space<vmem>>
      %dma_start3A_193 = tpu.memref_squeeze %dma_start3A_192 : memref<1x125xi32, #tpu.memory_space<vmem>> -> memref<125xi32, #tpu.memory_space<vmem>>
      %dma_start3A_194 = arith.constant 0 : i32
      %dma_start3A_195 = arith.constant 0 : i32
      %dma_start3A_196 = tpu.memref_slice %arg13[%dma_start3A_194, %dma_start3A_195] : memref<10000x128xf32, #tpu.memory_space<vmem_shared>> -> memref<10000x128xf32, #tpu.memory_space<vmem_shared>>
      %dma_start3A_197 = tpu.memref_slice %arg17[%dma_start3A_186] : memref<1x!tpu.dma_semaphore, #tpu.memory_space<semaphore_mem>> -> memref<1x!tpu.dma_semaphore, #tpu.memory_space<semaphore_mem>>
      %dma_start3A_198 = tpu.memref_squeeze %dma_start3A_197 : memref<1x!tpu.dma_semaphore, #tpu.memory_space<semaphore_mem>> -> memref<!tpu.dma_semaphore, #tpu.memory_space<semaphore_mem>>
      tpu.enqueue_indirect_dma source(%dma_start3A_190 : memref<125x128xf32, #tpu.memory_space<vmem>>) target(%dma_start3A_196 : memref<10000x128xf32, #tpu.memory_space<vmem_shared>>) offsets(%dma_start3A_193 : memref<125xi32, #tpu.memory_space<vmem>>) semaphore(%dma_start3A_198 : memref<!tpu.dma_semaphore, #tpu.memory_space<semaphore_mem>>) {add = true}
      %add3A_199 = arith.constant 2 : i32
      %add3A_200 = arith.addi %mul3A_63, %add3A_199 : i32
      %lt3A_201 = arith.constant 80 : i32
      %lt3A_202 = arith.cmpi slt, %add3A_200, %lt3A_201 : i32
      %convert_element_type3A_203 = arith.extui %lt3A_202 : i1 to i32
      %cond3A_204 = arith.constant 0 : i32
      %cond3A_205 = arith.cmpi ne, %convert_element_type3A_203, %cond3A_204 : i32
      scf.if %cond3A_205 {
        %dma_wait3A_228 = arith.constant 0 : i32
        %dma_wait3A_229 = arith.constant 0 : i32
        %dma_wait3A_230 = arith.constant 0 : i32
        %dma_wait3A_231 = arith.constant 0 : i32
        %dma_wait3A_232 = arith.constant 0 : i32
        %dma_wait3A_233 = tpu.memref_slice %arg3[%dma_wait3A_228, %dma_wait3A_229, %dma_wait3A_231, %dma_wait3A_232] : memref<32x80x1x125xi32, #tpu.memory_space<hbm>> -> memref<1x1x1x125xi32, #tpu.memory_space<hbm>>
        %dma_wait3A_234 = tpu.memref_squeeze %dma_wait3A_233 : memref<1x1x1x125xi32, #tpu.memory_space<hbm>> -> memref<1x125xi32, #tpu.memory_space<hbm>>
        %dma_wait3A_235 = tpu.memref_slice %arg18[%dma_wait3A_230] : memref<2x!tpu.dma_semaphore, #tpu.memory_space<semaphore_mem>> -> memref<1x!tpu.dma_semaphore, #tpu.memory_space<semaphore_mem>>
        %dma_wait3A_236 = tpu.memref_squeeze %dma_wait3A_235 : memref<1x!tpu.dma_semaphore, #tpu.memory_space<semaphore_mem>> -> memref<!tpu.dma_semaphore, #tpu.memory_space<semaphore_mem>>
        %dma_wait3A_237 = arith.constant 0 : i32
        %dma_wait3A_238 = arith.constant 0 : i32
        %dma_wait3A_239 = tpu.memref_slice %arg3[%dma_wait3A_228, %dma_wait3A_229, %dma_wait3A_237, %dma_wait3A_238] : memref<32x80x1x125xi32, #tpu.memory_space<hbm>> -> memref<1x1x1x125xi32, #tpu.memory_space<hbm>>
        %dma_wait3A_240 = tpu.memref_squeeze %dma_wait3A_239 : memref<1x1x1x125xi32, #tpu.memory_space<hbm>> -> memref<1x125xi32, #tpu.memory_space<hbm>>
        tpu.wait_dma2 semaphore(%dma_wait3A_236 : memref<!tpu.dma_semaphore, #tpu.memory_space<semaphore_mem>>) src(%dma_wait3A_240 : memref<1x125xi32, #tpu.memory_space<hbm>>) dst(%arg7 : memref<1x125xi32, #tpu.memory_space<vmem>>)
        %dma_wait3A_241 = arith.constant 0 : i32
        %dma_wait3A_242 = arith.constant 0 : i32
        %dma_wait3A_243 = arith.constant 1 : i32
        %dma_wait3A_244 = arith.constant 0 : i32
        %dma_wait3A_245 = arith.constant 0 : i32
        %dma_wait3A_246 = tpu.memref_slice %arg4[%dma_wait3A_241, %dma_wait3A_242, %dma_wait3A_244, %dma_wait3A_245] : memref<32x80x1x125xi32, #tpu.memory_space<hbm>> -> memref<1x1x1x125xi32, #tpu.memory_space<hbm>>
        %dma_wait3A_247 = tpu.memref_squeeze %dma_wait3A_246 : memref<1x1x1x125xi32, #tpu.memory_space<hbm>> -> memref<1x125xi32, #tpu.memory_space<hbm>>
        %dma_wait3A_248 = tpu.memref_slice %arg18[%dma_wait3A_243] : memref<2x!tpu.dma_semaphore, #tpu.memory_space<semaphore_mem>> -> memref<1x!tpu.dma_semaphore, #tpu.memory_space<semaphore_mem>>
        %dma_wait3A_249 = tpu.memref_squeeze %dma_wait3A_248 : memref<1x!tpu.dma_semaphore, #tpu.memory_space<semaphore_mem>> -> memref<!tpu.dma_semaphore, #tpu.memory_space<semaphore_mem>>
        %dma_wait3A_250 = arith.constant 0 : i32
        %dma_wait3A_251 = arith.constant 0 : i32
        %dma_wait3A_252 = tpu.memref_slice %arg4[%dma_wait3A_241, %dma_wait3A_242, %dma_wait3A_250, %dma_wait3A_251] : memref<32x80x1x125xi32, #tpu.memory_space<hbm>> -> memref<1x1x1x125xi32, #tpu.memory_space<hbm>>
        %dma_wait3A_253 = tpu.memref_squeeze %dma_wait3A_252 : memref<1x1x1x125xi32, #tpu.memory_space<hbm>> -> memref<1x125xi32, #tpu.memory_space<hbm>>
        tpu.wait_dma2 semaphore(%dma_wait3A_249 : memref<!tpu.dma_semaphore, #tpu.memory_space<semaphore_mem>>) src(%dma_wait3A_253 : memref<1x125xi32, #tpu.memory_space<hbm>>) dst(%arg9 : memref<1x125xi32, #tpu.memory_space<vmem>>)
        %dma_start3A_254 = arith.constant 0 : i32
        %dma_start3A_255 = arith.constant 0 : i32
        %dma_start3A_256 = arith.constant 0 : i32
        %dma_start3A_257 = arith.constant 0 : i32
        %dma_start3A_258 = arith.constant 0 : i32
        %dma_start3A_259 = tpu.memref_slice %arg11[%dma_start3A_255, %dma_start3A_257, %dma_start3A_258] : memref<1x125x128xf32, #tpu.memory_space<vmem>> -> memref<1x125x128xf32, #tpu.memory_space<vmem>>
        %dma_start3A_260 = tpu.memref_squeeze %dma_start3A_259 : memref<1x125x128xf32, #tpu.memory_space<vmem>> -> memref<125x128xf32, #tpu.memory_space<vmem>>
        %dma_start3A_261 = arith.constant 0 : i32
        %dma_start3A_262 = tpu.memref_slice %arg7[%dma_start3A_254, %dma_start3A_261] : memref<1x125xi32, #tpu.memory_space<vmem>> -> memref<1x125xi32, #tpu.memory_space<vmem>>
        %dma_start3A_263 = tpu.memref_squeeze %dma_start3A_262 : memref<1x125xi32, #tpu.memory_space<vmem>> -> memref<125xi32, #tpu.memory_space<vmem>>
        %dma_start3A_264 = arith.constant 0 : i32
        %dma_start3A_265 = arith.constant 0 : i32
        %dma_start3A_266 = tpu.memref_slice %arg2[%dma_start3A_264, %dma_start3A_265] : memref<10000x128xf32, #tpu.memory_space<hbm>> -> memref<10000x128xf32, #tpu.memory_space<hbm>>
        %dma_start3A_267 = tpu.memref_slice %arg14[%dma_start3A_256] : memref<1x!tpu.dma_semaphore, #tpu.memory_space<semaphore_mem>> -> memref<1x!tpu.dma_semaphore, #tpu.memory_space<semaphore_mem>>
        %dma_start3A_268 = tpu.memref_squeeze %dma_start3A_267 : memref<1x!tpu.dma_semaphore, #tpu.memory_space<semaphore_mem>> -> memref<!tpu.dma_semaphore, #tpu.memory_space<semaphore_mem>>
        tpu.enqueue_indirect_dma source(%dma_start3A_266 : memref<10000x128xf32, #tpu.memory_space<hbm>>) target(%dma_start3A_260 : memref<125x128xf32, #tpu.memory_space<vmem>>) offsets(%dma_start3A_263 : memref<125xi32, #tpu.memory_space<vmem>>) semaphore(%dma_start3A_268 : memref<!tpu.dma_semaphore, #tpu.memory_space<semaphore_mem>>)
      } else {
      }
      %dma_wait3A_206 = arith.constant 0 : i32
      %dma_wait3A_207 = arith.constant 0 : i32
      %dma_wait3A_208 = arith.constant 0 : i32
      %dma_wait3A_209 = arith.constant 0 : i32
      %dma_wait3A_210 = arith.constant 0 : i32
      %dma_wait3A_211 = tpu.memref_slice %arg12[%dma_wait3A_206, %dma_wait3A_209, %dma_wait3A_210] : memref<1x125x128xf32, #tpu.memory_space<vmem>> -> memref<1x125x128xf32, #tpu.memory_space<vmem>>
      %dma_wait3A_212 = tpu.memref_squeeze %dma_wait3A_211 : memref<1x125x128xf32, #tpu.memory_space<vmem>> -> memref<125x128xf32, #tpu.memory_space<vmem>>
      %dma_wait3A_213 = arith.constant 0 : i32
      %dma_wait3A_214 = tpu.memref_slice %arg10[%dma_wait3A_207, %dma_wait3A_213] : memref<1x125xi32, #tpu.memory_space<vmem>> -> memref<1x125xi32, #tpu.memory_space<vmem>>
      %dma_wait3A_215 = tpu.memref_squeeze %dma_wait3A_214 : memref<1x125xi32, #tpu.memory_space<vmem>> -> memref<125xi32, #tpu.memory_space<vmem>>
      %dma_wait3A_216 = arith.constant 0 : i32
      %dma_wait3A_217 = arith.constant 0 : i32
      %dma_wait3A_218 = tpu.memref_slice %arg13[%dma_wait3A_216, %dma_wait3A_217] : memref<10000x128xf32, #tpu.memory_space<vmem_shared>> -> memref<10000x128xf32, #tpu.memory_space<vmem_shared>>
      %dma_wait3A_219 = tpu.memref_slice %arg17[%dma_wait3A_208] : memref<1x!tpu.dma_semaphore, #tpu.memory_space<semaphore_mem>> -> memref<1x!tpu.dma_semaphore, #tpu.memory_space<semaphore_mem>>
      %dma_wait3A_220 = tpu.memref_squeeze %dma_wait3A_219 : memref<1x!tpu.dma_semaphore, #tpu.memory_space<semaphore_mem>> -> memref<!tpu.dma_semaphore, #tpu.memory_space<semaphore_mem>>
      tpu.wait_indirect_dma semaphore(%dma_wait3A_220 : memref<!tpu.dma_semaphore, #tpu.memory_space<semaphore_mem>>) src(%dma_wait3A_212 : memref<125x128xf32, #tpu.memory_space<vmem>>) dst(%dma_wait3A_218 : memref<10000x128xf32, #tpu.memory_space<vmem_shared>>)
      %add3A_221 = arith.constant 3 : i32
      %add3A_222 = arith.addi %mul3A_63, %add3A_221 : i32
      %lt3A_223 = arith.constant 80 : i32
      %lt3A_224 = arith.cmpi slt, %add3A_222, %lt3A_223 : i32
      %convert_element_type3A_225 = arith.extui %lt3A_224 : i1 to i32
      %cond3A_226 = arith.constant 0 : i32
      %cond3A_227 = arith.cmpi ne, %convert_element_type3A_225, %cond3A_226 : i32
      scf.if %cond3A_227 {
        %add3A_228 = arith.constant 3 : i32
        %add3A_229 = arith.addi %mul3A_63, %add3A_228 : i32
        %dma_start3A_230 = arith.constant 1 : i32
        %dma_start3A_231 = arith.constant 0 : i32
        %dma_start3A_232 = arith.constant 0 : i32
        %dma_start3A_233 = tpu.memref_slice %arg4[%add3A, %add3A_229, %dma_start3A_231, %dma_start3A_232] : memref<32x80x1x125xi32, #tpu.memory_space<hbm>> -> memref<1x1x1x125xi32, #tpu.memory_space<hbm>>
        %dma_start3A_234 = tpu.memref_squeeze %dma_start3A_233 : memref<1x1x1x125xi32, #tpu.memory_space<hbm>> -> memref<1x125xi32, #tpu.memory_space<hbm>>
        %dma_start3A_235 = tpu.memref_slice %arg19[%dma_start3A_230] : memref<2x!tpu.dma_semaphore, #tpu.memory_space<semaphore_mem>> -> memref<1x!tpu.dma_semaphore, #tpu.memory_space<semaphore_mem>>
        %dma_start3A_236 = tpu.memref_squeeze %dma_start3A_235 : memref<1x!tpu.dma_semaphore, #tpu.memory_space<semaphore_mem>> -> memref<!tpu.dma_semaphore, #tpu.memory_space<semaphore_mem>>
        %dma_start3A_237 = arith.constant 0 : i32
        %dma_start3A_238 = arith.constant 0 : i32
        %dma_start3A_239 = tpu.memref_slice %arg4[%add3A, %add3A_229, %dma_start3A_237, %dma_start3A_238] : memref<32x80x1x125xi32, #tpu.memory_space<hbm>> -> memref<1x1x1x125xi32, #tpu.memory_space<hbm>>
        %dma_start3A_240 = tpu.memref_squeeze %dma_start3A_239 : memref<1x1x1x125xi32, #tpu.memory_space<hbm>> -> memref<1x125xi32, #tpu.memory_space<hbm>>
        tpu.enqueue_dma source(%dma_start3A_240 : memref<1x125xi32, #tpu.memory_space<hbm>>) target(%arg10 : memref<1x125xi32, #tpu.memory_space<vmem>>) target_semaphore(%dma_start3A_236 : memref<!tpu.dma_semaphore, #tpu.memory_space<semaphore_mem>>)
      } else {
      }
    }
    %scan3A_50 = arith.constant 40 : i32
    %barrier3A_51 = arith.constant 0 : index
    tpu.barrier barrier_id(%barrier3A_51)
    %mul3A_52 = arith.constant 624 : i32
    %mul3A_53 = arith.muli %arg1, %mul3A_52 : i32
    %mul3A_54 = arith.constant 624 : i32
    %mul3A_55 = arith.muli %arg1, %mul3A_54 : i32
    "tpu.region"() ({
      %run_scoped3A_61 = tpu.sem_alloc : memref<!tpu.dma_semaphore, #tpu.memory_space<semaphore_mem>>
      %dma_start3A_62 = arith.constant 0 : i32
      %dma_start3A_63 = tpu.memref_slice %arg6[%arg0, %mul3A_55, %dma_start3A_62] : memref<2x10000x128xf32, #tpu.memory_space<hbm>> -> memref<1x624x128xf32, #tpu.memory_space<hbm>>
      %dma_start3A_64 = tpu.memref_squeeze %dma_start3A_63 : memref<1x624x128xf32, #tpu.memory_space<hbm>> -> memref<624x128xf32, #tpu.memory_space<hbm>>
      %dma_start3A_65 = arith.constant 0 : i32
      %dma_start3A_66 = tpu.memref_slice %arg13[%mul3A_53, %dma_start3A_65] : memref<10000x128xf32, #tpu.memory_space<vmem_shared>> -> memref<624x128xf32, #tpu.memory_space<vmem_shared>>
      tpu.enqueue_dma source(%dma_start3A_66 : memref<624x128xf32, #tpu.memory_space<vmem_shared>>) target(%dma_start3A_64 : memref<624x128xf32, #tpu.memory_space<hbm>>) target_semaphore(%run_scoped3A_61 : memref<!tpu.dma_semaphore, #tpu.memory_space<semaphore_mem>>)
      %dma_wait3A = arith.constant 0 : i32
      %dma_wait3A_67 = tpu.memref_slice %arg6[%arg0, %mul3A_55, %dma_wait3A] : memref<2x10000x128xf32, #tpu.memory_space<hbm>> -> memref<1x624x128xf32, #tpu.memory_space<hbm>>
      %dma_wait3A_68 = tpu.memref_squeeze %dma_wait3A_67 : memref<1x624x128xf32, #tpu.memory_space<hbm>> -> memref<624x128xf32, #tpu.memory_space<hbm>>
      %dma_wait3A_69 = arith.constant 0 : i32
      %dma_wait3A_70 = tpu.memref_slice %arg13[%mul3A_53, %dma_wait3A_69] : memref<10000x128xf32, #tpu.memory_space<vmem_shared>> -> memref<624x128xf32, #tpu.memory_space<vmem_shared>>
      tpu.wait_dma2 semaphore(%run_scoped3A_61 : memref<!tpu.dma_semaphore, #tpu.memory_space<semaphore_mem>>) src(%dma_wait3A_70 : memref<624x128xf32, #tpu.memory_space<vmem_shared>>) dst(%dma_wait3A_68 : memref<624x128xf32, #tpu.memory_space<hbm>>)
      tpu.yield
    }) : () -> ()
    %eq3A_56 = arith.constant 0 : i32
    %eq3A_57 = arith.cmpi eq, %arg1, %eq3A_56 : i32
    %convert_element_type3A_58 = arith.extui %eq3A_57 : i1 to i32
    %cond3A_59 = arith.constant 0 : i32
    %cond3A_60 = arith.cmpi ne, %convert_element_type3A_58, %cond3A_59 : i32
    scf.if %cond3A_60 {
      "tpu.region"() ({
        %run_scoped3A_61 = tpu.sem_alloc : memref<!tpu.dma_semaphore, #tpu.memory_space<semaphore_mem>>
        %dma_start3A_62 = arith.constant 9984 : i32
        %dma_start3A_63 = arith.constant 0 : i32
        %dma_start3A_64 = tpu.memref_slice %arg6[%arg0, %dma_start3A_62, %dma_start3A_63] : memref<2x10000x128xf32, #tpu.memory_space<hbm>> -> memref<1x16x128xf32, #tpu.memory_space<hbm>>
        %dma_start3A_65 = tpu.memref_squeeze %dma_start3A_64 : memref<1x16x128xf32, #tpu.memory_space<hbm>> -> memref<16x128xf32, #tpu.memory_space<hbm>>
        %dma_start3A_66 = arith.constant 9984 : i32
        %dma_start3A_67 = arith.constant 0 : i32
        %dma_start3A_68 = tpu.memref_slice %arg13[%dma_start3A_66, %dma_start3A_67] : memref<10000x128xf32, #tpu.memory_space<vmem_shared>> -> memref<16x128xf32, #tpu.memory_space<vmem_shared>>
        tpu.enqueue_dma source(%dma_start3A_68 : memref<16x128xf32, #tpu.memory_space<vmem_shared>>) target(%dma_start3A_65 : memref<16x128xf32, #tpu.memory_space<hbm>>) target_semaphore(%run_scoped3A_61 : memref<!tpu.dma_semaphore, #tpu.memory_space<semaphore_mem>>)
        %dma_wait3A = arith.constant 9984 : i32
        %dma_wait3A_69 = arith.constant 0 : i32
        %dma_wait3A_70 = tpu.memref_slice %arg6[%arg0, %dma_wait3A, %dma_wait3A_69] : memref<2x10000x128xf32, #tpu.memory_space<hbm>> -> memref<1x16x128xf32, #tpu.memory_space<hbm>>
        %dma_wait3A_71 = tpu.memref_squeeze %dma_wait3A_70 : memref<1x16x128xf32, #tpu.memory_space<hbm>> -> memref<16x128xf32, #tpu.memory_space<hbm>>
        %dma_wait3A_72 = arith.constant 9984 : i32
        %dma_wait3A_73 = arith.constant 0 : i32
        %dma_wait3A_74 = tpu.memref_slice %arg13[%dma_wait3A_72, %dma_wait3A_73] : memref<10000x128xf32, #tpu.memory_space<vmem_shared>> -> memref<16x128xf32, #tpu.memory_space<vmem_shared>>
        tpu.wait_dma2 semaphore(%run_scoped3A_61 : memref<!tpu.dma_semaphore, #tpu.memory_space<semaphore_mem>>) src(%dma_wait3A_74 : memref<16x128xf32, #tpu.memory_space<vmem_shared>>) dst(%dma_wait3A_71 : memref<16x128xf32, #tpu.memory_space<hbm>>)
        tpu.yield
      }) : () -> ()
    } else {
    }
    return
  }
}

module attributes {stable_mosaic.version = 14 : i64} {
  func.func @body(%arg0: i32, %arg1: memref<1000x128xf32, #tpu.memory_space<vmem>>, %arg2: memref<128x128xf32, #tpu.memory_space<vmem>>, %arg3: memref<1x128xf32, #tpu.memory_space<vmem>>, %arg4: memref<1000x128xf32, #tpu.memory_space<vmem>>, %arg5: memref<1000x128xf32, #tpu.memory_space<vmem>>) attributes {dimension_semantics = [#tpu.dimension_semantics<arbitrary>], iteration_bounds = array<i64: 10>, scalar_prefetch = 0 : i64, scratch_operands = 0 : i64, tpu.core_type = #tpu.core_type<tc>, window_params = [{transform_indices = @transform_0, window_bounds = array<i64: 1000, 128>}, {pipeline_mode = #tpu.pipeline_mode<synchronous>, transform_indices = @transform_1, window_bounds = array<i64: 128, 128>}, {pipeline_mode = #tpu.pipeline_mode<synchronous>, transform_indices = @transform_2, window_bounds = array<i64: 1, 128>}, {transform_indices = @transform_3, window_bounds = array<i64: 1000, 128>}, {transform_indices = @transform_4, window_bounds = array<i64: 1000, 128>}]} {
    %get3A = arith.constant 0 : index
    %get3A_0 = arith.constant 0 : index
    %get3A_1 = vector.load %arg1[%get3A, %get3A_0] : memref<1000x128xf32, #tpu.memory_space<vmem>>, vector<1000x128xf32>
    %convert_element_type3A = arith.truncf %get3A_1 : vector<1000x128xf32> to vector<1000x128xbf16>
    %convert_element_type3A_2 = arith.extf %convert_element_type3A : vector<1000x128xbf16> to vector<1000x128xf32>
    %get3A_3 = arith.constant 0 : index
    %get3A_4 = arith.constant 0 : index
    %get3A_5 = vector.load %arg2[%get3A_3, %get3A_4] : memref<128x128xf32, #tpu.memory_space<vmem>>, vector<128x128xf32>
    %dot_general3A = arith.constant dense<0.000000e+00> : vector<1000x128xf32>
    %dot_general3A_6 = tpu.matmul %convert_element_type3A_2, %get3A_5, %dot_general3A {dimension_numbers = #tpu.dot_dimension_numbers<[1], [0], [0], [1], [0, 0, 1, 1], [], []>, precision = #tpu.contract_precision<fp32>, transpose_lhs_hint = false} : vector<1000x128xf32>, vector<128x128xf32>, vector<1000x128xf32> -> vector<1000x128xf32>
    %get3A_7 = arith.constant 0 : index
    %get3A_8 = arith.constant 0 : index
    %get3A_9 = vector.load %arg3[%get3A_7, %get3A_8] : memref<1x128xf32, #tpu.memory_space<vmem>>, vector<1x128xf32>
    %add3A = vector.broadcast %get3A_9 : vector<1x128xf32> to vector<1000x128xf32>
    %add3A_10 = arith.addf %dot_general3A_6, %add3A : vector<1000x128xf32>
    %max3A = arith.constant 0.000000e+00 : f32
    %max3A_11 = vector.broadcast %max3A : f32 to vector<1000x128xf32>
    %max3A_12 = arith.maximumf %add3A_10, %max3A_11 : vector<1000x128xf32>
    %swap3A = arith.constant 0 : index
    %swap3A_13 = arith.constant 0 : index
    %swap3A_14 = vector.load %arg4[%swap3A, %swap3A_13] : memref<1000x128xf32, #tpu.memory_space<vmem>>, vector<1000x128xf32>
    tpu.vector_store %arg4[%swap3A, %swap3A_13], %max3A_12 {strides = array<i32>} : memref<1000x128xf32, #tpu.memory_space<vmem>>, vector<1000x128xf32>,
    %convert_element_type3A_15 = arith.truncf %max3A_12 : vector<1000x128xf32> to vector<1000x128xbf16>
    %convert_element_type3A_16 = arith.extf %convert_element_type3A_15 : vector<1000x128xbf16> to vector<1000x128xf32>
    %swap3A_17 = arith.constant 0 : index
    %swap3A_18 = arith.constant 0 : index
    %swap3A_19 = vector.load %arg5[%swap3A_17, %swap3A_18] : memref<1000x128xf32, #tpu.memory_space<vmem>>, vector<1000x128xf32>
    tpu.vector_store %arg5[%swap3A_17, %swap3A_18], %convert_element_type3A_16 {strides = array<i32>} : memref<1000x128xf32, #tpu.memory_space<vmem>>, vector<1000x128xf32>,
    return
  }
  func.func @transform_0(%arg0: i32) -> (i32, i32) {
    %c0_i32 = arith.constant 0 : i32
    %c0_i32_0 = arith.constant 0 : i32
    return %arg0, %c0_i32 : i32, i32
  }
  func.func @transform_1(%arg0: i32) -> (i32, i32) {
    %c0_i32 = arith.constant 0 : i32
    %c0_i32_0 = arith.constant 0 : i32
    %c0_i32_1 = arith.constant 0 : i32
    return %c0_i32, %c0_i32_0 : i32, i32
  }
  func.func @transform_2(%arg0: i32) -> (i32, i32) {
    %c0_i32 = arith.constant 0 : i32
    %c0_i32_0 = arith.constant 0 : i32
    %c0_i32_1 = arith.constant 0 : i32
    return %c0_i32, %c0_i32_0 : i32, i32
  }
  func.func @transform_3(%arg0: i32) -> (i32, i32) {
    %c0_i32 = arith.constant 0 : i32
    %c0_i32_0 = arith.constant 0 : i32
    return %arg0, %c0_i32 : i32, i32
  }
  func.func @transform_4(%arg0: i32) -> (i32, i32) {
    %c0_i32 = arith.constant 0 : i32
    %c0_i32_0 = arith.constant 0 : i32
    return %arg0, %c0_i32 : i32, i32
  }
}

module attributes {stable_mosaic.version = 14 : i64} {
  func.func @body(%arg0: i32, %arg1: memref<2x1000x128xf32, #tpu.memory_space<vmem>>, %arg2: memref<128x128xf32, #tpu.memory_space<vmem>>, %arg3: memref<128x128xf32, #tpu.memory_space<vmem>>, %arg4: memref<1000x128xf32, #tpu.memory_space<vmem>>, %arg5: memref<1000x128xf32, #tpu.memory_space<vmem>>, %arg6: memref<1000x128xf32, #tpu.memory_space<vmem>>) attributes {dimension_semantics = [#tpu.dimension_semantics<arbitrary>], iteration_bounds = array<i64: 10>, scalar_prefetch = 0 : i64, scratch_operands = 0 : i64, tpu.core_type = #tpu.core_type<tc>, window_params = [{transform_indices = @transform_0, window_bounds = array<i64: 2, 1000, 128>}, {pipeline_mode = #tpu.pipeline_mode<synchronous>, transform_indices = @transform_1, window_bounds = array<i64: 128, 128>}, {pipeline_mode = #tpu.pipeline_mode<synchronous>, transform_indices = @transform_2, window_bounds = array<i64: 128, 128>}, {transform_indices = @transform_3, window_bounds = array<i64: 1000, 128>}, {transform_indices = @transform_4, window_bounds = array<i64: 1000, 128>}, {transform_indices = @transform_5, window_bounds = array<i64: 1000, 128>}]} {
    %get3A = arith.constant 0 : index
    %get3A_0 = arith.constant 0 : index
    %get3A_1 = arith.constant 0 : index
    %get3A_2 = vector.load %arg1[%get3A, %get3A_0, %get3A_1] : memref<2x1000x128xf32, #tpu.memory_space<vmem>>, vector<1x1000x128xf32>
    %get3A_3 = vector.shape_cast %get3A_2 : vector<1x1000x128xf32> to vector<1000x128xf32>
    %get3A_4 = arith.constant 1 : index
    %get3A_5 = arith.constant 0 : index
    %get3A_6 = arith.constant 0 : index
    %get3A_7 = vector.load %arg1[%get3A_4, %get3A_5, %get3A_6] : memref<2x1000x128xf32, #tpu.memory_space<vmem>>, vector<1x1000x128xf32>
    %get3A_8 = vector.shape_cast %get3A_7 : vector<1x1000x128xf32> to vector<1000x128xf32>
    %add3A = arith.addf %get3A_3, %get3A_8 : vector<1000x128xf32>
    %get3A_9 = arith.constant 0 : index
    %get3A_10 = arith.constant 0 : index
    %get3A_11 = vector.load %arg2[%get3A_9, %get3A_10] : memref<128x128xf32, #tpu.memory_space<vmem>>, vector<128x128xf32>
    %dot_general3A = arith.constant dense<0.000000e+00> : vector<1000x128xf32>
    %dot_general3A_12 = tpu.matmul %add3A, %get3A_11, %dot_general3A {dimension_numbers = #tpu.dot_dimension_numbers<[1], [0], [0], [1], [0, 0, 1, 1], [], []>, precision = #tpu.contract_precision<fp32>, transpose_lhs_hint = false} : vector<1000x128xf32>, vector<128x128xf32>, vector<1000x128xf32> -> vector<1000x128xf32>
    %convert_element_type3A = arith.truncf %dot_general3A_12 : vector<1000x128xf32> to vector<1000x128xbf16>
    %convert_element_type3A_13 = arith.extf %convert_element_type3A : vector<1000x128xbf16> to vector<1000x128xf32>
    %get3A_14 = arith.constant 0 : index
    %get3A_15 = arith.constant 0 : index
    %get3A_16 = vector.load %arg3[%get3A_14, %get3A_15] : memref<128x128xf32, #tpu.memory_space<vmem>>, vector<128x128xf32>
    %dot_general3A_17 = arith.constant dense<0.000000e+00> : vector<1000x128xf32>
    %dot_general3A_18 = tpu.matmul %convert_element_type3A_13, %get3A_16, %dot_general3A_17 {dimension_numbers = #tpu.dot_dimension_numbers<[1], [0], [0], [1], [0, 0, 1, 1], [], []>, precision = #tpu.contract_precision<fp32>, transpose_lhs_hint = false} : vector<1000x128xf32>, vector<128x128xf32>, vector<1000x128xf32> -> vector<1000x128xf32>
    %get3A_19 = arith.constant 0 : index
    %get3A_20 = arith.constant 0 : index
    %get3A_21 = vector.load %arg4[%get3A_19, %get3A_20] : memref<1000x128xf32, #tpu.memory_space<vmem>>, vector<1000x128xf32>
    %add3A_22 = arith.addf %dot_general3A_18, %get3A_21 : vector<1000x128xf32>
    %max3A = arith.constant 0.000000e+00 : f32
    %max3A_23 = vector.broadcast %max3A : f32 to vector<1000x128xf32>
    %max3A_24 = arith.maximumf %add3A_22, %max3A_23 : vector<1000x128xf32>
    %swap3A = arith.constant 0 : index
    %swap3A_25 = arith.constant 0 : index
    %swap3A_26 = vector.load %arg5[%swap3A, %swap3A_25] : memref<1000x128xf32, #tpu.memory_space<vmem>>, vector<1000x128xf32>
    tpu.vector_store %arg5[%swap3A, %swap3A_25], %max3A_24 {strides = array<i32>} : memref<1000x128xf32, #tpu.memory_space<vmem>>, vector<1000x128xf32>,
    %convert_element_type3A_27 = arith.truncf %max3A_24 : vector<1000x128xf32> to vector<1000x128xbf16>
    %convert_element_type3A_28 = arith.extf %convert_element_type3A_27 : vector<1000x128xbf16> to vector<1000x128xf32>
    %swap3A_29 = arith.constant 0 : index
    %swap3A_30 = arith.constant 0 : index
    %swap3A_31 = vector.load %arg6[%swap3A_29, %swap3A_30] : memref<1000x128xf32, #tpu.memory_space<vmem>>, vector<1000x128xf32>
    tpu.vector_store %arg6[%swap3A_29, %swap3A_30], %convert_element_type3A_28 {strides = array<i32>} : memref<1000x128xf32, #tpu.memory_space<vmem>>, vector<1000x128xf32>,
    return
  }
  func.func @transform_0(%arg0: i32) -> (i32, i32, i32) {
    %c0_i32 = arith.constant 0 : i32
    %c0_i32_0 = arith.constant 0 : i32
    %c0_i32_1 = arith.constant 0 : i32
    return %c0_i32, %arg0, %c0_i32_0 : i32, i32, i32
  }
  func.func @transform_1(%arg0: i32) -> (i32, i32) {
    %c0_i32 = arith.constant 0 : i32
    %c0_i32_0 = arith.constant 0 : i32
    %c0_i32_1 = arith.constant 0 : i32
    return %c0_i32, %c0_i32_0 : i32, i32
  }
  func.func @transform_2(%arg0: i32) -> (i32, i32) {
    %c0_i32 = arith.constant 0 : i32
    %c0_i32_0 = arith.constant 0 : i32
    %c0_i32_1 = arith.constant 0 : i32
    return %c0_i32, %c0_i32_0 : i32, i32
  }
  func.func @transform_3(%arg0: i32) -> (i32, i32) {
    %c0_i32 = arith.constant 0 : i32
    %c0_i32_0 = arith.constant 0 : i32
    return %arg0, %c0_i32 : i32, i32
  }
  func.func @transform_4(%arg0: i32) -> (i32, i32) {
    %c0_i32 = arith.constant 0 : i32
    %c0_i32_0 = arith.constant 0 : i32
    return %arg0, %c0_i32 : i32, i32
  }
  func.func @transform_5(%arg0: i32) -> (i32, i32) {
    %c0_i32 = arith.constant 0 : i32
    %c0_i32_0 = arith.constant 0 : i32
    return %arg0, %c0_i32 : i32, i32
  }
}

module attributes {stable_mosaic.version = 14 : i64} {
  func.func @body(%arg0: i32, %arg1: memref<2x1000x128xf32, #tpu.memory_space<vmem>>, %arg2: memref<128x128xf32, #tpu.memory_space<vmem>>, %arg3: memref<128x128xf32, #tpu.memory_space<vmem>>, %arg4: memref<1000x128xf32, #tpu.memory_space<vmem>>, %arg5: memref<128x64xf32, #tpu.memory_space<vmem>>, %arg6: memref<1x64xf32, #tpu.memory_space<vmem>>, %arg7: memref<64x32xf32, #tpu.memory_space<vmem>>, %arg8: memref<1x32xf32, #tpu.memory_space<vmem>>, %arg9: memref<32x1xf32, #tpu.memory_space<vmem>>, %arg10: memref<1x1xf32, #tpu.memory_space<vmem>>, %arg11: memref<1000x1xf32, #tpu.memory_space<vmem>>) attributes {dimension_semantics = [#tpu.dimension_semantics<arbitrary>], iteration_bounds = array<i64: 10>, scalar_prefetch = 0 : i64, scratch_operands = 0 : i64, tpu.core_type = #tpu.core_type<tc>, window_params = [{transform_indices = @transform_0, window_bounds = array<i64: 2, 1000, 128>}, {pipeline_mode = #tpu.pipeline_mode<synchronous>, transform_indices = @transform_1, window_bounds = array<i64: 128, 128>}, {pipeline_mode = #tpu.pipeline_mode<synchronous>, transform_indices = @transform_2, window_bounds = array<i64: 128, 128>}, {transform_indices = @transform_3, window_bounds = array<i64: 1000, 128>}, {pipeline_mode = #tpu.pipeline_mode<synchronous>, transform_indices = @transform_4, window_bounds = array<i64: 128, 64>}, {pipeline_mode = #tpu.pipeline_mode<synchronous>, transform_indices = @transform_5, window_bounds = array<i64: 1, 64>}, {pipeline_mode = #tpu.pipeline_mode<synchronous>, transform_indices = @transform_6, window_bounds = array<i64: 64, 32>}, {pipeline_mode = #tpu.pipeline_mode<synchronous>, transform_indices = @transform_7, window_bounds = array<i64: 1, 32>}, {pipeline_mode = #tpu.pipeline_mode<synchronous>, transform_indices = @transform_8, window_bounds = array<i64: 32, 1>}, {pipeline_mode = #tpu.pipeline_mode<synchronous>, transform_indices = @transform_9, window_bounds = array<i64: 1, 1>}, {transform_indices = @transform_10, window_bounds = array<i64: 1000, 1>}]} {
    %get3A = arith.constant 0 : index
    %get3A_0 = arith.constant 0 : index
    %get3A_1 = arith.constant 0 : index
    %get3A_2 = vector.load %arg1[%get3A, %get3A_0, %get3A_1] : memref<2x1000x128xf32, #tpu.memory_space<vmem>>, vector<1x1000x128xf32>
    %get3A_3 = vector.shape_cast %get3A_2 : vector<1x1000x128xf32> to vector<1000x128xf32>
    %get3A_4 = arith.constant 1 : index
    %get3A_5 = arith.constant 0 : index
    %get3A_6 = arith.constant 0 : index
    %get3A_7 = vector.load %arg1[%get3A_4, %get3A_5, %get3A_6] : memref<2x1000x128xf32, #tpu.memory_space<vmem>>, vector<1x1000x128xf32>
    %get3A_8 = vector.shape_cast %get3A_7 : vector<1x1000x128xf32> to vector<1000x128xf32>
    %add3A = arith.addf %get3A_3, %get3A_8 : vector<1000x128xf32>
    %get3A_9 = arith.constant 0 : index
    %get3A_10 = arith.constant 0 : index
    %get3A_11 = vector.load %arg2[%get3A_9, %get3A_10] : memref<128x128xf32, #tpu.memory_space<vmem>>, vector<128x128xf32>
    %dot_general3A = arith.constant dense<0.000000e+00> : vector<1000x128xf32>
    %dot_general3A_12 = tpu.matmul %add3A, %get3A_11, %dot_general3A {dimension_numbers = #tpu.dot_dimension_numbers<[1], [0], [0], [1], [0, 0, 1, 1], [], []>, precision = #tpu.contract_precision<fp32>, transpose_lhs_hint = false} : vector<1000x128xf32>, vector<128x128xf32>, vector<1000x128xf32> -> vector<1000x128xf32>
    %convert_element_type3A = arith.truncf %dot_general3A_12 : vector<1000x128xf32> to vector<1000x128xbf16>
    %convert_element_type3A_13 = arith.extf %convert_element_type3A : vector<1000x128xbf16> to vector<1000x128xf32>
    %get3A_14 = arith.constant 0 : index
    %get3A_15 = arith.constant 0 : index
    %get3A_16 = vector.load %arg3[%get3A_14, %get3A_15] : memref<128x128xf32, #tpu.memory_space<vmem>>, vector<128x128xf32>
    %dot_general3A_17 = arith.constant dense<0.000000e+00> : vector<1000x128xf32>
    %dot_general3A_18 = tpu.matmul %convert_element_type3A_13, %get3A_16, %dot_general3A_17 {dimension_numbers = #tpu.dot_dimension_numbers<[1], [0], [0], [1], [0, 0, 1, 1], [], []>, precision = #tpu.contract_precision<fp32>, transpose_lhs_hint = false} : vector<1000x128xf32>, vector<128x128xf32>, vector<1000x128xf32> -> vector<1000x128xf32>
    %get3A_19 = arith.constant 0 : index
    %get3A_20 = arith.constant 0 : index
    %get3A_21 = vector.load %arg4[%get3A_19, %get3A_20] : memref<1000x128xf32, #tpu.memory_space<vmem>>, vector<1000x128xf32>
    %add3A_22 = arith.addf %dot_general3A_18, %get3A_21 : vector<1000x128xf32>
    %max3A = arith.constant 0.000000e+00 : f32
    %max3A_23 = vector.broadcast %max3A : f32 to vector<1000x128xf32>
    %max3A_24 = arith.maximumf %add3A_22, %max3A_23 : vector<1000x128xf32>
    %convert_element_type3A_25 = arith.truncf %max3A_24 : vector<1000x128xf32> to vector<1000x128xbf16>
    %convert_element_type3A_26 = arith.extf %convert_element_type3A_25 : vector<1000x128xbf16> to vector<1000x128xf32>
    %get3A_27 = arith.constant 0 : index
    %get3A_28 = arith.constant 0 : index
    %get3A_29 = vector.load %arg5[%get3A_27, %get3A_28] : memref<128x64xf32, #tpu.memory_space<vmem>>, vector<128x64xf32>
    %dot_general3A_30 = arith.constant dense<0.000000e+00> : vector<1000x64xf32>
    %dot_general3A_31 = tpu.matmul %convert_element_type3A_26, %get3A_29, %dot_general3A_30 {dimension_numbers = #tpu.dot_dimension_numbers<[1], [0], [0], [1], [0, 0, 1, 1], [], []>, precision = #tpu.contract_precision<fp32>, transpose_lhs_hint = false} : vector<1000x128xf32>, vector<128x64xf32>, vector<1000x64xf32> -> vector<1000x64xf32>
    %get3A_32 = arith.constant 0 : index
    %get3A_33 = arith.constant 0 : index
    %get3A_34 = vector.load %arg6[%get3A_32, %get3A_33] : memref<1x64xf32, #tpu.memory_space<vmem>>, vector<1x64xf32>
    %add3A_35 = vector.broadcast %get3A_34 : vector<1x64xf32> to vector<1000x64xf32>
    %add3A_36 = arith.addf %dot_general3A_31, %add3A_35 : vector<1000x64xf32>
    %max3A_37 = arith.constant 0.000000e+00 : f32
    %max3A_38 = vector.broadcast %max3A_37 : f32 to vector<1000x64xf32>
    %max3A_39 = arith.maximumf %add3A_36, %max3A_38 : vector<1000x64xf32>
    %convert_element_type3A_40 = arith.truncf %max3A_39 : vector<1000x64xf32> to vector<1000x64xbf16>
    %convert_element_type3A_41 = arith.extf %convert_element_type3A_40 : vector<1000x64xbf16> to vector<1000x64xf32>
    %get3A_42 = arith.constant 0 : index
    %get3A_43 = arith.constant 0 : index
    %get3A_44 = vector.load %arg7[%get3A_42, %get3A_43] : memref<64x32xf32, #tpu.memory_space<vmem>>, vector<64x32xf32>
    %dot_general3A_45 = arith.constant dense<0.000000e+00> : vector<1000x32xf32>
    %dot_general3A_46 = tpu.matmul %convert_element_type3A_41, %get3A_44, %dot_general3A_45 {dimension_numbers = #tpu.dot_dimension_numbers<[1], [0], [0], [1], [0, 0, 1, 1], [], []>, precision = #tpu.contract_precision<fp32>, transpose_lhs_hint = false} : vector<1000x64xf32>, vector<64x32xf32>, vector<1000x32xf32> -> vector<1000x32xf32>
    %get3A_47 = arith.constant 0 : index
    %get3A_48 = arith.constant 0 : index
    %get3A_49 = vector.load %arg8[%get3A_47, %get3A_48] : memref<1x32xf32, #tpu.memory_space<vmem>>, vector<1x32xf32>
    %add3A_50 = vector.broadcast %get3A_49 : vector<1x32xf32> to vector<1000x32xf32>
    %add3A_51 = arith.addf %dot_general3A_46, %add3A_50 : vector<1000x32xf32>
    %max3A_52 = arith.constant 0.000000e+00 : f32
    %max3A_53 = vector.broadcast %max3A_52 : f32 to vector<1000x32xf32>
    %max3A_54 = arith.maximumf %add3A_51, %max3A_53 : vector<1000x32xf32>
    %convert_element_type3A_55 = arith.truncf %max3A_54 : vector<1000x32xf32> to vector<1000x32xbf16>
    %convert_element_type3A_56 = arith.extf %convert_element_type3A_55 : vector<1000x32xbf16> to vector<1000x32xf32>
    %get3A_57 = arith.constant 0 : index
    %get3A_58 = arith.constant 0 : index
    %get3A_59 = vector.load %arg9[%get3A_57, %get3A_58] : memref<32x1xf32, #tpu.memory_space<vmem>>, vector<32x1xf32>
    %dot_general3A_60 = arith.constant dense<0.000000e+00> : vector<1000x1xf32>
    %dot_general3A_61 = tpu.matmul %convert_element_type3A_56, %get3A_59, %dot_general3A_60 {dimension_numbers = #tpu.dot_dimension_numbers<[1], [0], [0], [1], [0, 0, 1, 1], [], []>, precision = #tpu.contract_precision<fp32>, transpose_lhs_hint = false} : vector<1000x32xf32>, vector<32x1xf32>, vector<1000x1xf32> -> vector<1000x1xf32>
    %get3A_62 = arith.constant 0 : index
    %get3A_63 = arith.constant 0 : index
    %get3A_64 = vector.load %arg10[%get3A_62, %get3A_63] : memref<1x1xf32, #tpu.memory_space<vmem>>, vector<1x1xf32>
    %add3A_65 = vector.broadcast %get3A_64 : vector<1x1xf32> to vector<1000x1xf32>
    %add3A_66 = arith.addf %dot_general3A_61, %add3A_65 : vector<1000x1xf32>
    %swap3A = arith.constant 0 : index
    %swap3A_67 = arith.constant 0 : index
    %swap3A_68 = vector.load %arg11[%swap3A, %swap3A_67] : memref<1000x1xf32, #tpu.memory_space<vmem>>, vector<1000x1xf32>
    tpu.vector_store %arg11[%swap3A, %swap3A_67], %add3A_66 {strides = array<i32>} : memref<1000x1xf32, #tpu.memory_space<vmem>>, vector<1000x1xf32>,
    return
  }
  func.func @transform_0(%arg0: i32) -> (i32, i32, i32) {
    %c0_i32 = arith.constant 0 : i32
    %c0_i32_0 = arith.constant 0 : i32
    %c0_i32_1 = arith.constant 0 : i32
    return %c0_i32, %arg0, %c0_i32_0 : i32, i32, i32
  }
  func.func @transform_1(%arg0: i32) -> (i32, i32) {
    %c0_i32 = arith.constant 0 : i32
    %c0_i32_0 = arith.constant 0 : i32
    %c0_i32_1 = arith.constant 0 : i32
    return %c0_i32, %c0_i32_0 : i32, i32
  }
  func.func @transform_2(%arg0: i32) -> (i32, i32) {
    %c0_i32 = arith.constant 0 : i32
    %c0_i32_0 = arith.constant 0 : i32
    %c0_i32_1 = arith.constant 0 : i32
    return %c0_i32, %c0_i32_0 : i32, i32
  }
  func.func @transform_3(%arg0: i32) -> (i32, i32) {
    %c0_i32 = arith.constant 0 : i32
    %c0_i32_0 = arith.constant 0 : i32
    return %arg0, %c0_i32 : i32, i32
  }
  func.func @transform_4(%arg0: i32) -> (i32, i32) {
    %c0_i32 = arith.constant 0 : i32
    %c0_i32_0 = arith.constant 0 : i32
    %c0_i32_1 = arith.constant 0 : i32
    return %c0_i32, %c0_i32_0 : i32, i32
  }
  func.func @transform_5(%arg0: i32) -> (i32, i32) {
    %c0_i32 = arith.constant 0 : i32
    %c0_i32_0 = arith.constant 0 : i32
    %c0_i32_1 = arith.constant 0 : i32
    return %c0_i32, %c0_i32_0 : i32, i32
  }
  func.func @transform_6(%arg0: i32) -> (i32, i32) {
    %c0_i32 = arith.constant 0 : i32
    %c0_i32_0 = arith.constant 0 : i32
    %c0_i32_1 = arith.constant 0 : i32
    return %c0_i32, %c0_i32_0 : i32, i32
  }
  func.func @transform_7(%arg0: i32) -> (i32, i32) {
    %c0_i32 = arith.constant 0 : i32
    %c0_i32_0 = arith.constant 0 : i32
    %c0_i32_1 = arith.constant 0 : i32
    return %c0_i32, %c0_i32_0 : i32, i32
  }
  func.func @transform_8(%arg0: i32) -> (i32, i32) {
    %c0_i32 = arith.constant 0 : i32
    %c0_i32_0 = arith.constant 0 : i32
    %c0_i32_1 = arith.constant 0 : i32
    return %c0_i32, %c0_i32_0 : i32, i32
  }
  func.func @transform_9(%arg0: i32) -> (i32, i32) {
    %c0_i32 = arith.constant 0 : i32
    %c0_i32_0 = arith.constant 0 : i32
    %c0_i32_1 = arith.constant 0 : i32
    return %c0_i32, %c0_i32_0 : i32, i32
  }
  func.func @transform_10(%arg0: i32) -> (i32, i32) {
    %c0_i32 = arith.constant 0 : i32
    %c0_i32_0 = arith.constant 0 : i32
    return %arg0, %c0_i32 : i32, i32
  }
}

</mosaic_0001>

<sc_bundles>
// kernel: kernel.12.cloned.1.call-start
scs
__scs_entry_jumppad:
0x0: {  	(pc) =	sbr.rel $0x88, $3  }
0x1: {  	(tag) =	ssettag $0x0;
	lr =	simm.s32 $0x1  }
0x2: {  	[smem:$0x3F95] =	sst lr;
	_ =	strace $0xD0000000  }
0x3: {  	_ = 	snop  }
0x4: {  	_ = 	snop  }
0x5: {  	_ = 	snop  }
0x6: {  	_ = 	snop  }
0x7: {  	_ = 	snop  }
__scs_overlays_trampoline_lowered:
0x8: {  	[smem:$0x3FA4] =	sst s0  }
0x9: {  	[smem:$0x3FA5] =	sst s1  }
0xa: {  	[smem:$0x3FA6] =	sst s2  }
0xb: {  	[smem:$0x3FA7] =	sst s3  }
0xc: {  	[smem:$0x3FA8] =	sst s4  }
0xd: {  	[smem:$0x3FA9] =	sst s5  }
0xe: {  	[smem:$0x3FAA] =	sst s6  }
0xf: {  	[smem:$0x3FAB] =	sst s7  }
0x10: {  	[smem:$0x3FAC] =	sst s8  }
0x11: {  	[smem:$0x3FAD] =	sst s9;
	s0 =	simm.s32 @!p0 $0x0  }
0x12: {  	s1 =	sld [smem:$0x3F93];
	s0 =	simm.s32 @p0 $0x1  }
0x13: {  	[smem:$0x3FAE] =	sst s0;
	s0 =	simm.s32 @!p1 $0x0  }
0x14: {  	s2 =	sld [smem:$0x3F92];
	s0 =	simm.s32 @p1 $0x1  }
0x15: {  	[smem:$0x3FAF] =	sst s0;
	s0 =	simm.s32 @!p2 $0x0  }
0x16: {  	s3 =	sld [smem:$0x3FDB];
	s0 =	simm.s32 @p2 $0x1  }
0x17: {  	s4 =	simm.s32 $0x1BF5;
	[smem:$0x3FB1] =	sst s0  }
0x18: {  	s0 =	sld [smem:$0x3F94];
	_ =	swait.ge [sflag:s4], $0x0  }
0x19: {  	s7 =	sld [smem:$0x3F95]  }
0x1a: {  	s8 =	sadd.s32 $0xFFFFE003, lr  }
0x1b: {  	s9 =	sadd.s32 $0xFFFFFEF7, lr;
	s5 =	simm.s32 $0xFFFFFFFF;
	p2 =	slt.u32 s8, $0xFFFFF086  }
0x1c: {  	p1 =	slt.u32 s9, $0xF7A;
	s5 =	simm.s32 @!p2 $0x0  }
0x1d: {  	s5 =	simm.s32 @p1 $0x1;
	p0 =	seq.s32 s7, s2  }
0x1e: {  	s7 =	smul.u32 @!p0 $0xF7A, s2;
	p2 =	seq.s32 @!p0 s5, $0x0  }
0x1f: {  	s9 =	smul.u32 $0xF7A, s1;
	s8 =	simm.s32 @!p0 $0x1BF5;
	p2 =	por !p2, p0  }
0x20: {  	[sflag:s8] =	ssyncset.s32 @!p0 $0xFFFFF086;
	s6 =	sadd.s32 @!p0 s3, s7;
	s7 =	simm.s32 @!p0 $0x108  }
0x21: {  	s3 =	sadd.s32 s3, s9;
	s6 =	sadd.s32 @!p0 $0x88, s6;
	s7 =	simm.s32 @p2 $0x1082  }
0x22: {  	[simem:s7], [sflag:s8] =	dma.local @!p0 [hbm:s6], $0xF7A  }
0x23: {  	s9 =	sor.u32 $0xD0000000, s2;
	s6 =	simm.s32 $0x108;
	_ =	swait.ge @!p0 [sflag:s8], $0x0  }
0x24: {  	s3 =	sadd.s32 $0x88, s3;
	s6 =	simm.s32 @!p1 $0x1082;
	[sflag:s4] =	ssyncset.s32 $0xFFFFF086  }
0x25: {  	[simem:s6], [sflag:s4] =	dma.local [hbm:s3], $0xF7A  }
0x26: {  	[smem:$0x3F95] =	sst s1;
	(tag) =	ssettag s2;
	_ =	strace s9  }
0x27: {  	s1 =	sld [smem:$0x3FA5]  }
0x28: {  	s2 =	sld [smem:$0x3FA6]  }
0x29: {  	s4 =	sld [smem:$0x3FA8]  }
0x2a: {  	p0 =	seq.s32 s5, $0x0;
	s5 =	sld [smem:$0x3FA9]  }
0x2b: {  	s6 =	sld [smem:$0x3FAA]  }
0x2c: {  	s7 =	sld [smem:$0x3FAB]  }
0x2d: {  	s3 =	simm.s32 $0x108;
	s8 =	sld [smem:$0x3FAC]  }
0x2e: {  	s3 =	simm.s32 @!p0 $0x1082;
	s9 =	sld [smem:$0x3FAD]  }
0x2f: {  	lr =	sadd.s32 s0, s3;
	s0 =	sld [smem:$0x3FA4]  }
0x30: {  	s3 =	sld [smem:$0x3FA7]  }
0x31: {  	[smem:$0x3FB0] =	sst s10  }
0x32: {  	s10 =	sld [smem:$0x3FAE];
	_ =	sdelay $0x3  }
0x33: {  	p0 =	seq.s32 s10, $0x1;
	s10 =	sld [smem:$0x3FB0];
	_ =	sdelay $0x3  }
0x34: {  	[smem:$0x3FB0] =	sst s10  }
0x35: {  	s10 =	sld [smem:$0x3FAF];
	_ =	sdelay $0x3  }
0x36: {  	p1 =	seq.s32 s10, $0x1;
	s10 =	sld [smem:$0x3FB0];
	_ =	sdelay $0x3  }
0x37: {  	[smem:$0x3FB0] =	sst s10  }
0x38: {  	s10 =	sld [smem:$0x3FB1]  }
0x39: {  	_ = 	snop;
	(pc) =	sbr.ind lr, $3  }
0x3a: {  	_ = 	snop  }
0x3b: {  	_ = 	snop  }
0x3c: {  	p2 =	seq.s32 s10, $0x1;
	s10 =	sld [smem:$0x3FB0]  }
0x3d: {  	_ =	shalt  }
0x3e: {  	_ =	shalt  }
0x3f: {  	_ =	shalt  }
0x40: {  	_ =	shalt  }
0x41: {  	_ =	shalt  }
0x42: {  	_ =	shalt  }
0x43: {  	_ =	shalt  }
0x44: {  	_ =	shalt  }
0x45: {  	_ =	shalt  }
0x46: {  	_ =	shalt  }
0x47: {  	_ =	shalt  }
0x48: {  	_ =	shalt  }
0x49: {  	_ =	shalt  }
0x4a: {  	_ =	shalt  }
0x4b: {  	_ =	shalt  }
0x4c: {  	_ =	shalt  }
0x4d: {  	_ =	shalt  }
0x4e: {  	_ =	shalt  }
0x4f: {  	_ =	shalt  }
0x50: {  	_ =	shalt  }
0x51: {  	_ =	shalt  }
0x52: {  	_ =	shalt  }
0x53: {  	_ =	shalt  }
0x54: {  	_ =	shalt  }
0x55: {  	_ =	shalt  }
0x56: {  	_ =	shalt  }
0x57: {  	_ =	shalt  }
0x58: {  	_ =	shalt  }
0x59: {  	_ =	shalt  }
0x5a: {  	_ =	shalt  }
0x5b: {  	_ =	shalt  }
0x5c: {  	_ =	shalt  }
0x5d: {  	_ =	shalt  }
0x5e: {  	_ =	shalt  }
0x5f: {  	_ =	shalt  }
0x60: {  	_ =	shalt  }
0x61: {  	_ =	shalt  }
0x62: {  	_ =	shalt  }
0x63: {  	_ =	shalt  }
0x64: {  	_ =	shalt  }
0x65: {  	_ =	shalt  }
0x66: {  	_ =	shalt  }
0x67: {  	_ =	shalt  }
0x68: {  	_ =	shalt  }
0x69: {  	_ =	shalt  }
0x6a: {  	_ =	shalt  }
0x6b: {  	_ =	shalt  }
0x6c: {  	_ =	shalt  }
0x6d: {  	_ =	shalt  }
0x6e: {  	_ =	shalt  }
0x6f: {  	_ =	shalt  }
0x70: {  	_ =	shalt  }
0x71: {  	_ =	shalt  }
0x72: {  	_ =	shalt  }
0x73: {  	_ =	shalt  }
0x74: {  	_ =	shalt  }
0x75: {  	_ =	shalt  }
0x76: {  	_ =	shalt  }
0x77: {  	_ =	shalt  }
0x78: {  	_ =	shalt  }
0x79: {  	_ =	shalt  }
0x7a: {  	_ =	shalt  }
0x7b: {  	_ =	shalt  }
0x7c: {  	_ =	shalt  }
0x7d: {  	_ =	shalt  }
0x7e: {  	_ =	shalt  }
0x7f: {  	_ =	shalt  }
0x80: {  	_ =	shalt  }
0x81: {  	_ =	shalt  }
0x82: {  	_ =	shalt  }
0x83: {  	_ =	shalt  }
0x84: {  	_ =	shalt  }
0x85: {  	_ =	shalt  }
0x86: {  	_ =	shalt  }
0x87: {  	_ =	shalt  }
.Lfunc_end0:
.L_simem_size_0:
called_computation.1_lowered:
.L_overlay_start_0:
0x88: {  	s2 =	sld [smem:$0x3FD9]  }
0x89: {  	s3 =	sld [smem:$0x3FFE];
	_ =	sdelay $0x1  }
0x8a: {  	s1 =	srdreg.scid  }
0x8b: {  	s0 =	sand.u32 $0x1, s1  }
0x8c: {  	s16 =	sshll.u32 s0, $0xA;
	s2 =	sadd.s32 s3, s2  }
0x8d: {  	s2 =	sadd.s32 s2, s16  }
0x8e: {  	[smem:$0x3FBC] =	sst s2  }
0x8f: {  	_ = 	snop  }
0x90: {  	(tm) =	ssettm $0x1  }
0x91: {  	s17 =	sld [smem:$0x3FFB];
	_ =	sdelay $0x3  }
0x92: {  	_ =	strace s17  }
0x93: {  	s2 =	sld [smem:$0x3FFC];
	_ =	sdelay $0x3  }
0x94: {  	_ =	strace s2  }
0x95: {  	s2 =	sld [smem:$0x3FFD];
	_ =	sdelay $0x3  }
0x96: {  	_ =	strace s2  }
0x97: {  	_ =	strace $0x8FFFFFFF  }
0x98: {  	s18 =	sld [smem:$0x3FDB];
	_ =	sdelay $0x1  }
0x99: {  	s19 =	simm.s32 $_scs_section_size  }
0x9a: {  	s4 =	simm.s32 $_size__tile_overlayer_lowered;
	s5 =	simm.s32 $_tile_overlayer_lowered  }
0x9b: {  	s22 =	simm.s32 $0x1BFF;
	s21 =	sshll.u32 s5, $0x1;
	s2 =	sadd.s32 s19, s18  }
0x9c: {  	s6 =	simm.s32 $0x0;
	s20 =	sshll.u32 s4, $0x1;
	s4 =	sadd.s32 s21, s2  }
0x9d: {  	[timem:s6], [sflag:s22] =	dma.local [hbm:s4], s20  }
0x9e: {  	_ =	swait.ge [sflag:s22], s20  }
0x9f: {  	s3 =	ssub.s32 $0x0, s20;
	[sflag:s22] =	ssyncset.done $0x0  }
0xa0: {  	[sflag:s22] =	ssyncadd.s32 s3;
	_ =	sdelay $0x1  }
0xa1: {  	s23 =	simm.s32 $0x1B8B  }
0xa2: {  	_ =	swait.ge [sflag:s23], $0x1  }
0xa3: {  	[sflag:s23] =	ssyncset.done $0x0  }
0xa4: {  	s25 =	simm.s32 $0x1B8E;
	s24 =	sld [smem:$0x3FFE];
	[sflag:s23] =	ssyncadd.s32 $0xFFFFFFFF  }
0xa5: {  	s26 =	simm.s32 $execute0_lowered;
	[smem:$0x3FD2] =	sst s25  }
0xa6: {  	s4 =	sshll.u32 s26, $0x1;
	_ =	strace $0x80000049;
	[dreg:$0x1] =	wrdreg $0xFFFFFFFF  }
0xa7: {  	s28 =	simm.s32 $_size_execute0_lowered;
	s2 =	sadd.s32 s2, s4;
	[dreg:$0x0] =	wrdreg $0x0  }
0xa8: {  	s4 =	sshll.u32 s28, $0x1;
	[dreg:$0x2] =	wrdreg s2  }
0xa9: {  	[dreg:$0x3] =	wrdreg s4  }
0xaa: {  	[dreg:$0x4] =	wrdreg $0xC0  }
0xab: {  	_ =	task [dreg:s6], $0x5FFFF  }
0xac: {  	[dreg:$0x1] =	wrdreg $0xFFFFFFFF  }
0xad: {  	[dreg:$0x0] =	wrdreg $0x60  }
0xae: {  	[dreg:$0x2] =	wrdreg s24  }
0xaf: {  	[dreg:$0x3] =	wrdreg $0x82000  }
0xb0: {  	[dreg:$0x4] =	wrdreg $0x9  }
0xb1: {  	_ =	task.clear_ibuf [dreg:s6], $0x5FFFF;
	_ =	strace $0x90000049  }
0xb2: {  	s29 =	simm.s32 $0x9;
	_ =	strace $0x8000004B  }
0xb3: {  	_ =	swait.ge [sflag:s29], $0x1  }
0xb4: {  	[sflag:s29] =	ssyncadd.s32 $0xFFFFFFFF  }
0xb5: {  	_ =	strace $0x9000004B  }
0xb6: {  	_ =	sfence  }
0xb7: {  	s30 =	sld [smem:$0x0];
	_ =	sdelay $0x2  }
0xb8: {  	s31 =	sshll.u32 s1, $0xD;
	s1 =	sshrl.u32 s1, $0x2  }
0xb9: {  	s3 =	sand.u32 $0x4000, s31;
	s1 =	sadd.s32 s1, s30  }
0xba: {  	s0 =	sor.u32 s3, s0;
	s1 =	sshll.u32 s1, $0x11  }
0xbb: {  	s0 =	sor.u32 s1, s0  }
0xbc: {  	s0 =	sadd.s32 $0x8F2B, s0  }
0xbd: {  	[sflag:s0] =	ssyncadd.remote.s32 $0x1  }
0xbe: {  	_ =	sfence.sel $0xFFFF  }
0xbf: {  	[dreg:$0x0] =	wrdreg $0xFFFFFFFF;
	(pc) =	sbr.abs _section_cstart, $3  }
0xc0: {  	[dreg:$0x1] =	wrdreg $0xFFFFFFFF  }
0xc1: {  	_ =	task.clear_ibuf [dreg:s6], $0x2FFFF;
	_ =	strace $0x9FFFFFFF  }
0xc2: {  	(tm) =	ssettm $0x7FFFFFFF  }
0xc3: {  	_ =	shalt  }
tec
execute0_lowered:
.L_overlay_start_1:
0x0: {  	(tag) =	ssettag $0x1  }
0x1: {  	s0 =	rddreg [dreg:$0x0]  }
0x2: {  	s1 =	rddreg [dreg:$0x1];
	s2 =	simm.s32 $0x0  }
0x3: {  	s4 =	stileid.u32;
	s8 =	srdreg.scid;
	s28 =	simm.s32 $0x7  }
0x4: {  	s29 =	simm.s32 $0x8;
	s30 =	simm.s32 $0x4200;
	s31 =	simm.s32 $0x3  }
0x5: {  	[smem:$0x7FF] =	sst s2;
	s5 =	smul.u32 $0x13800, s4;
	s3 =	sadd.s32 $0x16800, s0  }
0x6: {  	s7 =	sadd.s32 $0x2800, s0;
	s9 =	sadd.s32 $0xC800, s0;
	s8 =	sand.u32 $0x1, s8  }
0x7: {  	s11 =	sshll.u32 s4, $0x1;
	s12 =	smul.u32 $0x4E000, s4;
	s14 =	sadd.s32 $0x64C00, s0  }
0x8: {  	s19 =	sshll.u32 s4, $0x6;
	s20 =	sadd.s32 $0x138000, s1;
	s15 =	smul.u32 $0x5000, s4  }
0x9: {  	p0 =	sne.s32 s4, $0x0;
	s4 =	simm.s32 $0x4;
	_ =	strace $0x8000004A  }
0xa: {  	s10 =	ssub.s32 $0x2, s8;
	s11 =	sor.u32 s8, s11;
	s22 =	smul.u32 $0x138800, s8  }
0xb: {  	[dreg:$0x5] =	wrdreg s20;
	s8 =	smul.u32 $0x2800, s8;
	s20 =	simm.s32 $0x9  }
0xc: {  	s6 =	sshrl.u32 s5, $0x3;
	s13 =	sshrl.u32 s10, $0x1;
	s12 =	sshrl.u32 s12, $0x2  }
0xd: {  	s11 =	smul.u32 $0x2800, s11;
	s6 =	sadd.s32 s6, s0;
	s10 =	ssub.s32 s10, s13  }
0xe: {  	s12 =	sadd.s32 s12, s1;
	s0 =	sadd.s32 $0x64A00, s0;
	s5 =	sadd.s32 s5, s22  }
0xf: {  	s25 =	sadd.s32 s8, s15;
	s8 =	simm.s32 $0x0;
	[dreg:$0x3] =	wrdreg s12  }
0x10: {  	s6 =	sadd.s32 $0x3DA00, s6;
	s11 =	sshrl.u32 s11, $0x3;
	[dreg:$0x6] =	wrdreg s0  }
0x11: {  	s5 =	sshrl.u32 s5, $0x3;
	s0 =	sshrl.u32 s22, $0x3;
	s26 =	sor.u32 $0x180, s25  }
0x12: {  	s15 =	smax.u32 s10, $0x1;
	s22 =	simm.s32 $0x80;
	[dreg:$0x4] =	wrdreg s6  }
0x13: {  	s6 =	sor.u32 $0x1C09, s19;
	s21 =	sadd.s32 s7, s11;
	s23 =	sadd.s32 s9, s11  }
0x14: {  	s11 =	sor.u32 $0x10, s11;
	s5 =	sadd.s32 s14, s5;
	[dreg:$0x7] =	wrdreg s21  }
0x15: {  	s0 =	sadd.s32 s14, s0;
	[dreg:$0x8] =	wrdreg s23;
	s24 =	sadd.s32 s7, s11  }
0x16: {  	s11 =	sadd.s32 s9, s11;
	[dreg:$0xb] =	wrdreg s5;
	s14 =	sadd.s32 $0x27000, s0  }
0x17: {  	s5 =	sor.u32 $0x100, s25;
	s0 =	sshrl.u32 s26, $0x3;
	s21 =	simm.s32 $0x100  }
.Ltmp0:
0x18: {  	s23 =	simm.s32 $0x180;
	[dreg:$0x9] =	wrdreg s24;
	(pc) =	sbr.rel .LBB2_1-.Ltmp0, $4  }
0x19: {  	s25 =	simm.s32 $0x200;
	s26 =	simm.s32 $0x1;
	[dreg:$0xa] =	wrdreg s11  }
0x1a: {  	s5 =	sshrl.u32 s5, $0x3;
	s16 =	sadd.s32 s0, s9;
	s17 =	sadd.s32 s0, s7  }
0x1b: {  	s24 =	simm.s32 $0x7D;
	s0 =	simm.s32 $0x2;
	s18 =	sadd.s32 s5, s9  }
0x1c: {  	s19 =	sadd.s32 s5, s7;
	s5 =	simm.s32 $0x5;
	s7 =	simm.s32 $0x6  }
.LBB2_4:
0x1d: {  	_ =	swait.ge [sflag:s0], $0x3E80  }
0x1e: {  	[sflag:s0] =	ssyncset.done $0x0  }
0x1f: {  	[sflag:s0] =	ssyncadd.s32 $0xFFFFC180  }
0x20: {  	[spmem:s1] =	stream.indirect.scatter.add.f32 [tilespmem:s30], [sflag:$0x4], $0x80, s23, s24, $0xb8;
	[tilespmem:$0x1BA80] =	vst v63  }
0x21: {  	_ =	swait.ge [sflag:s4], $0x3E80  }
0x22: {  	[sflag:s4] =	ssyncset.done $0x0  }
0x23: {  	[sflag:s4] =	ssyncadd.s32 $0xFFFFC180  }
0x24: {  	[bflag:$0x0] =	sbarrier.arrive $0xFFFF  }
0x25: {  	s11 =	rddreg [dreg:$0xb]  }
0x26: {  	[hbm:s11], [sflag:s6] =	dma.local [spmem:s9], $0x2700  }
0x27: {  	s8 =	sadd.s32 $0x1, s8;
	_ =	swait.ge [sflag:s20], $0x2700  }
0x28: {  	p1 =	sne.s32 s8, s15;
	[sflag:s20] =	ssyncset.done $0x0  }
.Ltmp1:
0x29: {  	s9 =	simm.s32 @!p0 $0x9;
	[sflag:s20] =	ssyncadd.s32 $0xFFFFD900;
	(pc) =	sbr.rel @!p1 .LBB2_5-.Ltmp1, $4  }
0x2a: {  	[hbm:s14], [sflag:s6] =	dma.local @!p0 [spmem:s10], $0x100  }
0x2b: {  	_ =	swait.ge @!p0 [sflag:s9], $0x100  }
0x2c: {  	[sflag:s9] =	ssyncset.done @!p0 $0x0  }
0x2d: {  	[sflag:s9] =	ssyncadd.s32 @!p0 $0xFFFFFF00  }
.LBB2_1:
0x2e: {  	s9 =	rddreg [dreg:$0x3]  }
0x2f: {  	s10 =	rddreg [dreg:$0x4];
	s9 =	sshrl.u32 s9, $0x3  }
0x30: {  	[spmem:s9], [sflag:s6] =	dma.local [hbm:s10], $0x2700  }
0x31: {  	_ =	swait.ge [sflag:s20], $0x2700  }
0x32: {  	[sflag:s20] =	ssyncset.done $0x0;
	s10 =	rddreg [dreg:$0x5]  }
0x33: {  	s11 =	rddreg [dreg:$0x6];
	[sflag:s20] =	ssyncadd.s32 $0xFFFFD900;
	s10 =	sshrl.u32 @!p0 s10, $0x3  }
0x34: {  	[spmem:s10], [sflag:s6] =	dma.local @!p0 [hbm:s11], $0x100  }
0x35: {  	s11 =	simm.s32 @!p0 $0x9  }
0x36: {  	_ =	swait.ge @!p0 [sflag:s11], $0x100  }
0x37: {  	[sflag:s11] =	ssyncset.done @!p0 $0x0  }
0x38: {  	[sflag:s11] =	ssyncadd.s32 @!p0 $0xFFFFFF00  }
0x39: {  	[bflag:$0x0] =	sbarrier.arrive $0xFFFF  }
0x3a: {  	s12 =	rddreg [dreg:$0x7]  }
0x3b: {  	[tilespmem:s2], [sflag:$0x9] =	stream.linear.gather [hbm4b:s12+s2], $0x80, $0x38;
	[tilespmem:$0x1BA80] =	vst v63  }
0x3c: {  	_ =	swait.ge [sflag:s20], $0x80  }
0x3d: {  	[sflag:s20] =	ssyncset.done $0x0  }
0x3e: {  	s13 =	rddreg [dreg:$0x8];
	[sflag:s20] =	ssyncadd.s32 $0xFFFFFF80  }
0x3f: {  	[tilespmem:s21], [sflag:$0x9] =	stream.linear.gather [hbm4b:s13+s2], $0x80, $0x38;
	[tilespmem:$0x1BA80] =	vst v63  }
0x40: {  	_ =	swait.ge [sflag:s20], $0x80  }
0x41: {  	[sflag:s20] =	ssyncset.done $0x0  }
0x42: {  	s12 =	rddreg [dreg:$0x9];
	[sflag:s20] =	ssyncadd.s32 $0xFFFFFF80  }
0x43: {  	[tilespmem:s22], [sflag:$0x7] =	stream.linear.gather [hbm4b:s12+s2], $0x80, $0x38;
	[tilespmem:$0x1BA80] =	vst v63  }
0x44: {  	s13 =	rddreg [dreg:$0xa]  }
0x45: {  	[tilespmem:s23], [sflag:$0x8] =	stream.linear.gather [hbm4b:s13+s2], $0x80, $0x38;
	[tilespmem:$0x1BA80] =	vst v63  }
0x46: {  	s11 =	simm.s32 $0x0  }
0x47: {  	[tilespmem:s25], [sflag:$0x1] =	stream.indirect.gather [hbm4b:s3+s24], $0x80, s2, s24, $0xb8;
	[tilespmem:$0x1BA80] =	vst v63  }
.LBB2_2:
0x48: {  	_ =	swait.ge [sflag:s26], $0x3E80  }
0x49: {  	p1 =	seq.s32 s11, $0x4E0;
	[sflag:s26] =	ssyncset.done $0x0  }
0x4a: {  	s12 =	sadd.s32 @!p1 s11, s19;
	s13 =	simm.s32 @!p1 $0x0;
	[sflag:s26] =	ssyncadd.s32 $0xFFFFC180  }
0x4b: {  	[tilespmem:s13], [sflag:$0x5] =	stream.linear.gather @!p1 [hbm4b:s12+s13], $0x80, $0x38;
	[tilespmem:$0x1BA80] =	vst v63  }
0x4c: {  	_ = 	snop  }
0x4d: {  	[spmem:s1] =	stream.indirect.scatter.add.f32 [tilespmem:s25], [sflag:$0x3], $0x80, s21, s24, $0xb8;
	[tilespmem:$0x1BA80] =	vst v63  }
0x4e: {  	_ =	swait.ge [sflag:s28], $0x80  }
0x4f: {  	[sflag:s28] =	ssyncset.done $0x0  }
0x50: {  	[sflag:s28] =	ssyncadd.s32 $0xFFFFFF80  }
0x51: {  	_ =	swait.ge [sflag:s29], $0x80  }
0x52: {  	[sflag:s29] =	ssyncset.done $0x0  }
.Ltmp2:
0x53: {  	[sflag:s29] =	ssyncadd.s32 $0xFFFFFF80;
	(pc) =	sbr.rel @p1 .LBB2_4-.Ltmp2, $4  }
0x54: {  	[tilespmem:s30], [sflag:$0x2] =	stream.indirect.gather [hbm4b:s3+s24], $0x80, s22, s24, $0xb8;
	[tilespmem:$0x1BA80] =	vst v63  }
0x55: {  	_ =	swait.ge [sflag:s31], $0x3E80  }
0x56: {  	[sflag:s31] =	ssyncset.done $0x0  }
0x57: {  	[sflag:s31] =	ssyncadd.s32 $0xFFFFC180  }
0x58: {  	s12 =	sadd.s32 s11, s18  }
0x59: {  	[tilespmem:s21], [sflag:$0x6] =	stream.linear.gather [hbm4b:s12+s2], $0x80, $0x38;
	[tilespmem:$0x1BA80] =	vst v63  }
0x5a: {  	_ =	swait.ge [sflag:s0], $0x3E80  }
0x5b: {  	[sflag:s0] =	ssyncset.done $0x0  }
0x5c: {  	s13 =	sadd.s32 s11, s17;
	[sflag:s0] =	ssyncadd.s32 $0xFFFFC180  }
0x5d: {  	[tilespmem:s22], [sflag:$0x7] =	stream.linear.gather [hbm4b:s13+s2], $0x80, $0x38;
	[tilespmem:$0x1BA80] =	vst v63  }
0x5e: {  	_ = 	snop  }
0x5f: {  	[spmem:s1] =	stream.indirect.scatter.add.f32 [tilespmem:s30], [sflag:$0x4], $0x80, s23, s24, $0xb8;
	[tilespmem:$0x1BA80] =	vst v63  }
0x60: {  	_ =	swait.ge [sflag:s5], $0x80  }
0x61: {  	[sflag:s5] =	ssyncset.done $0x0  }
0x62: {  	[sflag:s5] =	ssyncadd.s32 $0xFFFFFF80  }
0x63: {  	_ =	swait.ge [sflag:s7], $0x80  }
0x64: {  	[sflag:s7] =	ssyncset.done $0x0  }
0x65: {  	[sflag:s7] =	ssyncadd.s32 $0xFFFFFF80  }
0x66: {  	[tilespmem:s25], [sflag:$0x1] =	stream.indirect.gather [hbm4b:s3+s24], $0x80, s2, s24, $0xb8;
	[tilespmem:$0x1BA80] =	vst v63  }
.Ltmp3:
0x67: {  	_ = 	snop;
	(pc) =	sbr.rel .LBB2_2-.Ltmp3, $4  }
0x68: {  	_ =	swait.ge [sflag:s4], $0x3E80  }
0x69: {  	[sflag:s4] =	ssyncset.done $0x0  }
0x6a: {  	s13 =	sadd.s32 s11, s16;
	s11 =	sadd.s32 $0x20, s11;
	[sflag:s4] =	ssyncadd.s32 $0xFFFFC180  }
0x6b: {  	[tilespmem:s23], [sflag:$0x8] =	stream.linear.gather [hbm4b:s13+s2], $0x80, $0x38;
	[tilespmem:$0x1BA80] =	vst v63  }
.LBB2_5:
0x6c: {  	_ =	sfence.sel $0x180000  }
0x6d: {  	[bflag:$0x0] =	sbarrier.arrive $0xFFFF  }
0x6e: {  	_ =	strace $0x9000004A  }
0x6f: {  	[bflag:$0x2] =	sbarrier.arrive $0xFFFF  }
0x70: {  	s0 =	rddreg [dreg:$0x2]  }
0x71: {  	s0 =	sadd.s32 @!p0 $0x100000, s0  }
0x72: {  	[sflag:s0] =	ssyncadd.tile.s32 @!p0 $0x1;
	_ =	shalt  }
.Lfunc_end2:
_tile_overlayer_lowered:
.L_overlay_start_2:
0x73: {  	(tag) =	ssettag $0x2  }
0x74: {  	s0 =	rddreg [dreg:$0x0];
	s2 =	stileid.u32  }
0x75: {  	s1 =	rddreg [dreg:$0x1];
	p0 =	sne.s32 s2, $0x0  }
0x76: {  	s3 =	rddreg [dreg:$0x2];
	[bflag:$0x3] =	sbarrier.arrive $0xFFFF;
	s2 =	simm.s32 @!p0 $0x1C09  }
0x77: {  	[timem:s3], [sflag:s2] =	dma.local @!p0 [hbm:s0], s1  }
0x78: {  	s0 =	simm.s32 @!p0 $0x9  }
0x79: {  	_ =	swait.ge @!p0 [sflag:s0], s1  }
0x7a: {  	s1 =	ssub.s32 @!p0 $0x0, s1;
	[sflag:s0] =	ssyncset.done @!p0 $0x0  }
0x7b: {  	[sflag:s0] =	ssyncadd.s32 @!p0 s1  }
0x7c: {  	[bflag:$0x3] =	sbarrier.arrive $0xFFFF  }
0x7d: {  	_ =	shalt  }

// kernel: kernel.15.cloned.1.call-start
scs
__scs_entry_jumppad:
0x0: {  	(pc) =	sbr.rel $0x88, $3  }
0x1: {  	(tag) =	ssettag $0x0;
	lr =	simm.s32 $0x1  }
0x2: {  	[smem:$0x3F95] =	sst lr;
	_ =	strace $0xD0000000  }
0x3: {  	_ = 	snop  }
0x4: {  	_ = 	snop  }
0x5: {  	_ = 	snop  }
0x6: {  	_ = 	snop  }
0x7: {  	_ = 	snop  }
__scs_overlays_trampoline_lowered:
0x8: {  	[smem:$0x3FA4] =	sst s0  }
0x9: {  	[smem:$0x3FA5] =	sst s1  }
0xa: {  	[smem:$0x3FA6] =	sst s2  }
0xb: {  	[smem:$0x3FA7] =	sst s3  }
0xc: {  	[smem:$0x3FA8] =	sst s4  }
0xd: {  	[smem:$0x3FA9] =	sst s5  }
0xe: {  	[smem:$0x3FAA] =	sst s6  }
0xf: {  	[smem:$0x3FAB] =	sst s7  }
0x10: {  	[smem:$0x3FAC] =	sst s8  }
0x11: {  	[smem:$0x3FAD] =	sst s9;
	s0 =	simm.s32 @!p0 $0x0  }
0x12: {  	s1 =	sld [smem:$0x3F93];
	s0 =	simm.s32 @p0 $0x1  }
0x13: {  	[smem:$0x3FAE] =	sst s0;
	s0 =	simm.s32 @!p1 $0x0  }
0x14: {  	s2 =	sld [smem:$0x3F92];
	s0 =	simm.s32 @p1 $0x1  }
0x15: {  	[smem:$0x3FAF] =	sst s0;
	s0 =	simm.s32 @!p2 $0x0  }
0x16: {  	s3 =	sld [smem:$0x3FDB];
	s0 =	simm.s32 @p2 $0x1  }
0x17: {  	s4 =	simm.s32 $0x1BF5;
	[smem:$0x3FB1] =	sst s0  }
0x18: {  	s0 =	sld [smem:$0x3F94];
	_ =	swait.ge [sflag:s4], $0x0  }
0x19: {  	s7 =	sld [smem:$0x3F95]  }
0x1a: {  	s8 =	sadd.s32 $0xFFFFE003, lr  }
0x1b: {  	s9 =	sadd.s32 $0xFFFFFEF7, lr;
	s5 =	simm.s32 $0xFFFFFFFF;
	p2 =	slt.u32 s8, $0xFFFFF086  }
0x1c: {  	p1 =	slt.u32 s9, $0xF7A;
	s5 =	simm.s32 @!p2 $0x0  }
0x1d: {  	s5 =	simm.s32 @p1 $0x1;
	p0 =	seq.s32 s7, s2  }
0x1e: {  	s7 =	smul.u32 @!p0 $0xF7A, s2;
	p2 =	seq.s32 @!p0 s5, $0x0  }
0x1f: {  	s9 =	smul.u32 $0xF7A, s1;
	s8 =	simm.s32 @!p0 $0x1BF5;
	p2 =	por !p2, p0  }
0x20: {  	[sflag:s8] =	ssyncset.s32 @!p0 $0xFFFFF086;
	s6 =	sadd.s32 @!p0 s3, s7;
	s7 =	simm.s32 @!p0 $0x108  }
0x21: {  	s3 =	sadd.s32 s3, s9;
	s6 =	sadd.s32 @!p0 $0x88, s6;
	s7 =	simm.s32 @p2 $0x1082  }
0x22: {  	[simem:s7], [sflag:s8] =	dma.local @!p0 [hbm:s6], $0xF7A  }
0x23: {  	s9 =	sor.u32 $0xD0000000, s2;
	s6 =	simm.s32 $0x108;
	_ =	swait.ge @!p0 [sflag:s8], $0x0  }
0x24: {  	s3 =	sadd.s32 $0x88, s3;
	s6 =	simm.s32 @!p1 $0x1082;
	[sflag:s4] =	ssyncset.s32 $0xFFFFF086  }
0x25: {  	[simem:s6], [sflag:s4] =	dma.local [hbm:s3], $0xF7A  }
0x26: {  	[smem:$0x3F95] =	sst s1;
	(tag) =	ssettag s2;
	_ =	strace s9  }
0x27: {  	s1 =	sld [smem:$0x3FA5]  }
0x28: {  	s2 =	sld [smem:$0x3FA6]  }
0x29: {  	s4 =	sld [smem:$0x3FA8]  }
0x2a: {  	p0 =	seq.s32 s5, $0x0;
	s5 =	sld [smem:$0x3FA9]  }
0x2b: {  	s6 =	sld [smem:$0x3FAA]  }
0x2c: {  	s7 =	sld [smem:$0x3FAB]  }
0x2d: {  	s3 =	simm.s32 $0x108;
	s8 =	sld [smem:$0x3FAC]  }
0x2e: {  	s3 =	simm.s32 @!p0 $0x1082;
	s9 =	sld [smem:$0x3FAD]  }
0x2f: {  	lr =	sadd.s32 s0, s3;
	s0 =	sld [smem:$0x3FA4]  }
0x30: {  	s3 =	sld [smem:$0x3FA7]  }
0x31: {  	[smem:$0x3FB0] =	sst s10  }
0x32: {  	s10 =	sld [smem:$0x3FAE];
	_ =	sdelay $0x3  }
0x33: {  	p0 =	seq.s32 s10, $0x1;
	s10 =	sld [smem:$0x3FB0];
	_ =	sdelay $0x3  }
0x34: {  	[smem:$0x3FB0] =	sst s10  }
0x35: {  	s10 =	sld [smem:$0x3FAF];
	_ =	sdelay $0x3  }
0x36: {  	p1 =	seq.s32 s10, $0x1;
	s10 =	sld [smem:$0x3FB0];
	_ =	sdelay $0x3  }
0x37: {  	[smem:$0x3FB0] =	sst s10  }
0x38: {  	s10 =	sld [smem:$0x3FB1]  }
0x39: {  	_ = 	snop;
	(pc) =	sbr.ind lr, $3  }
0x3a: {  	_ = 	snop  }
0x3b: {  	_ = 	snop  }
0x3c: {  	p2 =	seq.s32 s10, $0x1;
	s10 =	sld [smem:$0x3FB0]  }
0x3d: {  	_ =	shalt  }
0x3e: {  	_ =	shalt  }
0x3f: {  	_ =	shalt  }
0x40: {  	_ =	shalt  }
0x41: {  	_ =	shalt  }
0x42: {  	_ =	shalt  }
0x43: {  	_ =	shalt  }
0x44: {  	_ =	shalt  }
0x45: {  	_ =	shalt  }
0x46: {  	_ =	shalt  }
0x47: {  	_ =	shalt  }
0x48: {  	_ =	shalt  }
0x49: {  	_ =	shalt  }
0x4a: {  	_ =	shalt  }
0x4b: {  	_ =	shalt  }
0x4c: {  	_ =	shalt  }
0x4d: {  	_ =	shalt  }
0x4e: {  	_ =	shalt  }
0x4f: {  	_ =	shalt  }
0x50: {  	_ =	shalt  }
0x51: {  	_ =	shalt  }
0x52: {  	_ =	shalt  }
0x53: {  	_ =	shalt  }
0x54: {  	_ =	shalt  }
0x55: {  	_ =	shalt  }
0x56: {  	_ =	shalt  }
0x57: {  	_ =	shalt  }
0x58: {  	_ =	shalt  }
0x59: {  	_ =	shalt  }
0x5a: {  	_ =	shalt  }
0x5b: {  	_ =	shalt  }
0x5c: {  	_ =	shalt  }
0x5d: {  	_ =	shalt  }
0x5e: {  	_ =	shalt  }
0x5f: {  	_ =	shalt  }
0x60: {  	_ =	shalt  }
0x61: {  	_ =	shalt  }
0x62: {  	_ =	shalt  }
0x63: {  	_ =	shalt  }
0x64: {  	_ =	shalt  }
0x65: {  	_ =	shalt  }
0x66: {  	_ =	shalt  }
0x67: {  	_ =	shalt  }
0x68: {  	_ =	shalt  }
0x69: {  	_ =	shalt  }
0x6a: {  	_ =	shalt  }
0x6b: {  	_ =	shalt  }
0x6c: {  	_ =	shalt  }
0x6d: {  	_ =	shalt  }
0x6e: {  	_ =	shalt  }
0x6f: {  	_ =	shalt  }
0x70: {  	_ =	shalt  }
0x71: {  	_ =	shalt  }
0x72: {  	_ =	shalt  }
0x73: {  	_ =	shalt  }
0x74: {  	_ =	shalt  }
0x75: {  	_ =	shalt  }
0x76: {  	_ =	shalt  }
0x77: {  	_ =	shalt  }
0x78: {  	_ =	shalt  }
0x79: {  	_ =	shalt  }
0x7a: {  	_ =	shalt  }
0x7b: {  	_ =	shalt  }
0x7c: {  	_ =	shalt  }
0x7d: {  	_ =	shalt  }
0x7e: {  	_ =	shalt  }
0x7f: {  	_ =	shalt  }
0x80: {  	_ =	shalt  }
0x81: {  	_ =	shalt  }
0x82: {  	_ =	shalt  }
0x83: {  	_ =	shalt  }
0x84: {  	_ =	shalt  }
0x85: {  	_ =	shalt  }
0x86: {  	_ =	shalt  }
0x87: {  	_ =	shalt  }
.Lfunc_end0:
.L_simem_size_0:
called_computation.2_lowered:
.L_overlay_start_0:
0x88: {  	s2 =	sld [smem:$0x3FD9]  }
0x89: {  	s3 =	sld [smem:$0x3FFE];
	_ =	sdelay $0x1  }
0x8a: {  	s1 =	srdreg.scid  }
0x8b: {  	s0 =	sand.u32 $0x1, s1  }
0x8c: {  	s16 =	sshll.u32 s0, $0xA;
	s2 =	sadd.s32 s3, s2  }
0x8d: {  	s2 =	sadd.s32 s2, s16  }
0x8e: {  	[smem:$0x3FBC] =	sst s2  }
0x8f: {  	_ = 	snop  }
0x90: {  	(tm) =	ssettm $0x1  }
0x91: {  	s17 =	sld [smem:$0x3FFB];
	_ =	sdelay $0x3  }
0x92: {  	_ =	strace s17  }
0x93: {  	s2 =	sld [smem:$0x3FFC];
	_ =	sdelay $0x3  }
0x94: {  	_ =	strace s2  }
0x95: {  	s2 =	sld [smem:$0x3FFD];
	_ =	sdelay $0x3  }
0x96: {  	_ =	strace s2  }
0x97: {  	_ =	strace $0x8FFFFFFF  }
0x98: {  	s18 =	sld [smem:$0x3FDB];
	_ =	sdelay $0x1  }
0x99: {  	s19 =	simm.s32 $_scs_section_size  }
0x9a: {  	s4 =	simm.s32 $_size__tile_overlayer_lowered;
	s5 =	simm.s32 $_tile_overlayer_lowered  }
0x9b: {  	s22 =	simm.s32 $0x1BFF;
	s21 =	sshll.u32 s5, $0x1;
	s2 =	sadd.s32 s19, s18  }
0x9c: {  	s6 =	simm.s32 $0x0;
	s20 =	sshll.u32 s4, $0x1;
	s4 =	sadd.s32 s21, s2  }
0x9d: {  	[timem:s6], [sflag:s22] =	dma.local [hbm:s4], s20  }
0x9e: {  	_ =	swait.ge [sflag:s22], s20  }
0x9f: {  	s3 =	ssub.s32 $0x0, s20;
	[sflag:s22] =	ssyncset.done $0x0  }
0xa0: {  	[sflag:s22] =	ssyncadd.s32 s3;
	_ =	sdelay $0x1  }
0xa1: {  	s23 =	simm.s32 $0x1B8B  }
0xa2: {  	_ =	swait.ge [sflag:s23], $0x1  }
0xa3: {  	[sflag:s23] =	ssyncset.done $0x0  }
0xa4: {  	s25 =	simm.s32 $0x1B8E;
	s24 =	sld [smem:$0x3FFE];
	[sflag:s23] =	ssyncadd.s32 $0xFFFFFFFF  }
0xa5: {  	s26 =	simm.s32 $execute0_lowered;
	[smem:$0x3FD2] =	sst s25  }
0xa6: {  	s4 =	sshll.u32 s26, $0x1;
	_ =	strace $0x8000004C;
	[dreg:$0x1] =	wrdreg $0xFFFFFFFF  }
0xa7: {  	s28 =	simm.s32 $_size_execute0_lowered;
	s2 =	sadd.s32 s2, s4;
	[dreg:$0x0] =	wrdreg $0x0  }
0xa8: {  	s4 =	sshll.u32 s28, $0x1;
	[dreg:$0x2] =	wrdreg s2  }
0xa9: {  	[dreg:$0x3] =	wrdreg s4  }
0xaa: {  	[dreg:$0x4] =	wrdreg $0xC0  }
0xab: {  	_ =	task [dreg:s6], $0x5FFFF  }
0xac: {  	[dreg:$0x1] =	wrdreg $0xFFFFFFFF  }
0xad: {  	[dreg:$0x0] =	wrdreg $0x60  }
0xae: {  	[dreg:$0x2] =	wrdreg s24  }
0xaf: {  	[dreg:$0x3] =	wrdreg $0x82000  }
0xb0: {  	[dreg:$0x4] =	wrdreg $0x9  }
0xb1: {  	_ =	task.clear_ibuf [dreg:s6], $0x5FFFF;
	_ =	strace $0x9000004C  }
0xb2: {  	s29 =	simm.s32 $0x9;
	_ =	strace $0x8000004E  }
0xb3: {  	_ =	swait.ge [sflag:s29], $0x1  }
0xb4: {  	[sflag:s29] =	ssyncadd.s32 $0xFFFFFFFF  }
0xb5: {  	_ =	strace $0x9000004E  }
0xb6: {  	_ =	sfence  }
0xb7: {  	s30 =	sld [smem:$0x0];
	_ =	sdelay $0x2  }
0xb8: {  	s31 =	sshll.u32 s1, $0xD;
	s1 =	sshrl.u32 s1, $0x2  }
0xb9: {  	s3 =	sand.u32 $0x4000, s31;
	s1 =	sadd.s32 s1, s30  }
0xba: {  	s0 =	sor.u32 s3, s0;
	s1 =	sshll.u32 s1, $0x11  }
0xbb: {  	s0 =	sor.u32 s1, s0  }
0xbc: {  	s0 =	sadd.s32 $0x8F2B, s0  }
0xbd: {  	[sflag:s0] =	ssyncadd.remote.s32 $0x1  }
0xbe: {  	_ =	sfence.sel $0xFFFF  }
0xbf: {  	[dreg:$0x0] =	wrdreg $0xFFFFFFFF;
	(pc) =	sbr.abs _section_cstart, $3  }
0xc0: {  	[dreg:$0x1] =	wrdreg $0xFFFFFFFF  }
0xc1: {  	_ =	task.clear_ibuf [dreg:s6], $0x2FFFF;
	_ =	strace $0x9FFFFFFF  }
0xc2: {  	(tm) =	ssettm $0x7FFFFFFF  }
0xc3: {  	_ =	shalt  }
tec
execute0_lowered:
.L_overlay_start_1:
0x0: {  	(tag) =	ssettag $0x1  }
0x1: {  	s0 =	rddreg [dreg:$0x0]  }
0x2: {  	s1 =	rddreg [dreg:$0x1];
	s2 =	simm.s32 $0x0  }
0x3: {  	s4 =	stileid.u32;
	s8 =	srdreg.scid;
	s28 =	simm.s32 $0x7  }
0x4: {  	s29 =	simm.s32 $0x8;
	s30 =	simm.s32 $0x4200;
	s31 =	simm.s32 $0x3  }
0x5: {  	[smem:$0x7FF] =	sst s2;
	s5 =	smul.u32 $0x13800, s4;
	s3 =	sadd.s32 $0x16800, s0  }
0x6: {  	s7 =	sadd.s32 $0x2800, s0;
	s9 =	sadd.s32 $0xC800, s0;
	s8 =	sand.u32 $0x1, s8  }
0x7: {  	s11 =	sshll.u32 s4, $0x1;
	s12 =	smul.u32 $0x4E000, s4;
	s14 =	sadd.s32 $0x64C00, s0  }
0x8: {  	s19 =	sshll.u32 s4, $0x6;
	s20 =	sadd.s32 $0x138000, s1;
	s15 =	smul.u32 $0x5000, s4  }
0x9: {  	p0 =	sne.s32 s4, $0x0;
	s4 =	simm.s32 $0x4;
	_ =	strace $0x8000004D  }
0xa: {  	s10 =	ssub.s32 $0x2, s8;
	s11 =	sor.u32 s8, s11;
	s22 =	smul.u32 $0x138800, s8  }
0xb: {  	[dreg:$0x5] =	wrdreg s20;
	s8 =	smul.u32 $0x2800, s8;
	s20 =	simm.s32 $0x9  }
0xc: {  	s6 =	sshrl.u32 s5, $0x3;
	s13 =	sshrl.u32 s10, $0x1;
	s12 =	sshrl.u32 s12, $0x2  }
0xd: {  	s11 =	smul.u32 $0x2800, s11;
	s6 =	sadd.s32 s6, s0;
	s10 =	ssub.s32 s10, s13  }
0xe: {  	s12 =	sadd.s32 s12, s1;
	s0 =	sadd.s32 $0x64A00, s0;
	s5 =	sadd.s32 s5, s22  }
0xf: {  	s25 =	sadd.s32 s8, s15;
	s8 =	simm.s32 $0x0;
	[dreg:$0x3] =	wrdreg s12  }
0x10: {  	s6 =	sadd.s32 $0x3DA00, s6;
	s11 =	sshrl.u32 s11, $0x3;
	[dreg:$0x6] =	wrdreg s0  }
0x11: {  	s5 =	sshrl.u32 s5, $0x3;
	s0 =	sshrl.u32 s22, $0x3;
	s26 =	sor.u32 $0x180, s25  }
0x12: {  	s15 =	smax.u32 s10, $0x1;
	s22 =	simm.s32 $0x80;
	[dreg:$0x4] =	wrdreg s6  }
0x13: {  	s6 =	sor.u32 $0x1C09, s19;
	s21 =	sadd.s32 s7, s11;
	s23 =	sadd.s32 s9, s11  }
0x14: {  	s11 =	sor.u32 $0x10, s11;
	s5 =	sadd.s32 s14, s5;
	[dreg:$0x7] =	wrdreg s21  }
0x15: {  	s0 =	sadd.s32 s14, s0;
	[dreg:$0x8] =	wrdreg s23;
	s24 =	sadd.s32 s7, s11  }
0x16: {  	s11 =	sadd.s32 s9, s11;
	[dreg:$0xb] =	wrdreg s5;
	s14 =	sadd.s32 $0x27000, s0  }
0x17: {  	s5 =	sor.u32 $0x100, s25;
	s0 =	sshrl.u32 s26, $0x3;
	s21 =	simm.s32 $0x100  }
.Ltmp0:
0x18: {  	s23 =	simm.s32 $0x180;
	[dreg:$0x9] =	wrdreg s24;
	(pc) =	sbr.rel .LBB2_1-.Ltmp0, $4  }
0x19: {  	s25 =	simm.s32 $0x200;
	s26 =	simm.s32 $0x1;
	[dreg:$0xa] =	wrdreg s11  }
0x1a: {  	s5 =	sshrl.u32 s5, $0x3;
	s16 =	sadd.s32 s0, s9;
	s17 =	sadd.s32 s0, s7  }
0x1b: {  	s24 =	simm.s32 $0x7D;
	s0 =	simm.s32 $0x2;
	s18 =	sadd.s32 s5, s9  }
0x1c: {  	s19 =	sadd.s32 s5, s7;
	s5 =	simm.s32 $0x5;
	s7 =	simm.s32 $0x6  }
.LBB2_4:
0x1d: {  	_ =	swait.ge [sflag:s0], $0x3E80  }
0x1e: {  	[sflag:s0] =	ssyncset.done $0x0  }
0x1f: {  	[sflag:s0] =	ssyncadd.s32 $0xFFFFC180  }
0x20: {  	[spmem:s1] =	stream.indirect.scatter.add.f32 [tilespmem:s30], [sflag:$0x4], $0x80, s23, s24, $0xb8;
	[tilespmem:$0x1BA80] =	vst v63  }
0x21: {  	_ =	swait.ge [sflag:s4], $0x3E80  }
0x22: {  	[sflag:s4] =	ssyncset.done $0x0  }
0x23: {  	[sflag:s4] =	ssyncadd.s32 $0xFFFFC180  }
0x24: {  	[bflag:$0x0] =	sbarrier.arrive $0xFFFF  }
0x25: {  	s11 =	rddreg [dreg:$0xb]  }
0x26: {  	[hbm:s11], [sflag:s6] =	dma.local [spmem:s9], $0x2700  }
0x27: {  	s8 =	sadd.s32 $0x1, s8;
	_ =	swait.ge [sflag:s20], $0x2700  }
0x28: {  	p1 =	sne.s32 s8, s15;
	[sflag:s20] =	ssyncset.done $0x0  }
.Ltmp1:
0x29: {  	s9 =	simm.s32 @!p0 $0x9;
	[sflag:s20] =	ssyncadd.s32 $0xFFFFD900;
	(pc) =	sbr.rel @!p1 .LBB2_5-.Ltmp1, $4  }
0x2a: {  	[hbm:s14], [sflag:s6] =	dma.local @!p0 [spmem:s10], $0x100  }
0x2b: {  	_ =	swait.ge @!p0 [sflag:s9], $0x100  }
0x2c: {  	[sflag:s9] =	ssyncset.done @!p0 $0x0  }
0x2d: {  	[sflag:s9] =	ssyncadd.s32 @!p0 $0xFFFFFF00  }
.LBB2_1:
0x2e: {  	s9 =	rddreg [dreg:$0x3]  }
0x2f: {  	s10 =	rddreg [dreg:$0x4];
	s9 =	sshrl.u32 s9, $0x3  }
0x30: {  	[spmem:s9], [sflag:s6] =	dma.local [hbm:s10], $0x2700  }
0x31: {  	_ =	swait.ge [sflag:s20], $0x2700  }
0x32: {  	[sflag:s20] =	ssyncset.done $0x0;
	s10 =	rddreg [dreg:$0x5]  }
0x33: {  	s11 =	rddreg [dreg:$0x6];
	[sflag:s20] =	ssyncadd.s32 $0xFFFFD900;
	s10 =	sshrl.u32 @!p0 s10, $0x3  }
0x34: {  	[spmem:s10], [sflag:s6] =	dma.local @!p0 [hbm:s11], $0x100  }
0x35: {  	s11 =	simm.s32 @!p0 $0x9  }
0x36: {  	_ =	swait.ge @!p0 [sflag:s11], $0x100  }
0x37: {  	[sflag:s11] =	ssyncset.done @!p0 $0x0  }
0x38: {  	[sflag:s11] =	ssyncadd.s32 @!p0 $0xFFFFFF00  }
0x39: {  	[bflag:$0x0] =	sbarrier.arrive $0xFFFF  }
0x3a: {  	s12 =	rddreg [dreg:$0x7]  }
0x3b: {  	[tilespmem:s2], [sflag:$0x9] =	stream.linear.gather [hbm4b:s12+s2], $0x80, $0x38;
	[tilespmem:$0x1BA80] =	vst v63  }
0x3c: {  	_ =	swait.ge [sflag:s20], $0x80  }
0x3d: {  	[sflag:s20] =	ssyncset.done $0x0  }
0x3e: {  	s13 =	rddreg [dreg:$0x8];
	[sflag:s20] =	ssyncadd.s32 $0xFFFFFF80  }
0x3f: {  	[tilespmem:s21], [sflag:$0x9] =	stream.linear.gather [hbm4b:s13+s2], $0x80, $0x38;
	[tilespmem:$0x1BA80] =	vst v63  }
0x40: {  	_ =	swait.ge [sflag:s20], $0x80  }
0x41: {  	[sflag:s20] =	ssyncset.done $0x0  }
0x42: {  	s12 =	rddreg [dreg:$0x9];
	[sflag:s20] =	ssyncadd.s32 $0xFFFFFF80  }
0x43: {  	[tilespmem:s22], [sflag:$0x7] =	stream.linear.gather [hbm4b:s12+s2], $0x80, $0x38;
	[tilespmem:$0x1BA80] =	vst v63  }
0x44: {  	s13 =	rddreg [dreg:$0xa]  }
0x45: {  	[tilespmem:s23], [sflag:$0x8] =	stream.linear.gather [hbm4b:s13+s2], $0x80, $0x38;
	[tilespmem:$0x1BA80] =	vst v63  }
0x46: {  	s11 =	simm.s32 $0x0  }
0x47: {  	[tilespmem:s25], [sflag:$0x1] =	stream.indirect.gather [hbm4b:s3+s24], $0x80, s2, s24, $0xb8;
	[tilespmem:$0x1BA80] =	vst v63  }
.LBB2_2:
0x48: {  	_ =	swait.ge [sflag:s26], $0x3E80  }
0x49: {  	p1 =	seq.s32 s11, $0x4E0;
	[sflag:s26] =	ssyncset.done $0x0  }
0x4a: {  	s12 =	sadd.s32 @!p1 s11, s19;
	s13 =	simm.s32 @!p1 $0x0;
	[sflag:s26] =	ssyncadd.s32 $0xFFFFC180  }
0x4b: {  	[tilespmem:s13], [sflag:$0x5] =	stream.linear.gather @!p1 [hbm4b:s12+s13], $0x80, $0x38;
	[tilespmem:$0x1BA80] =	vst v63  }
0x4c: {  	_ = 	snop  }
0x4d: {  	[spmem:s1] =	stream.indirect.scatter.add.f32 [tilespmem:s25], [sflag:$0x3], $0x80, s21, s24, $0xb8;
	[tilespmem:$0x1BA80] =	vst v63  }
0x4e: {  	_ =	swait.ge [sflag:s28], $0x80  }
0x4f: {  	[sflag:s28] =	ssyncset.done $0x0  }
0x50: {  	[sflag:s28] =	ssyncadd.s32 $0xFFFFFF80  }
0x51: {  	_ =	swait.ge [sflag:s29], $0x80  }
0x52: {  	[sflag:s29] =	ssyncset.done $0x0  }
.Ltmp2:
0x53: {  	[sflag:s29] =	ssyncadd.s32 $0xFFFFFF80;
	(pc) =	sbr.rel @p1 .LBB2_4-.Ltmp2, $4  }
0x54: {  	[tilespmem:s30], [sflag:$0x2] =	stream.indirect.gather [hbm4b:s3+s24], $0x80, s22, s24, $0xb8;
	[tilespmem:$0x1BA80] =	vst v63  }
0x55: {  	_ =	swait.ge [sflag:s31], $0x3E80  }
0x56: {  	[sflag:s31] =	ssyncset.done $0x0  }
0x57: {  	[sflag:s31] =	ssyncadd.s32 $0xFFFFC180  }
0x58: {  	s12 =	sadd.s32 s11, s18  }
0x59: {  	[tilespmem:s21], [sflag:$0x6] =	stream.linear.gather [hbm4b:s12+s2], $0x80, $0x38;
	[tilespmem:$0x1BA80] =	vst v63  }
0x5a: {  	_ =	swait.ge [sflag:s0], $0x3E80  }
0x5b: {  	[sflag:s0] =	ssyncset.done $0x0  }
0x5c: {  	s13 =	sadd.s32 s11, s17;
	[sflag:s0] =	ssyncadd.s32 $0xFFFFC180  }
0x5d: {  	[tilespmem:s22], [sflag:$0x7] =	stream.linear.gather [hbm4b:s13+s2], $0x80, $0x38;
	[tilespmem:$0x1BA80] =	vst v63  }
0x5e: {  	_ = 	snop  }
0x5f: {  	[spmem:s1] =	stream.indirect.scatter.add.f32 [tilespmem:s30], [sflag:$0x4], $0x80, s23, s24, $0xb8;
	[tilespmem:$0x1BA80] =	vst v63  }
0x60: {  	_ =	swait.ge [sflag:s5], $0x80  }
0x61: {  	[sflag:s5] =	ssyncset.done $0x0  }
0x62: {  	[sflag:s5] =	ssyncadd.s32 $0xFFFFFF80  }
0x63: {  	_ =	swait.ge [sflag:s7], $0x80  }
0x64: {  	[sflag:s7] =	ssyncset.done $0x0  }
0x65: {  	[sflag:s7] =	ssyncadd.s32 $0xFFFFFF80  }
0x66: {  	[tilespmem:s25], [sflag:$0x1] =	stream.indirect.gather [hbm4b:s3+s24], $0x80, s2, s24, $0xb8;
	[tilespmem:$0x1BA80] =	vst v63  }
.Ltmp3:
0x67: {  	_ = 	snop;
	(pc) =	sbr.rel .LBB2_2-.Ltmp3, $4  }
0x68: {  	_ =	swait.ge [sflag:s4], $0x3E80  }
0x69: {  	[sflag:s4] =	ssyncset.done $0x0  }
0x6a: {  	s13 =	sadd.s32 s11, s16;
	s11 =	sadd.s32 $0x20, s11;
	[sflag:s4] =	ssyncadd.s32 $0xFFFFC180  }
0x6b: {  	[tilespmem:s23], [sflag:$0x8] =	stream.linear.gather [hbm4b:s13+s2], $0x80, $0x38;
	[tilespmem:$0x1BA80] =	vst v63  }
.LBB2_5:
0x6c: {  	_ =	sfence.sel $0x180000  }
0x6d: {  	[bflag:$0x0] =	sbarrier.arrive $0xFFFF  }
0x6e: {  	_ =	strace $0x9000004D  }
0x6f: {  	[bflag:$0x2] =	sbarrier.arrive $0xFFFF  }
0x70: {  	s0 =	rddreg [dreg:$0x2]  }
0x71: {  	s0 =	sadd.s32 @!p0 $0x100000, s0  }
0x72: {  	[sflag:s0] =	ssyncadd.tile.s32 @!p0 $0x1;
	_ =	shalt  }
.Lfunc_end2:
_tile_overlayer_lowered:
.L_overlay_start_2:
0x73: {  	(tag) =	ssettag $0x2  }
0x74: {  	s0 =	rddreg [dreg:$0x0];
	s2 =	stileid.u32  }
0x75: {  	s1 =	rddreg [dreg:$0x1];
	p0 =	sne.s32 s2, $0x0  }
0x76: {  	s3 =	rddreg [dreg:$0x2];
	[bflag:$0x3] =	sbarrier.arrive $0xFFFF;
	s2 =	simm.s32 @!p0 $0x1C09  }
0x77: {  	[timem:s3], [sflag:s2] =	dma.local @!p0 [hbm:s0], s1  }
0x78: {  	s0 =	simm.s32 @!p0 $0x9  }
0x79: {  	_ =	swait.ge @!p0 [sflag:s0], s1  }
0x7a: {  	s1 =	ssub.s32 @!p0 $0x0, s1;
	[sflag:s0] =	ssyncset.done @!p0 $0x0  }
0x7b: {  	[sflag:s0] =	ssyncadd.s32 @!p0 s1  }
0x7c: {  	[bflag:$0x3] =	sbarrier.arrive $0xFFFF  }
0x7d: {  	_ =	shalt  }

// kernel: kernel.9.cloned.1.call-start
scs
__scs_entry_jumppad:
0x0: {  	(pc) =	sbr.rel $0x88, $3  }
0x1: {  	(tag) =	ssettag $0x0;
	lr =	simm.s32 $0x1  }
0x2: {  	[smem:$0x3F95] =	sst lr;
	_ =	strace $0xD0000000  }
0x3: {  	_ = 	snop  }
0x4: {  	_ = 	snop  }
0x5: {  	_ = 	snop  }
0x6: {  	_ = 	snop  }
0x7: {  	_ = 	snop  }
__scs_overlays_trampoline_lowered:
0x8: {  	[smem:$0x3FA4] =	sst s0  }
0x9: {  	[smem:$0x3FA5] =	sst s1  }
0xa: {  	[smem:$0x3FA6] =	sst s2  }
0xb: {  	[smem:$0x3FA7] =	sst s3  }
0xc: {  	[smem:$0x3FA8] =	sst s4  }
0xd: {  	[smem:$0x3FA9] =	sst s5  }
0xe: {  	[smem:$0x3FAA] =	sst s6  }
0xf: {  	[smem:$0x3FAB] =	sst s7  }
0x10: {  	[smem:$0x3FAC] =	sst s8  }
0x11: {  	[smem:$0x3FAD] =	sst s9;
	s0 =	simm.s32 @!p0 $0x0  }
0x12: {  	s1 =	sld [smem:$0x3F93];
	s0 =	simm.s32 @p0 $0x1  }
0x13: {  	[smem:$0x3FAE] =	sst s0;
	s0 =	simm.s32 @!p1 $0x0  }
0x14: {  	s2 =	sld [smem:$0x3F92];
	s0 =	simm.s32 @p1 $0x1  }
0x15: {  	[smem:$0x3FAF] =	sst s0;
	s0 =	simm.s32 @!p2 $0x0  }
0x16: {  	s3 =	sld [smem:$0x3FDB];
	s0 =	simm.s32 @p2 $0x1  }
0x17: {  	s4 =	simm.s32 $0x1BF5;
	[smem:$0x3FB1] =	sst s0  }
0x18: {  	s0 =	sld [smem:$0x3F94];
	_ =	swait.ge [sflag:s4], $0x0  }
0x19: {  	s7 =	sld [smem:$0x3F95]  }
0x1a: {  	s8 =	sadd.s32 $0xFFFFE003, lr  }
0x1b: {  	s9 =	sadd.s32 $0xFFFFFEF7, lr;
	s5 =	simm.s32 $0xFFFFFFFF;
	p2 =	slt.u32 s8, $0xFFFFF086  }
0x1c: {  	p1 =	slt.u32 s9, $0xF7A;
	s5 =	simm.s32 @!p2 $0x0  }
0x1d: {  	s5 =	simm.s32 @p1 $0x1;
	p0 =	seq.s32 s7, s2  }
0x1e: {  	s7 =	smul.u32 @!p0 $0xF7A, s2;
	p2 =	seq.s32 @!p0 s5, $0x0  }
0x1f: {  	s9 =	smul.u32 $0xF7A, s1;
	s8 =	simm.s32 @!p0 $0x1BF5;
	p2 =	por !p2, p0  }
0x20: {  	[sflag:s8] =	ssyncset.s32 @!p0 $0xFFFFF086;
	s6 =	sadd.s32 @!p0 s3, s7;
	s7 =	simm.s32 @!p0 $0x108  }
0x21: {  	s3 =	sadd.s32 s3, s9;
	s6 =	sadd.s32 @!p0 $0x88, s6;
	s7 =	simm.s32 @p2 $0x1082  }
0x22: {  	[simem:s7], [sflag:s8] =	dma.local @!p0 [hbm:s6], $0xF7A  }
0x23: {  	s9 =	sor.u32 $0xD0000000, s2;
	s6 =	simm.s32 $0x108;
	_ =	swait.ge @!p0 [sflag:s8], $0x0  }
0x24: {  	s3 =	sadd.s32 $0x88, s3;
	s6 =	simm.s32 @!p1 $0x1082;
	[sflag:s4] =	ssyncset.s32 $0xFFFFF086  }
0x25: {  	[simem:s6], [sflag:s4] =	dma.local [hbm:s3], $0xF7A  }
0x26: {  	[smem:$0x3F95] =	sst s1;
	(tag) =	ssettag s2;
	_ =	strace s9  }
0x27: {  	s1 =	sld [smem:$0x3FA5]  }
0x28: {  	s2 =	sld [smem:$0x3FA6]  }
0x29: {  	s4 =	sld [smem:$0x3FA8]  }
0x2a: {  	p0 =	seq.s32 s5, $0x0;
	s5 =	sld [smem:$0x3FA9]  }
0x2b: {  	s6 =	sld [smem:$0x3FAA]  }
0x2c: {  	s7 =	sld [smem:$0x3FAB]  }
0x2d: {  	s3 =	simm.s32 $0x108;
	s8 =	sld [smem:$0x3FAC]  }
0x2e: {  	s3 =	simm.s32 @!p0 $0x1082;
	s9 =	sld [smem:$0x3FAD]  }
0x2f: {  	lr =	sadd.s32 s0, s3;
	s0 =	sld [smem:$0x3FA4]  }
0x30: {  	s3 =	sld [smem:$0x3FA7]  }
0x31: {  	[smem:$0x3FB0] =	sst s10  }
0x32: {  	s10 =	sld [smem:$0x3FAE];
	_ =	sdelay $0x3  }
0x33: {  	p0 =	seq.s32 s10, $0x1;
	s10 =	sld [smem:$0x3FB0];
	_ =	sdelay $0x3  }
0x34: {  	[smem:$0x3FB0] =	sst s10  }
0x35: {  	s10 =	sld [smem:$0x3FAF];
	_ =	sdelay $0x3  }
0x36: {  	p1 =	seq.s32 s10, $0x1;
	s10 =	sld [smem:$0x3FB0];
	_ =	sdelay $0x3  }
0x37: {  	[smem:$0x3FB0] =	sst s10  }
0x38: {  	s10 =	sld [smem:$0x3FB1]  }
0x39: {  	_ = 	snop;
	(pc) =	sbr.ind lr, $3  }
0x3a: {  	_ = 	snop  }
0x3b: {  	_ = 	snop  }
0x3c: {  	p2 =	seq.s32 s10, $0x1;
	s10 =	sld [smem:$0x3FB0]  }
0x3d: {  	_ =	shalt  }
0x3e: {  	_ =	shalt  }
0x3f: {  	_ =	shalt  }
0x40: {  	_ =	shalt  }
0x41: {  	_ =	shalt  }
0x42: {  	_ =	shalt  }
0x43: {  	_ =	shalt  }
0x44: {  	_ =	shalt  }
0x45: {  	_ =	shalt  }
0x46: {  	_ =	shalt  }
0x47: {  	_ =	shalt  }
0x48: {  	_ =	shalt  }
0x49: {  	_ =	shalt  }
0x4a: {  	_ =	shalt  }
0x4b: {  	_ =	shalt  }
0x4c: {  	_ =	shalt  }
0x4d: {  	_ =	shalt  }
0x4e: {  	_ =	shalt  }
0x4f: {  	_ =	shalt  }
0x50: {  	_ =	shalt  }
0x51: {  	_ =	shalt  }
0x52: {  	_ =	shalt  }
0x53: {  	_ =	shalt  }
0x54: {  	_ =	shalt  }
0x55: {  	_ =	shalt  }
0x56: {  	_ =	shalt  }
0x57: {  	_ =	shalt  }
0x58: {  	_ =	shalt  }
0x59: {  	_ =	shalt  }
0x5a: {  	_ =	shalt  }
0x5b: {  	_ =	shalt  }
0x5c: {  	_ =	shalt  }
0x5d: {  	_ =	shalt  }
0x5e: {  	_ =	shalt  }
0x5f: {  	_ =	shalt  }
0x60: {  	_ =	shalt  }
0x61: {  	_ =	shalt  }
0x62: {  	_ =	shalt  }
0x63: {  	_ =	shalt  }
0x64: {  	_ =	shalt  }
0x65: {  	_ =	shalt  }
0x66: {  	_ =	shalt  }
0x67: {  	_ =	shalt  }
0x68: {  	_ =	shalt  }
0x69: {  	_ =	shalt  }
0x6a: {  	_ =	shalt  }
0x6b: {  	_ =	shalt  }
0x6c: {  	_ =	shalt  }
0x6d: {  	_ =	shalt  }
0x6e: {  	_ =	shalt  }
0x6f: {  	_ =	shalt  }
0x70: {  	_ =	shalt  }
0x71: {  	_ =	shalt  }
0x72: {  	_ =	shalt  }
0x73: {  	_ =	shalt  }
0x74: {  	_ =	shalt  }
0x75: {  	_ =	shalt  }
0x76: {  	_ =	shalt  }
0x77: {  	_ =	shalt  }
0x78: {  	_ =	shalt  }
0x79: {  	_ =	shalt  }
0x7a: {  	_ =	shalt  }
0x7b: {  	_ =	shalt  }
0x7c: {  	_ =	shalt  }
0x7d: {  	_ =	shalt  }
0x7e: {  	_ =	shalt  }
0x7f: {  	_ =	shalt  }
0x80: {  	_ =	shalt  }
0x81: {  	_ =	shalt  }
0x82: {  	_ =	shalt  }
0x83: {  	_ =	shalt  }
0x84: {  	_ =	shalt  }
0x85: {  	_ =	shalt  }
0x86: {  	_ =	shalt  }
0x87: {  	_ =	shalt  }
.Lfunc_end0:
.L_simem_size_0:
called_computation_lowered:
.L_overlay_start_0:
0x88: {  	s2 =	sld [smem:$0x3FD9]  }
0x89: {  	s3 =	sld [smem:$0x3FFE];
	_ =	sdelay $0x1  }
0x8a: {  	s1 =	srdreg.scid  }
0x8b: {  	s0 =	sand.u32 $0x1, s1  }
0x8c: {  	s16 =	sshll.u32 s0, $0xA;
	s2 =	sadd.s32 s3, s2  }
0x8d: {  	s2 =	sadd.s32 s2, s16  }
0x8e: {  	[smem:$0x3FBC] =	sst s2  }
0x8f: {  	_ = 	snop  }
0x90: {  	(tm) =	ssettm $0x1  }
0x91: {  	s17 =	sld [smem:$0x3FFB];
	_ =	sdelay $0x3  }
0x92: {  	_ =	strace s17  }
0x93: {  	s2 =	sld [smem:$0x3FFC];
	_ =	sdelay $0x3  }
0x94: {  	_ =	strace s2  }
0x95: {  	s2 =	sld [smem:$0x3FFD];
	_ =	sdelay $0x3  }
0x96: {  	_ =	strace s2  }
0x97: {  	_ =	strace $0x8FFFFFFF  }
0x98: {  	s18 =	sld [smem:$0x3FDB];
	_ =	sdelay $0x1  }
0x99: {  	s19 =	simm.s32 $_scs_section_size  }
0x9a: {  	s4 =	simm.s32 $_size__tile_overlayer_lowered;
	s5 =	simm.s32 $_tile_overlayer_lowered  }
0x9b: {  	s22 =	simm.s32 $0x1BFF;
	s21 =	sshll.u32 s5, $0x1;
	s2 =	sadd.s32 s19, s18  }
0x9c: {  	s6 =	simm.s32 $0x0;
	s20 =	sshll.u32 s4, $0x1;
	s4 =	sadd.s32 s21, s2  }
0x9d: {  	[timem:s6], [sflag:s22] =	dma.local [hbm:s4], s20  }
0x9e: {  	_ =	swait.ge [sflag:s22], s20  }
0x9f: {  	s3 =	ssub.s32 $0x0, s20;
	[sflag:s22] =	ssyncset.done $0x0  }
0xa0: {  	[sflag:s22] =	ssyncadd.s32 s3;
	_ =	sdelay $0x1  }
0xa1: {  	s23 =	simm.s32 $0x1B8B  }
0xa2: {  	_ =	swait.ge [sflag:s23], $0x1  }
0xa3: {  	[sflag:s23] =	ssyncset.done $0x0  }
0xa4: {  	s25 =	simm.s32 $0x1B8E;
	s24 =	sld [smem:$0x3FFE];
	[sflag:s23] =	ssyncadd.s32 $0xFFFFFFFF  }
0xa5: {  	s26 =	simm.s32 $execute0_lowered;
	[smem:$0x3FD2] =	sst s25  }
0xa6: {  	s4 =	sshll.u32 s26, $0x1;
	_ =	strace $0x80000046;
	[dreg:$0x1] =	wrdreg $0xFFFFFFFF  }
0xa7: {  	s28 =	simm.s32 $_size_execute0_lowered;
	s2 =	sadd.s32 s2, s4;
	[dreg:$0x0] =	wrdreg $0x0  }
0xa8: {  	s4 =	sshll.u32 s28, $0x1;
	[dreg:$0x2] =	wrdreg s2  }
0xa9: {  	[dreg:$0x3] =	wrdreg s4  }
0xaa: {  	[dreg:$0x4] =	wrdreg $0xC0  }
0xab: {  	_ =	task [dreg:s6], $0x5FFFF  }
0xac: {  	[dreg:$0x1] =	wrdreg $0xFFFFFFFF  }
0xad: {  	[dreg:$0x0] =	wrdreg $0x60  }
0xae: {  	[dreg:$0x2] =	wrdreg s24  }
0xaf: {  	[dreg:$0x3] =	wrdreg $0x82000  }
0xb0: {  	[dreg:$0x4] =	wrdreg $0x9  }
0xb1: {  	_ =	task.clear_ibuf [dreg:s6], $0x5FFFF;
	_ =	strace $0x90000046  }
0xb2: {  	s29 =	simm.s32 $0x9;
	_ =	strace $0x80000048  }
0xb3: {  	_ =	swait.ge [sflag:s29], $0x1  }
0xb4: {  	[sflag:s29] =	ssyncadd.s32 $0xFFFFFFFF  }
0xb5: {  	_ =	strace $0x90000048  }
0xb6: {  	_ =	sfence  }
0xb7: {  	s30 =	sld [smem:$0x0];
	_ =	sdelay $0x2  }
0xb8: {  	s31 =	sshll.u32 s1, $0xD;
	s1 =	sshrl.u32 s1, $0x2  }
0xb9: {  	s3 =	sand.u32 $0x4000, s31;
	s1 =	sadd.s32 s1, s30  }
0xba: {  	s0 =	sor.u32 s3, s0;
	s1 =	sshll.u32 s1, $0x11  }
0xbb: {  	s0 =	sor.u32 s1, s0  }
0xbc: {  	s0 =	sadd.s32 $0x8F2B, s0  }
0xbd: {  	[sflag:s0] =	ssyncadd.remote.s32 $0x1  }
0xbe: {  	_ =	sfence.sel $0xFFFF  }
0xbf: {  	[dreg:$0x0] =	wrdreg $0xFFFFFFFF;
	(pc) =	sbr.abs _section_cstart, $3  }
0xc0: {  	[dreg:$0x1] =	wrdreg $0xFFFFFFFF  }
0xc1: {  	_ =	task.clear_ibuf [dreg:s6], $0x2FFFF;
	_ =	strace $0x9FFFFFFF  }
0xc2: {  	(tm) =	ssettm $0x7FFFFFFF  }
0xc3: {  	_ =	shalt  }
tec
execute0_lowered:
.L_overlay_start_1:
0x0: {  	(tag) =	ssettag $0x1  }
0x1: {  	s0 =	rddreg [dreg:$0x0]  }
0x2: {  	s1 =	rddreg [dreg:$0x1];
	s2 =	simm.s32 $0x0  }
0x3: {  	s4 =	stileid.u32;
	s8 =	srdreg.scid;
	s28 =	simm.s32 $0x7  }
0x4: {  	s29 =	simm.s32 $0x8;
	s30 =	simm.s32 $0x4200;
	s31 =	simm.s32 $0x3  }
0x5: {  	[smem:$0x7FF] =	sst s2;
	s5 =	smul.u32 $0x13800, s4;
	s3 =	sadd.s32 $0x16800, s0  }
0x6: {  	s7 =	sadd.s32 $0x2800, s0;
	s9 =	sadd.s32 $0xC800, s0;
	s8 =	sand.u32 $0x1, s8  }
0x7: {  	s11 =	sshll.u32 s4, $0x1;
	s12 =	smul.u32 $0x4E000, s4;
	s14 =	sadd.s32 $0x64C00, s0  }
0x8: {  	s19 =	sshll.u32 s4, $0x6;
	s20 =	sadd.s32 $0x138000, s1;
	s15 =	smul.u32 $0x5000, s4  }
0x9: {  	p0 =	sne.s32 s4, $0x0;
	s4 =	simm.s32 $0x4;
	_ =	strace $0x80000047  }
0xa: {  	s10 =	ssub.s32 $0x2, s8;
	s11 =	sor.u32 s8, s11;
	s22 =	smul.u32 $0x138800, s8  }
0xb: {  	[dreg:$0x5] =	wrdreg s20;
	s8 =	smul.u32 $0x2800, s8;
	s20 =	simm.s32 $0x9  }
0xc: {  	s6 =	sshrl.u32 s5, $0x3;
	s13 =	sshrl.u32 s10, $0x1;
	s12 =	sshrl.u32 s12, $0x2  }
0xd: {  	s11 =	smul.u32 $0x2800, s11;
	s6 =	sadd.s32 s6, s0;
	s10 =	ssub.s32 s10, s13  }
0xe: {  	s12 =	sadd.s32 s12, s1;
	s0 =	sadd.s32 $0x64A00, s0;
	s5 =	sadd.s32 s5, s22  }
0xf: {  	s25 =	sadd.s32 s8, s15;
	s8 =	simm.s32 $0x0;
	[dreg:$0x3] =	wrdreg s12  }
0x10: {  	s6 =	sadd.s32 $0x3DA00, s6;
	s11 =	sshrl.u32 s11, $0x3;
	[dreg:$0x6] =	wrdreg s0  }
0x11: {  	s5 =	sshrl.u32 s5, $0x3;
	s0 =	sshrl.u32 s22, $0x3;
	s26 =	sor.u32 $0x180, s25  }
0x12: {  	s15 =	smax.u32 s10, $0x1;
	s22 =	simm.s32 $0x80;
	[dreg:$0x4] =	wrdreg s6  }
0x13: {  	s6 =	sor.u32 $0x1C09, s19;
	s21 =	sadd.s32 s7, s11;
	s23 =	sadd.s32 s9, s11  }
0x14: {  	s11 =	sor.u32 $0x10, s11;
	s5 =	sadd.s32 s14, s5;
	[dreg:$0x7] =	wrdreg s21  }
0x15: {  	s0 =	sadd.s32 s14, s0;
	[dreg:$0x8] =	wrdreg s23;
	s24 =	sadd.s32 s7, s11  }
0x16: {  	s11 =	sadd.s32 s9, s11;
	[dreg:$0xb] =	wrdreg s5;
	s14 =	sadd.s32 $0x27000, s0  }
0x17: {  	s5 =	sor.u32 $0x100, s25;
	s0 =	sshrl.u32 s26, $0x3;
	s21 =	simm.s32 $0x100  }
.Ltmp0:
0x18: {  	s23 =	simm.s32 $0x180;
	[dreg:$0x9] =	wrdreg s24;
	(pc) =	sbr.rel .LBB2_1-.Ltmp0, $4  }
0x19: {  	s25 =	simm.s32 $0x200;
	s26 =	simm.s32 $0x1;
	[dreg:$0xa] =	wrdreg s11  }
0x1a: {  	s5 =	sshrl.u32 s5, $0x3;
	s16 =	sadd.s32 s0, s9;
	s17 =	sadd.s32 s0, s7  }
0x1b: {  	s24 =	simm.s32 $0x7D;
	s0 =	simm.s32 $0x2;
	s18 =	sadd.s32 s5, s9  }
0x1c: {  	s19 =	sadd.s32 s5, s7;
	s5 =	simm.s32 $0x5;
	s7 =	simm.s32 $0x6  }
.LBB2_4:
0x1d: {  	_ =	swait.ge [sflag:s0], $0x3E80  }
0x1e: {  	[sflag:s0] =	ssyncset.done $0x0  }
0x1f: {  	[sflag:s0] =	ssyncadd.s32 $0xFFFFC180  }
0x20: {  	[spmem:s1] =	stream.indirect.scatter.add.f32 [tilespmem:s30], [sflag:$0x4], $0x80, s23, s24, $0xb8;
	[tilespmem:$0x1BA80] =	vst v63  }
0x21: {  	_ =	swait.ge [sflag:s4], $0x3E80  }
0x22: {  	[sflag:s4] =	ssyncset.done $0x0  }
0x23: {  	[sflag:s4] =	ssyncadd.s32 $0xFFFFC180  }
0x24: {  	[bflag:$0x0] =	sbarrier.arrive $0xFFFF  }
0x25: {  	s11 =	rddreg [dreg:$0xb]  }
0x26: {  	[hbm:s11], [sflag:s6] =	dma.local [spmem:s9], $0x2700  }
0x27: {  	s8 =	sadd.s32 $0x1, s8;
	_ =	swait.ge [sflag:s20], $0x2700  }
0x28: {  	p1 =	sne.s32 s8, s15;
	[sflag:s20] =	ssyncset.done $0x0  }
.Ltmp1:
0x29: {  	s9 =	simm.s32 @!p0 $0x9;
	[sflag:s20] =	ssyncadd.s32 $0xFFFFD900;
	(pc) =	sbr.rel @!p1 .LBB2_5-.Ltmp1, $4  }
0x2a: {  	[hbm:s14], [sflag:s6] =	dma.local @!p0 [spmem:s10], $0x100  }
0x2b: {  	_ =	swait.ge @!p0 [sflag:s9], $0x100  }
0x2c: {  	[sflag:s9] =	ssyncset.done @!p0 $0x0  }
0x2d: {  	[sflag:s9] =	ssyncadd.s32 @!p0 $0xFFFFFF00  }
.LBB2_1:
0x2e: {  	s9 =	rddreg [dreg:$0x3]  }
0x2f: {  	s10 =	rddreg [dreg:$0x4];
	s9 =	sshrl.u32 s9, $0x3  }
0x30: {  	[spmem:s9], [sflag:s6] =	dma.local [hbm:s10], $0x2700  }
0x31: {  	_ =	swait.ge [sflag:s20], $0x2700  }
0x32: {  	[sflag:s20] =	ssyncset.done $0x0;
	s10 =	rddreg [dreg:$0x5]  }
0x33: {  	s11 =	rddreg [dreg:$0x6];
	[sflag:s20] =	ssyncadd.s32 $0xFFFFD900;
	s10 =	sshrl.u32 @!p0 s10, $0x3  }
0x34: {  	[spmem:s10], [sflag:s6] =	dma.local @!p0 [hbm:s11], $0x100  }
0x35: {  	s11 =	simm.s32 @!p0 $0x9  }
0x36: {  	_ =	swait.ge @!p0 [sflag:s11], $0x100  }
0x37: {  	[sflag:s11] =	ssyncset.done @!p0 $0x0  }
0x38: {  	[sflag:s11] =	ssyncadd.s32 @!p0 $0xFFFFFF00  }
0x39: {  	[bflag:$0x0] =	sbarrier.arrive $0xFFFF  }
0x3a: {  	s12 =	rddreg [dreg:$0x7]  }
0x3b: {  	[tilespmem:s2], [sflag:$0x9] =	stream.linear.gather [hbm4b:s12+s2], $0x80, $0x38;
	[tilespmem:$0x1BA80] =	vst v63  }
0x3c: {  	_ =	swait.ge [sflag:s20], $0x80  }
0x3d: {  	[sflag:s20] =	ssyncset.done $0x0  }
0x3e: {  	s13 =	rddreg [dreg:$0x8];
	[sflag:s20] =	ssyncadd.s32 $0xFFFFFF80  }
0x3f: {  	[tilespmem:s21], [sflag:$0x9] =	stream.linear.gather [hbm4b:s13+s2], $0x80, $0x38;
	[tilespmem:$0x1BA80] =	vst v63  }
0x40: {  	_ =	swait.ge [sflag:s20], $0x80  }
0x41: {  	[sflag:s20] =	ssyncset.done $0x0  }
0x42: {  	s12 =	rddreg [dreg:$0x9];
	[sflag:s20] =	ssyncadd.s32 $0xFFFFFF80  }
0x43: {  	[tilespmem:s22], [sflag:$0x7] =	stream.linear.gather [hbm4b:s12+s2], $0x80, $0x38;
	[tilespmem:$0x1BA80] =	vst v63  }
0x44: {  	s13 =	rddreg [dreg:$0xa]  }
0x45: {  	[tilespmem:s23], [sflag:$0x8] =	stream.linear.gather [hbm4b:s13+s2], $0x80, $0x38;
	[tilespmem:$0x1BA80] =	vst v63  }
0x46: {  	s11 =	simm.s32 $0x0  }
0x47: {  	[tilespmem:s25], [sflag:$0x1] =	stream.indirect.gather [hbm4b:s3+s24], $0x80, s2, s24, $0xb8;
	[tilespmem:$0x1BA80] =	vst v63  }
.LBB2_2:
0x48: {  	_ =	swait.ge [sflag:s26], $0x3E80  }
0x49: {  	p1 =	seq.s32 s11, $0x4E0;
	[sflag:s26] =	ssyncset.done $0x0  }
0x4a: {  	s12 =	sadd.s32 @!p1 s11, s19;
	s13 =	simm.s32 @!p1 $0x0;
	[sflag:s26] =	ssyncadd.s32 $0xFFFFC180  }
0x4b: {  	[tilespmem:s13], [sflag:$0x5] =	stream.linear.gather @!p1 [hbm4b:s12+s13], $0x80, $0x38;
	[tilespmem:$0x1BA80] =	vst v63  }
0x4c: {  	_ = 	snop  }
0x4d: {  	[spmem:s1] =	stream.indirect.scatter.add.f32 [tilespmem:s25], [sflag:$0x3], $0x80, s21, s24, $0xb8;
	[tilespmem:$0x1BA80] =	vst v63  }
0x4e: {  	_ =	swait.ge [sflag:s28], $0x80  }
0x4f: {  	[sflag:s28] =	ssyncset.done $0x0  }
0x50: {  	[sflag:s28] =	ssyncadd.s32 $0xFFFFFF80  }
0x51: {  	_ =	swait.ge [sflag:s29], $0x80  }
0x52: {  	[sflag:s29] =	ssyncset.done $0x0  }
.Ltmp2:
0x53: {  	[sflag:s29] =	ssyncadd.s32 $0xFFFFFF80;
	(pc) =	sbr.rel @p1 .LBB2_4-.Ltmp2, $4  }
0x54: {  	[tilespmem:s30], [sflag:$0x2] =	stream.indirect.gather [hbm4b:s3+s24], $0x80, s22, s24, $0xb8;
	[tilespmem:$0x1BA80] =	vst v63  }
0x55: {  	_ =	swait.ge [sflag:s31], $0x3E80  }
0x56: {  	[sflag:s31] =	ssyncset.done $0x0  }
0x57: {  	[sflag:s31] =	ssyncadd.s32 $0xFFFFC180  }
0x58: {  	s12 =	sadd.s32 s11, s18  }
0x59: {  	[tilespmem:s21], [sflag:$0x6] =	stream.linear.gather [hbm4b:s12+s2], $0x80, $0x38;
	[tilespmem:$0x1BA80] =	vst v63  }
0x5a: {  	_ =	swait.ge [sflag:s0], $0x3E80  }
0x5b: {  	[sflag:s0] =	ssyncset.done $0x0  }
0x5c: {  	s13 =	sadd.s32 s11, s17;
	[sflag:s0] =	ssyncadd.s32 $0xFFFFC180  }
0x5d: {  	[tilespmem:s22], [sflag:$0x7] =	stream.linear.gather [hbm4b:s13+s2], $0x80, $0x38;
	[tilespmem:$0x1BA80] =	vst v63  }
0x5e: {  	_ = 	snop  }
0x5f: {  	[spmem:s1] =	stream.indirect.scatter.add.f32 [tilespmem:s30], [sflag:$0x4], $0x80, s23, s24, $0xb8;
	[tilespmem:$0x1BA80] =	vst v63  }
0x60: {  	_ =	swait.ge [sflag:s5], $0x80  }
0x61: {  	[sflag:s5] =	ssyncset.done $0x0  }
0x62: {  	[sflag:s5] =	ssyncadd.s32 $0xFFFFFF80  }
0x63: {  	_ =	swait.ge [sflag:s7], $0x80  }
0x64: {  	[sflag:s7] =	ssyncset.done $0x0  }
0x65: {  	[sflag:s7] =	ssyncadd.s32 $0xFFFFFF80  }
0x66: {  	[tilespmem:s25], [sflag:$0x1] =	stream.indirect.gather [hbm4b:s3+s24], $0x80, s2, s24, $0xb8;
	[tilespmem:$0x1BA80] =	vst v63  }
.Ltmp3:
0x67: {  	_ = 	snop;
	(pc) =	sbr.rel .LBB2_2-.Ltmp3, $4  }
0x68: {  	_ =	swait.ge [sflag:s4], $0x3E80  }
0x69: {  	[sflag:s4] =	ssyncset.done $0x0  }
0x6a: {  	s13 =	sadd.s32 s11, s16;
	s11 =	sadd.s32 $0x20, s11;
	[sflag:s4] =	ssyncadd.s32 $0xFFFFC180  }
0x6b: {  	[tilespmem:s23], [sflag:$0x8] =	stream.linear.gather [hbm4b:s13+s2], $0x80, $0x38;
	[tilespmem:$0x1BA80] =	vst v63  }
.LBB2_5:
0x6c: {  	_ =	sfence.sel $0x180000  }
0x6d: {  	[bflag:$0x0] =	sbarrier.arrive $0xFFFF  }
0x6e: {  	_ =	strace $0x90000047  }
0x6f: {  	[bflag:$0x2] =	sbarrier.arrive $0xFFFF  }
0x70: {  	s0 =	rddreg [dreg:$0x2]  }
0x71: {  	s0 =	sadd.s32 @!p0 $0x100000, s0  }
0x72: {  	[sflag:s0] =	ssyncadd.tile.s32 @!p0 $0x1;
	_ =	shalt  }
.Lfunc_end2:
_tile_overlayer_lowered:
.L_overlay_start_2:
0x73: {  	(tag) =	ssettag $0x2  }
0x74: {  	s0 =	rddreg [dreg:$0x0];
	s2 =	stileid.u32  }
0x75: {  	s1 =	rddreg [dreg:$0x1];
	p0 =	sne.s32 s2, $0x0  }
0x76: {  	s3 =	rddreg [dreg:$0x2];
	[bflag:$0x3] =	sbarrier.arrive $0xFFFF;
	s2 =	simm.s32 @!p0 $0x1C09  }
0x77: {  	[timem:s3], [sflag:s2] =	dma.local @!p0 [hbm:s0], s1  }
0x78: {  	s0 =	simm.s32 @!p0 $0x9  }
0x79: {  	_ =	swait.ge @!p0 [sflag:s0], s1  }
0x7a: {  	s1 =	ssub.s32 @!p0 $0x0, s1;
	[sflag:s0] =	ssyncset.done @!p0 $0x0  }
0x7b: {  	[sflag:s0] =	ssyncadd.s32 @!p0 s1  }
0x7c: {  	[bflag:$0x3] =	sbarrier.arrive $0xFFFF  }
0x7d: {  	_ =	shalt  }

</sc_bundles>
